<compile_context>
chip_gen: v7x
topology: tpu7x:2x2x1
jax: 0.10.2.dev20260603
libtpu: 0.0.44.dev20260713+nightly
codegen_flags: <defaults>
</compile_context>

<pallas_src>
import functools

import jax
import jax.numpy as jnp
from jax import lax
from jax.experimental import pallas as pl
from jax.experimental.pallas import tpu as pltpu
from jax.experimental.pallas import tpu_sc as plsc

_NC = 2
_NS = 16
_NW = _NC * _NS
_K = 128
_GAR = 240


def _sc_mesh():
    return plsc.VectorSubcoreMesh(
        core_axis_name="c", subcore_axis_name="s",
        num_cores=_NC, num_subcores=_NS)


def _degree_sc(ei3, n):
    rw = ei3.shape[0] // _NW
    n_acc = n + _GAR
    half = n_acc // 2
    hbuf = (half + 15) // 16 * 16
    obase = hbuf
    obuf = (_K + 15) // 16 * 16

    @functools.partial(
        pl.kernel,
        out_type=(jax.ShapeDtypeStruct((n_acc,), jnp.float32),
                  jax.ShapeDtypeStruct((n_acc,), jnp.float32)),
        mesh=_sc_mesh(),
        scratch_types=[
            pltpu.VMEM((rw, 8, _K), jnp.int32),
            pltpu.VMEM((hbuf + obuf,), jnp.float32),
            pltpu.VMEM_SHARED((n_acc,), jnp.float32),
        ],
    )
    def run(ei_hbm, deg0_hbm, deg1_hbm, idx_v, ones_v, deg_sh):
        c = lax.axis_index("c")
        s = lax.axis_index("s")
        w = s * _NC + c

        def fill(i, carry):
            ones_v[pl.ds(pl.multiple_of(i * 16, 16), 16)] = jnp.full(
                (16,), 0.5, jnp.float32)
            return carry
        lax.fori_loop(0, hbuf // 16, fill, 0)

        def fill1(i, carry):
            ones_v[pl.ds(pl.multiple_of(obase + i * 16, 16), 16)] = jnp.ones(
                (16,), jnp.float32)
            return carry
        lax.fori_loop(0, obuf // 16, fill1, 0)

        @pl.when(s == 0)
        def _():
            pltpu.sync_copy(ones_v.at[pl.ds(0, half)], deg_sh.at[pl.ds(0, half)])

        @pl.when(s == 1)
        def _():
            pltpu.sync_copy(ones_v.at[pl.ds(0, half)],
                            deg_sh.at[pl.ds(half, half)])

        pltpu.sync_copy(ei_hbm.at[pl.ds(w * rw, rw)], idx_v)
        plsc.subcore_barrier()

        ones_k = ones_v.at[pl.ds(obase, _K)]

        def step(r, carry):
            for q in range(4):
                pltpu.sync_copy(ones_k, deg_sh.at[idx_v.at[r, 2 * q + 1]],
                                add=True)
            return carry
        lax.fori_loop(0, rw, step, 0)

        plsc.subcore_barrier()

        @pl.when(jnp.logical_and(s == 0, c == 0))
        def _():
            pltpu.sync_copy(deg_sh, deg0_hbm)

        @pl.when(jnp.logical_and(s == 0, c == 1))
        def _():
            pltpu.sync_copy(deg_sh, deg1_hbm)

    return run(ei3)


def _segsum_sc(ei3, y):
    rw = ei3.shape[0] // _NW
    n, d = y.shape
    rpt = -(-n // (_NS * 128)) * 128
    n_pad = rpt * _NS

    hrows = rw // 2

    @functools.partial(
        pl.kernel,
        out_type=jax.ShapeDtypeStruct((_NC, n_pad, d), jnp.float32),
        mesh=_sc_mesh(),
        scratch_types=[
            pltpu.VMEM((hrows, 8, _K), jnp.int32),
            pltpu.VMEM((2, _K, d), jnp.float32),
            pltpu.VMEM_SHARED((n_pad, d), jnp.float32),
            pltpu.SemaphoreType.DMA,
            pltpu.SemaphoreType.DMA,
        ],
    )
    def run(ei_hbm, y_hbm, out_hbm, idx_v, rows_v, acc_sh, sem0, sem1):
        c = lax.axis_index("c")
        s = lax.axis_index("s")
        w = s * _NC + c

        def zrow(i, carry):
            for jj in range(8):
                rows_v[0, i, pl.ds(jj * 16, 16)] = jnp.zeros((16,), jnp.float32)
            return carry
        lax.fori_loop(0, _K, zrow, 0)
        for k in range(rpt // 128):
            pltpu.sync_copy(rows_v.at[0],
                            acc_sh.at[pl.ds(s * rpt + k * 128, 128)])
        plsc.subcore_barrier()

        gb = (rows_v.at[0], rows_v.at[1])
        sems = (sem0, sem1)
        for h in range(2):
            pltpu.sync_copy(ei_hbm.at[pl.ds(w * rw + h * hrows, hrows)], idx_v)

            pltpu.async_copy(y_hbm.at[idx_v.at[0, 0]], gb[0], sems[0])
            pltpu.async_copy(y_hbm.at[idx_v.at[0, 2]], gb[1], sems[1])

            def step(r, carry):
                for q in range(4):
                    b = q % 2
                    pltpu.make_async_copy(
                        y_hbm.at[idx_v.at[r, 2 * q]], gb[b], sems[b]).wait()
                    pltpu.sync_copy(gb[b], acc_sh.at[idx_v.at[r, 2 * q + 1]],
                                    add=True)
                    if q < 2:
                        pltpu.async_copy(
                            y_hbm.at[idx_v.at[r, 2 * q + 4]], gb[b], sems[b])
                    else:

                        @pl.when(r + 1 < hrows)
                        def _():
                            pltpu.async_copy(
                                y_hbm.at[idx_v.at[r + 1, 2 * q - 4]],
                                gb[b], sems[b])
                return carry
            lax.fori_loop(0, hrows, step, 0)

        plsc.subcore_barrier()
        pltpu.sync_copy(acc_sh.at[pl.ds(s * rpt, rpt)],
                        out_hbm.at[c, pl.ds(s * rpt, rpt)])

    return run(ei3, y)


_BR = 2000


def _mm_tc(x, w):
    n, d = x.shape

    def body(x_ref, w_ref, o_ref):
        o_ref[...] = jnp.dot(x_ref[...], w_ref[...],
                             preferred_element_type=jnp.float32)

    return pl.pallas_call(
        body,
        grid=(n // _BR,),
        in_specs=[
            pl.BlockSpec((_BR, d), lambda i: (i, 0)),
            pl.BlockSpec((d, d), lambda i: (0, 0)),
        ],
        out_specs=pl.BlockSpec((_BR, d), lambda i: (i, 0)),
        out_shape=jax.ShapeDtypeStruct((n, d), jnp.float32),
    )(x, w)


def _scale_tc(xw, deg_t):
    n, d = xw.shape

    def body(x_ref, deg_ref, o_ref):
        dinv = lax.rsqrt(deg_ref[:, :1] + deg_ref[:, 1:2])
        o_ref[...] = x_ref[...] * dinv

    return pl.pallas_call(
        body,
        grid=(n // _BR,),
        in_specs=[
            pl.BlockSpec((_BR, d), lambda i: (i, 0)),
            pl.BlockSpec((_BR, 2), lambda i: (i, 0)),
        ],
        out_specs=pl.BlockSpec((_BR, d), lambda i: (i, 0)),
        out_shape=jax.ShapeDtypeStruct((n, d), jnp.float32),
    )(xw, deg_t)


def _mid_layer_tc(acc, y1, deg_t, b, w):
    n, d = y1.shape

    def body(acc_ref, y1_ref, deg_ref, b_ref, w_ref, o_ref):
        dinv = lax.rsqrt(deg_ref[:, :1] + deg_ref[:, 1:2])
        tot = acc_ref[0] + acc_ref[1] + y1_ref[...]
        h = jnp.maximum(tot * dinv + b_ref[...], 0.0)
        y2 = jnp.dot(h, w_ref[...], preferred_element_type=jnp.float32)
        o_ref[...] = y2 * dinv

    return pl.pallas_call(
        body,
        grid=(n // _BR,),
        in_specs=[
            pl.BlockSpec((_NC, _BR, d), lambda i: (0, i, 0)),
            pl.BlockSpec((_BR, d), lambda i: (i, 0)),
            pl.BlockSpec((_BR, 2), lambda i: (i, 0)),
            pl.BlockSpec((1, d), lambda i: (0, 0)),
            pl.BlockSpec((d, d), lambda i: (0, 0)),
        ],
        out_specs=pl.BlockSpec((_BR, d), lambda i: (i, 0)),
        out_shape=jax.ShapeDtypeStruct((n, d), jnp.float32),
    )(acc, y1, deg_t, b, w)


def _final_tc(acc, y2, deg_t, b):
    n, d = y2.shape

    def body(acc_ref, y2_ref, deg_ref, b_ref, o_ref):
        dinv = lax.rsqrt(deg_ref[:, :1] + deg_ref[:, 1:2])
        tot = acc_ref[0] + acc_ref[1] + y2_ref[...]
        o_ref[...] = jnp.maximum(tot * dinv + b_ref[...], 0.0)

    return pl.pallas_call(
        body,
        grid=(n // _BR,),
        in_specs=[
            pl.BlockSpec((_NC, _BR, d), lambda i: (0, i, 0)),
            pl.BlockSpec((_BR, d), lambda i: (i, 0)),
            pl.BlockSpec((_BR, 2), lambda i: (i, 0)),
            pl.BlockSpec((1, d), lambda i: (0, 0)),
        ],
        out_specs=pl.BlockSpec((_BR, d), lambda i: (i, 0)),
        out_shape=jax.ShapeDtypeStruct((n, d), jnp.float32),
    )(acc, y2, deg_t, b)


def kernel(edge_index, x, W1, b1, W2, b2):
    n, d = x.shape
    e = edge_index.shape[1]

    nch = 4 * -(-e // (_NW * _K * 4))
    e_pad = _NW * nch * _K
    assert n % _NS == 0 and ((n + _GAR) // 2) % 8 == 0 and n % _BR == 0

    ar = jnp.arange(e_pad - e, dtype=edge_index.dtype)
    pad_blk = jnp.stack([ar % n, n + ar % _GAR], axis=0)
    ei_p = jnp.concatenate([edge_index, pad_blk], axis=1)
    ei3 = (ei_p.reshape(2, e_pad // _K, _K)
           .transpose(1, 0, 2)
           .reshape(e_pad // (4 * _K), 8, _K))

    deg0, deg1 = _degree_sc(ei3, n)
    deg_t = jnp.stack([deg0[:n], deg1[:n]], axis=1)
    b1r = b1.reshape(1, d)
    b2r = b2.reshape(1, d)

    xw1 = _mm_tc(x, W1)
    y1 = _scale_tc(xw1, deg_t)
    acc1 = _segsum_sc(ei3, y1)
    y2 = _mid_layer_tc(acc1, y1, deg_t, b1r, W2)
    acc2 = _segsum_sc(ei3, y2)
    return _final_tc(acc2, y2, deg_t, b2r)

# --- scband reference (transcript-rebuilt; emitter-appended) ---
"""Pipeline reference for scband-my-gcn-67164698575202 (READ-ONLY COPY).

The authoritative reference and input builder live on the scoring server;
editing this copy changes nothing except your own understanding.
"""

import jax, jax.numpy as jnp
import numpy as np

N = 10000
E = 320000
D = 128


def setup_inputs(seed: int = 0) -> dict:
    key = jax.random.key(seed)
    k1, k2, k3, k4, k5, k6 = jax.random.split(key, 6)
    x = jax.random.normal(k1, (N, D), dtype=jnp.float32)
    edge_index = jax.random.randint(k2, (2, E), 0, N, dtype=jnp.int32)
    # GCNConv layer parameters (glorot-ish init), two layers as in MyGCN(layer_num=2)
    scale = float(np.sqrt(2.0 / (D + D)))
    W1 = jax.random.normal(k3, (D, D), dtype=jnp.float32) * scale
    b1 = jnp.zeros((D,), dtype=jnp.float32)
    W2 = jax.random.normal(k4, (D, D), dtype=jnp.float32) * scale
    b2 = jnp.zeros((D,), dtype=jnp.float32)
    return {"edge_index": edge_index, "x": x, "W1": W1, "b1": b1, "W2": W2, "b2": b2}


def _gcn_conv(x, edge_index, W, b):
    # PyG GCNConv: x' = D^{-1/2} (A + I) D^{-1/2} X W + b, with added self-loops
    n = x.shape[0]
    loop = jnp.arange(n, dtype=edge_index.dtype)
    src = jnp.concatenate([edge_index[0], loop])
    dst = jnp.concatenate([edge_index[1], loop])
    xw = x @ W
    deg = jax.ops.segment_sum(jnp.ones(src.shape[0], dtype=xw.dtype), dst, num_segments=n)
    dinv = jnp.where(deg > 0, 1.0 / jnp.sqrt(deg), 0.0)
    norm = dinv[src] * dinv[dst]
    msg = xw[src] * norm[:, None]
    out = jax.ops.segment_sum(msg, dst, num_segments=n)
    return out + b


def reference(edge_index, x, W1, b1, W2, b2):
    h = jax.nn.relu(_gcn_conv(x, edge_index, W1, b1))
    h = jax.nn.relu(_gcn_conv(h, edge_index, W2, b2))
    return h

if __name__ == "__main__":
    import jax
    _d = setup_inputs()
    print(jax.jit(kernel)(*tuple(_d.values())))

</pallas_src>

<mosaic_0001>
#map = affine_map<(d0, d1) -> (0, 0, 0)>
#map1 = affine_map<(d0, d1) -> (0)>
module attributes {stable_mosaic.version = 14 : i64} {
  func.func @run(%arg0: i32, %arg1: i32, %arg2: memref<640x8x128xi32, #tpu.memory_space<hbm>>, %arg3: memref<10240xf32, #tpu.memory_space<hbm>>, %arg4: memref<10240xf32, #tpu.memory_space<hbm>>, %arg5: memref<20x8x128xi32, #tpu.memory_space<vmem>>, %arg6: memref<5248xf32, #tpu.memory_space<vmem>>, %arg7: memref<10240xf32, #tpu.memory_space<vmem_shared>>) attributes {dimension_semantics = [#tpu.dimension_semantics<core_parallel>, #tpu.dimension_semantics<subcore_parallel>], iteration_bounds = array<i64: 2, 16>, scalar_prefetch = 0 : i64, scratch_operands = 3 : i64, tpu.core_type = #tpu.core_type<sc_vector_subcore>, window_params = [{transform_indices = #map}, {transform_indices = #map1}, {transform_indices = #map1}]} {
    %mul3A = arith.constant 2 : i32
    %mul3A_0 = arith.muli %arg1, %mul3A : i32
    %add3A = arith.addi %mul3A_0, %arg0 : i32
    %scan3A = arith.constant 0 : i32
    %scan3A_1 = arith.constant 0 : i32
    %scan3A_2 = arith.constant 320 : i32
    %scan3A_3 = arith.addi %scan3A_1, %scan3A_2 : i32
    %scan3A_4 = arith.constant 1 : i32
    scf.for %scan3A_43 = %scan3A_1 to %scan3A_3 step %scan3A_4  : i32 {
      %broadcast_in_dim3A = arith.constant 5.000000e-01 : f32
      %broadcast_in_dim3A_44 = vector.broadcast %broadcast_in_dim3A : f32 to vector<16xf32>
      %mul3A_45 = arith.constant 16 : i32
      %mul3A_46 = arith.muli %scan3A_43, %mul3A_45 : i32
      %multiple_of3A = tpu.assume_multiple %mul3A_46, 16 : i32
      %swap3A = arith.index_cast %multiple_of3A : i32 to index
      %swap3A_47 = tpu.vector_load %arg6[%swap3A] {strides = array<i32>} : memref<5248xf32, #tpu.memory_space<vmem>>, vector<16xf32>,
      %swap3A_48 = vector.shape_cast %swap3A_47 : vector<16xf32> to vector<16xf32>
      %swap3A_49 = vector.shape_cast %broadcast_in_dim3A_44 : vector<16xf32> to vector<16xf32>
      tpu.vector_store %arg6[%swap3A], %swap3A_49 {strides = array<i32>} : memref<5248xf32, #tpu.memory_space<vmem>>, vector<16xf32>,
    }
    %scan3A_5 = arith.constant 320 : i32
    %scan3A_6 = arith.constant 0 : i32
    %scan3A_7 = arith.constant 0 : i32
    %scan3A_8 = arith.constant 8 : i32
    %scan3A_9 = arith.addi %scan3A_7, %scan3A_8 : i32
    %scan3A_10 = arith.constant 1 : i32
    scf.for %scan3A_43 = %scan3A_7 to %scan3A_9 step %scan3A_10  : i32 {
      %broadcast_in_dim3A = arith.constant 1.000000e+00 : f32
      %broadcast_in_dim3A_44 = vector.broadcast %broadcast_in_dim3A : f32 to vector<16xf32>
      %mul3A_45 = arith.constant 16 : i32
      %mul3A_46 = arith.muli %scan3A_43, %mul3A_45 : i32
      %add3A_47 = arith.constant 5120 : i32
      %add3A_48 = arith.addi %add3A_47, %mul3A_46 : i32
      %multiple_of3A = tpu.assume_multiple %add3A_48, 16 : i32
      %swap3A = arith.index_cast %multiple_of3A : i32 to index
      %swap3A_49 = tpu.vector_load %arg6[%swap3A] {strides = array<i32>} : memref<5248xf32, #tpu.memory_space<vmem>>, vector<16xf32>,
      %swap3A_50 = vector.shape_cast %swap3A_49 : vector<16xf32> to vector<16xf32>
      %swap3A_51 = vector.shape_cast %broadcast_in_dim3A_44 : vector<16xf32> to vector<16xf32>
      tpu.vector_store %arg6[%swap3A], %swap3A_51 {strides = array<i32>} : memref<5248xf32, #tpu.memory_space<vmem>>, vector<16xf32>,
    }
    %scan3A_11 = arith.constant 8 : i32
    %eq3A = arith.constant 0 : i32
    %eq3A_12 = arith.cmpi eq, %arg1, %eq3A : i32
    %convert_element_type3A = arith.extui %eq3A_12 : i1 to i32
    %cond3A = arith.constant 0 : i32
    %cond3A_13 = arith.cmpi ne, %convert_element_type3A, %cond3A : i32
    scf.if %cond3A_13 {
      "tpu.region"() ({
        %run_scoped3A = tpu.sem_alloc : memref<!tpu.dma_semaphore, #tpu.memory_space<semaphore_mem>>
        %dma_start3A = arith.constant 0 : i32
        %dma_start3A_43 = tpu.memref_slice %arg6[%dma_start3A] : memref<5248xf32, #tpu.memory_space<vmem>> -> memref<5120xf32, #tpu.memory_space<vmem>>
        %dma_start3A_44 = arith.constant 0 : i32
        %dma_start3A_45 = tpu.memref_slice %arg7[%dma_start3A_44] : memref<10240xf32, #tpu.memory_space<vmem_shared>> -> memref<5120xf32, #tpu.memory_space<vmem_shared>>
        %dma_start3A_46 = arith.constant 0 : i32
        %dma_start3A_47 = tpu.memref_slice %arg7[%dma_start3A_46] : memref<10240xf32, #tpu.memory_space<vmem_shared>> -> memref<5120xf32, #tpu.memory_space<vmem_shared>>
        %dma_start3A_48 = arith.constant 0 : i32
        %dma_start3A_49 = tpu.memref_slice %arg6[%dma_start3A_48] : memref<5248xf32, #tpu.memory_space<vmem>> -> memref<5120xf32, #tpu.memory_space<vmem>>
        tpu.enqueue_dma source(%dma_start3A_49 : memref<5120xf32, #tpu.memory_space<vmem>>) target(%dma_start3A_47 : memref<5120xf32, #tpu.memory_space<vmem_shared>>) target_semaphore(%run_scoped3A : memref<!tpu.dma_semaphore, #tpu.memory_space<semaphore_mem>>)
        %dma_wait3A = arith.constant 0 : i32
        %dma_wait3A_50 = tpu.memref_slice %arg6[%dma_wait3A] : memref<5248xf32, #tpu.memory_space<vmem>> -> memref<5120xf32, #tpu.memory_space<vmem>>
        %dma_wait3A_51 = arith.constant 0 : i32
        %dma_wait3A_52 = tpu.memref_slice %arg7[%dma_wait3A_51] : memref<10240xf32, #tpu.memory_space<vmem_shared>> -> memref<5120xf32, #tpu.memory_space<vmem_shared>>
        %dma_wait3A_53 = arith.constant 0 : i32
        %dma_wait3A_54 = tpu.memref_slice %arg7[%dma_wait3A_53] : memref<10240xf32, #tpu.memory_space<vmem_shared>> -> memref<5120xf32, #tpu.memory_space<vmem_shared>>
        %dma_wait3A_55 = arith.constant 0 : i32
        %dma_wait3A_56 = tpu.memref_slice %arg6[%dma_wait3A_55] : memref<5248xf32, #tpu.memory_space<vmem>> -> memref<5120xf32, #tpu.memory_space<vmem>>
        tpu.wait_dma2 semaphore(%run_scoped3A : memref<!tpu.dma_semaphore, #tpu.memory_space<semaphore_mem>>) src(%dma_wait3A_56 : memref<5120xf32, #tpu.memory_space<vmem>>) dst(%dma_wait3A_54 : memref<5120xf32, #tpu.memory_space<vmem_shared>>)
        tpu.yield
      }) : () -> ()
    } else {
    }
    %eq3A_14 = arith.constant 1 : i32
    %eq3A_15 = arith.cmpi eq, %arg1, %eq3A_14 : i32
    %convert_element_type3A_16 = arith.extui %eq3A_15 : i1 to i32
    %cond3A_17 = arith.constant 0 : i32
    %cond3A_18 = arith.cmpi ne, %convert_element_type3A_16, %cond3A_17 : i32
    scf.if %cond3A_18 {
      "tpu.region"() ({
        %run_scoped3A = tpu.sem_alloc : memref<!tpu.dma_semaphore, #tpu.memory_space<semaphore_mem>>
        %dma_start3A = arith.constant 0 : i32
        %dma_start3A_43 = tpu.memref_slice %arg6[%dma_start3A] : memref<5248xf32, #tpu.memory_space<vmem>> -> memref<5120xf32, #tpu.memory_space<vmem>>
        %dma_start3A_44 = arith.constant 5120 : i32
        %dma_start3A_45 = tpu.memref_slice %arg7[%dma_start3A_44] : memref<10240xf32, #tpu.memory_space<vmem_shared>> -> memref<5120xf32, #tpu.memory_space<vmem_shared>>
        %dma_start3A_46 = arith.constant 5120 : i32
        %dma_start3A_47 = tpu.memref_slice %arg7[%dma_start3A_46] : memref<10240xf32, #tpu.memory_space<vmem_shared>> -> memref<5120xf32, #tpu.memory_space<vmem_shared>>
        %dma_start3A_48 = arith.constant 0 : i32
        %dma_start3A_49 = tpu.memref_slice %arg6[%dma_start3A_48] : memref<5248xf32, #tpu.memory_space<vmem>> -> memref<5120xf32, #tpu.memory_space<vmem>>
        tpu.enqueue_dma source(%dma_start3A_49 : memref<5120xf32, #tpu.memory_space<vmem>>) target(%dma_start3A_47 : memref<5120xf32, #tpu.memory_space<vmem_shared>>) target_semaphore(%run_scoped3A : memref<!tpu.dma_semaphore, #tpu.memory_space<semaphore_mem>>)
        %dma_wait3A = arith.constant 0 : i32
        %dma_wait3A_50 = tpu.memref_slice %arg6[%dma_wait3A] : memref<5248xf32, #tpu.memory_space<vmem>> -> memref<5120xf32, #tpu.memory_space<vmem>>
        %dma_wait3A_51 = arith.constant 5120 : i32
        %dma_wait3A_52 = tpu.memref_slice %arg7[%dma_wait3A_51] : memref<10240xf32, #tpu.memory_space<vmem_shared>> -> memref<5120xf32, #tpu.memory_space<vmem_shared>>
        %dma_wait3A_53 = arith.constant 5120 : i32
        %dma_wait3A_54 = tpu.memref_slice %arg7[%dma_wait3A_53] : memref<10240xf32, #tpu.memory_space<vmem_shared>> -> memref<5120xf32, #tpu.memory_space<vmem_shared>>
        %dma_wait3A_55 = arith.constant 0 : i32
        %dma_wait3A_56 = tpu.memref_slice %arg6[%dma_wait3A_55] : memref<5248xf32, #tpu.memory_space<vmem>> -> memref<5120xf32, #tpu.memory_space<vmem>>
        tpu.wait_dma2 semaphore(%run_scoped3A : memref<!tpu.dma_semaphore, #tpu.memory_space<semaphore_mem>>) src(%dma_wait3A_56 : memref<5120xf32, #tpu.memory_space<vmem>>) dst(%dma_wait3A_54 : memref<5120xf32, #tpu.memory_space<vmem_shared>>)
        tpu.yield
      }) : () -> ()
    } else {
    }
    %mul3A_19 = arith.constant 20 : i32
    %mul3A_20 = arith.muli %add3A, %mul3A_19 : i32
    "tpu.region"() ({
      %run_scoped3A = tpu.sem_alloc : memref<!tpu.dma_semaphore, #tpu.memory_space<semaphore_mem>>
      %dma_start3A = arith.constant 0 : i32
      %dma_start3A_43 = arith.constant 0 : i32
      %dma_start3A_44 = tpu.memref_slice %arg2[%mul3A_20, %dma_start3A, %dma_start3A_43] : memref<640x8x128xi32, #tpu.memory_space<hbm>> -> memref<20x8x128xi32, #tpu.memory_space<hbm>>
      %dma_start3A_45 = arith.constant 0 : i32
      %dma_start3A_46 = arith.constant 0 : i32
      %dma_start3A_47 = tpu.memref_slice %arg2[%mul3A_20, %dma_start3A_45, %dma_start3A_46] : memref<640x8x128xi32, #tpu.memory_space<hbm>> -> memref<20x8x128xi32, #tpu.memory_space<hbm>>
      tpu.enqueue_dma source(%dma_start3A_47 : memref<20x8x128xi32, #tpu.memory_space<hbm>>) target(%arg5 : memref<20x8x128xi32, #tpu.memory_space<vmem>>) target_semaphore(%run_scoped3A : memref<!tpu.dma_semaphore, #tpu.memory_space<semaphore_mem>>)
      %dma_wait3A = arith.constant 0 : i32
      %dma_wait3A_48 = arith.constant 0 : i32
      %dma_wait3A_49 = tpu.memref_slice %arg2[%mul3A_20, %dma_wait3A, %dma_wait3A_48] : memref<640x8x128xi32, #tpu.memory_space<hbm>> -> memref<20x8x128xi32, #tpu.memory_space<hbm>>
      %dma_wait3A_50 = arith.constant 0 : i32
      %dma_wait3A_51 = arith.constant 0 : i32
      %dma_wait3A_52 = tpu.memref_slice %arg2[%mul3A_20, %dma_wait3A_50, %dma_wait3A_51] : memref<640x8x128xi32, #tpu.memory_space<hbm>> -> memref<20x8x128xi32, #tpu.memory_space<hbm>>
      tpu.wait_dma2 semaphore(%run_scoped3A : memref<!tpu.dma_semaphore, #tpu.memory_space<semaphore_mem>>) src(%dma_wait3A_52 : memref<20x8x128xi32, #tpu.memory_space<hbm>>) dst(%arg5 : memref<20x8x128xi32, #tpu.memory_space<vmem>>)
      tpu.yield
    }) : () -> ()
    %barrier3A = arith.constant 0 : index
    tpu.barrier barrier_id(%barrier3A)
    %scan3A_21 = arith.constant 0 : i32
    %scan3A_22 = arith.constant 0 : i32
    %scan3A_23 = arith.constant 20 : i32
    %scan3A_24 = arith.addi %scan3A_22, %scan3A_23 : i32
    %scan3A_25 = arith.constant 1 : i32
    scf.for %scan3A_43 = %scan3A_22 to %scan3A_24 step %scan3A_25  : i32 {
      %run_scoped3A = arith.constant 1 : i32
      "tpu.region"() ({
        %run_scoped3A_47 = tpu.sem_alloc : memref<!tpu.dma_semaphore, #tpu.memory_space<semaphore_mem>>
        %dma_start3A = arith.constant 5120 : i32
        %dma_start3A_48 = tpu.memref_slice %arg6[%dma_start3A] : memref<5248xf32, #tpu.memory_space<vmem>> -> memref<128xf32, #tpu.memory_space<vmem>>
        %dma_start3A_49 = arith.constant 0 : i32
        %dma_start3A_50 = tpu.memref_slice %arg5[%scan3A_43, %run_scoped3A, %dma_start3A_49] : memref<20x8x128xi32, #tpu.memory_space<vmem>> -> memref<1x1x128xi32, #tpu.memory_space<vmem>>
        %dma_start3A_51 = tpu.memref_squeeze %dma_start3A_50 : memref<1x1x128xi32, #tpu.memory_space<vmem>> -> memref<128xi32, #tpu.memory_space<vmem>>
        %dma_start3A_52 = arith.constant 0 : i32
        %dma_start3A_53 = tpu.memref_slice %arg7[%dma_start3A_52] : memref<10240xf32, #tpu.memory_space<vmem_shared>> -> memref<10240xf32, #tpu.memory_space<vmem_shared>>
        tpu.enqueue_indirect_dma source(%dma_start3A_48 : memref<128xf32, #tpu.memory_space<vmem>>) target(%dma_start3A_53 : memref<10240xf32, #tpu.memory_space<vmem_shared>>) offsets(%dma_start3A_51 : memref<128xi32, #tpu.memory_space<vmem>>) semaphore(%run_scoped3A_47 : memref<!tpu.dma_semaphore, #tpu.memory_space<semaphore_mem>>) {add = true}
        %dma_wait3A = arith.constant 5120 : i32
        %dma_wait3A_54 = tpu.memref_slice %arg6[%dma_wait3A] : memref<5248xf32, #tpu.memory_space<vmem>> -> memref<128xf32, #tpu.memory_space<vmem>>
        %dma_wait3A_55 = arith.constant 0 : i32
        %dma_wait3A_56 = tpu.memref_slice %arg5[%scan3A_43, %run_scoped3A, %dma_wait3A_55] : memref<20x8x128xi32, #tpu.memory_space<vmem>> -> memref<1x1x128xi32, #tpu.memory_space<vmem>>
        %dma_wait3A_57 = tpu.memref_squeeze %dma_wait3A_56 : memref<1x1x128xi32, #tpu.memory_space<vmem>> -> memref<128xi32, #tpu.memory_space<vmem>>
        %dma_wait3A_58 = arith.constant 0 : i32
        %dma_wait3A_59 = tpu.memref_slice %arg7[%dma_wait3A_58] : memref<10240xf32, #tpu.memory_space<vmem_shared>> -> memref<10240xf32, #tpu.memory_space<vmem_shared>>
        tpu.wait_indirect_dma semaphore(%run_scoped3A_47 : memref<!tpu.dma_semaphore, #tpu.memory_space<semaphore_mem>>) src(%dma_wait3A_54 : memref<128xf32, #tpu.memory_space<vmem>>) dst(%dma_wait3A_59 : memref<10240xf32, #tpu.memory_space<vmem_shared>>)
        tpu.yield
      }) : () -> ()
      %run_scoped3A_44 = arith.constant 3 : i32
      "tpu.region"() ({
        %run_scoped3A_47 = tpu.sem_alloc : memref<!tpu.dma_semaphore, #tpu.memory_space<semaphore_mem>>
        %dma_start3A = arith.constant 5120 : i32
        %dma_start3A_48 = tpu.memref_slice %arg6[%dma_start3A] : memref<5248xf32, #tpu.memory_space<vmem>> -> memref<128xf32, #tpu.memory_space<vmem>>
        %dma_start3A_49 = arith.constant 0 : i32
        %dma_start3A_50 = tpu.memref_slice %arg5[%scan3A_43, %run_scoped3A_44, %dma_start3A_49] : memref<20x8x128xi32, #tpu.memory_space<vmem>> -> memref<1x1x128xi32, #tpu.memory_space<vmem>>
        %dma_start3A_51 = tpu.memref_squeeze %dma_start3A_50 : memref<1x1x128xi32, #tpu.memory_space<vmem>> -> memref<128xi32, #tpu.memory_space<vmem>>
        %dma_start3A_52 = arith.constant 0 : i32
        %dma_start3A_53 = tpu.memref_slice %arg7[%dma_start3A_52] : memref<10240xf32, #tpu.memory_space<vmem_shared>> -> memref<10240xf32, #tpu.memory_space<vmem_shared>>
        tpu.enqueue_indirect_dma source(%dma_start3A_48 : memref<128xf32, #tpu.memory_space<vmem>>) target(%dma_start3A_53 : memref<10240xf32, #tpu.memory_space<vmem_shared>>) offsets(%dma_start3A_51 : memref<128xi32, #tpu.memory_space<vmem>>) semaphore(%run_scoped3A_47 : memref<!tpu.dma_semaphore, #tpu.memory_space<semaphore_mem>>) {add = true}
        %dma_wait3A = arith.constant 5120 : i32
        %dma_wait3A_54 = tpu.memref_slice %arg6[%dma_wait3A] : memref<5248xf32, #tpu.memory_space<vmem>> -> memref<128xf32, #tpu.memory_space<vmem>>
        %dma_wait3A_55 = arith.constant 0 : i32
        %dma_wait3A_56 = tpu.memref_slice %arg5[%scan3A_43, %run_scoped3A_44, %dma_wait3A_55] : memref<20x8x128xi32, #tpu.memory_space<vmem>> -> memref<1x1x128xi32, #tpu.memory_space<vmem>>
        %dma_wait3A_57 = tpu.memref_squeeze %dma_wait3A_56 : memref<1x1x128xi32, #tpu.memory_space<vmem>> -> memref<128xi32, #tpu.memory_space<vmem>>
        %dma_wait3A_58 = arith.constant 0 : i32
        %dma_wait3A_59 = tpu.memref_slice %arg7[%dma_wait3A_58] : memref<10240xf32, #tpu.memory_space<vmem_shared>> -> memref<10240xf32, #tpu.memory_space<vmem_shared>>
        tpu.wait_indirect_dma semaphore(%run_scoped3A_47 : memref<!tpu.dma_semaphore, #tpu.memory_space<semaphore_mem>>) src(%dma_wait3A_54 : memref<128xf32, #tpu.memory_space<vmem>>) dst(%dma_wait3A_59 : memref<10240xf32, #tpu.memory_space<vmem_shared>>)
        tpu.yield
      }) : () -> ()
      %run_scoped3A_45 = arith.constant 5 : i32
      "tpu.region"() ({
        %run_scoped3A_47 = tpu.sem_alloc : memref<!tpu.dma_semaphore, #tpu.memory_space<semaphore_mem>>
        %dma_start3A = arith.constant 5120 : i32
        %dma_start3A_48 = tpu.memref_slice %arg6[%dma_start3A] : memref<5248xf32, #tpu.memory_space<vmem>> -> memref<128xf32, #tpu.memory_space<vmem>>
        %dma_start3A_49 = arith.constant 0 : i32
        %dma_start3A_50 = tpu.memref_slice %arg5[%scan3A_43, %run_scoped3A_45, %dma_start3A_49] : memref<20x8x128xi32, #tpu.memory_space<vmem>> -> memref<1x1x128xi32, #tpu.memory_space<vmem>>
        %dma_start3A_51 = tpu.memref_squeeze %dma_start3A_50 : memref<1x1x128xi32, #tpu.memory_space<vmem>> -> memref<128xi32, #tpu.memory_space<vmem>>
        %dma_start3A_52 = arith.constant 0 : i32
        %dma_start3A_53 = tpu.memref_slice %arg7[%dma_start3A_52] : memref<10240xf32, #tpu.memory_space<vmem_shared>> -> memref<10240xf32, #tpu.memory_space<vmem_shared>>
        tpu.enqueue_indirect_dma source(%dma_start3A_48 : memref<128xf32, #tpu.memory_space<vmem>>) target(%dma_start3A_53 : memref<10240xf32, #tpu.memory_space<vmem_shared>>) offsets(%dma_start3A_51 : memref<128xi32, #tpu.memory_space<vmem>>) semaphore(%run_scoped3A_47 : memref<!tpu.dma_semaphore, #tpu.memory_space<semaphore_mem>>) {add = true}
        %dma_wait3A = arith.constant 5120 : i32
        %dma_wait3A_54 = tpu.memref_slice %arg6[%dma_wait3A] : memref<5248xf32, #tpu.memory_space<vmem>> -> memref<128xf32, #tpu.memory_space<vmem>>
        %dma_wait3A_55 = arith.constant 0 : i32
        %dma_wait3A_56 = tpu.memref_slice %arg5[%scan3A_43, %run_scoped3A_45, %dma_wait3A_55] : memref<20x8x128xi32, #tpu.memory_space<vmem>> -> memref<1x1x128xi32, #tpu.memory_space<vmem>>
        %dma_wait3A_57 = tpu.memref_squeeze %dma_wait3A_56 : memref<1x1x128xi32, #tpu.memory_space<vmem>> -> memref<128xi32, #tpu.memory_space<vmem>>
        %dma_wait3A_58 = arith.constant 0 : i32
        %dma_wait3A_59 = tpu.memref_slice %arg7[%dma_wait3A_58] : memref<10240xf32, #tpu.memory_space<vmem_shared>> -> memref<10240xf32, #tpu.memory_space<vmem_shared>>
        tpu.wait_indirect_dma semaphore(%run_scoped3A_47 : memref<!tpu.dma_semaphore, #tpu.memory_space<semaphore_mem>>) src(%dma_wait3A_54 : memref<128xf32, #tpu.memory_space<vmem>>) dst(%dma_wait3A_59 : memref<10240xf32, #tpu.memory_space<vmem_shared>>)
        tpu.yield
      }) : () -> ()
      %run_scoped3A_46 = arith.constant 7 : i32
      "tpu.region"() ({
        %run_scoped3A_47 = tpu.sem_alloc : memref<!tpu.dma_semaphore, #tpu.memory_space<semaphore_mem>>
        %dma_start3A = arith.constant 5120 : i32
        %dma_start3A_48 = tpu.memref_slice %arg6[%dma_start3A] : memref<5248xf32, #tpu.memory_space<vmem>> -> memref<128xf32, #tpu.memory_space<vmem>>
        %dma_start3A_49 = arith.constant 0 : i32
        %dma_start3A_50 = tpu.memref_slice %arg5[%scan3A_43, %run_scoped3A_46, %dma_start3A_49] : memref<20x8x128xi32, #tpu.memory_space<vmem>> -> memref<1x1x128xi32, #tpu.memory_space<vmem>>
        %dma_start3A_51 = tpu.memref_squeeze %dma_start3A_50 : memref<1x1x128xi32, #tpu.memory_space<vmem>> -> memref<128xi32, #tpu.memory_space<vmem>>
        %dma_start3A_52 = arith.constant 0 : i32
        %dma_start3A_53 = tpu.memref_slice %arg7[%dma_start3A_52] : memref<10240xf32, #tpu.memory_space<vmem_shared>> -> memref<10240xf32, #tpu.memory_space<vmem_shared>>
        tpu.enqueue_indirect_dma source(%dma_start3A_48 : memref<128xf32, #tpu.memory_space<vmem>>) target(%dma_start3A_53 : memref<10240xf32, #tpu.memory_space<vmem_shared>>) offsets(%dma_start3A_51 : memref<128xi32, #tpu.memory_space<vmem>>) semaphore(%run_scoped3A_47 : memref<!tpu.dma_semaphore, #tpu.memory_space<semaphore_mem>>) {add = true}
        %dma_wait3A = arith.constant 5120 : i32
        %dma_wait3A_54 = tpu.memref_slice %arg6[%dma_wait3A] : memref<5248xf32, #tpu.memory_space<vmem>> -> memref<128xf32, #tpu.memory_space<vmem>>
        %dma_wait3A_55 = arith.constant 0 : i32
        %dma_wait3A_56 = tpu.memref_slice %arg5[%scan3A_43, %run_scoped3A_46, %dma_wait3A_55] : memref<20x8x128xi32, #tpu.memory_space<vmem>> -> memref<1x1x128xi32, #tpu.memory_space<vmem>>
        %dma_wait3A_57 = tpu.memref_squeeze %dma_wait3A_56 : memref<1x1x128xi32, #tpu.memory_space<vmem>> -> memref<128xi32, #tpu.memory_space<vmem>>
        %dma_wait3A_58 = arith.constant 0 : i32
        %dma_wait3A_59 = tpu.memref_slice %arg7[%dma_wait3A_58] : memref<10240xf32, #tpu.memory_space<vmem_shared>> -> memref<10240xf32, #tpu.memory_space<vmem_shared>>
        tpu.wait_indirect_dma semaphore(%run_scoped3A_47 : memref<!tpu.dma_semaphore, #tpu.memory_space<semaphore_mem>>) src(%dma_wait3A_54 : memref<128xf32, #tpu.memory_space<vmem>>) dst(%dma_wait3A_59 : memref<10240xf32, #tpu.memory_space<vmem_shared>>)
        tpu.yield
      }) : () -> ()
    }
    %scan3A_26 = arith.constant 20 : i32
    %barrier3A_27 = arith.constant 0 : index
    tpu.barrier barrier_id(%barrier3A_27)
    %eq3A_28 = arith.constant 0 : i32
    %eq3A_29 = arith.cmpi eq, %arg1, %eq3A_28 : i32
    %eq3A_30 = arith.constant 0 : i32
    %eq3A_31 = arith.cmpi eq, %arg0, %eq3A_30 : i32
    %and3A = arith.andi %eq3A_29, %eq3A_31 : i1
    %convert_element_type3A_32 = arith.extui %and3A : i1 to i32
    %cond3A_33 = arith.constant 0 : i32
    %cond3A_34 = arith.cmpi ne, %convert_element_type3A_32, %cond3A_33 : i32
    scf.if %cond3A_34 {
      "tpu.region"() ({
        %run_scoped3A = tpu.sem_alloc : memref<!tpu.dma_semaphore, #tpu.memory_space<semaphore_mem>>
        tpu.enqueue_dma source(%arg7 : memref<10240xf32, #tpu.memory_space<vmem_shared>>) target(%arg3 : memref<10240xf32, #tpu.memory_space<hbm>>) target_semaphore(%run_scoped3A : memref<!tpu.dma_semaphore, #tpu.memory_space<semaphore_mem>>)
        tpu.wait_dma2 semaphore(%run_scoped3A : memref<!tpu.dma_semaphore, #tpu.memory_space<semaphore_mem>>) src(%arg7 : memref<10240xf32, #tpu.memory_space<vmem_shared>>) dst(%arg3 : memref<10240xf32, #tpu.memory_space<hbm>>)
        tpu.yield
      }) : () -> ()
    } else {
    }
    %eq3A_35 = arith.constant 0 : i32
    %eq3A_36 = arith.cmpi eq, %arg1, %eq3A_35 : i32
    %eq3A_37 = arith.constant 1 : i32
    %eq3A_38 = arith.cmpi eq, %arg0, %eq3A_37 : i32
    %and3A_39 = arith.andi %eq3A_36, %eq3A_38 : i1
    %convert_element_type3A_40 = arith.extui %and3A_39 : i1 to i32
    %cond3A_41 = arith.constant 0 : i32
    %cond3A_42 = arith.cmpi ne, %convert_element_type3A_40, %cond3A_41 : i32
    scf.if %cond3A_42 {
      "tpu.region"() ({
        %run_scoped3A = tpu.sem_alloc : memref<!tpu.dma_semaphore, #tpu.memory_space<semaphore_mem>>
        tpu.enqueue_dma source(%arg7 : memref<10240xf32, #tpu.memory_space<vmem_shared>>) target(%arg4 : memref<10240xf32, #tpu.memory_space<hbm>>) target_semaphore(%run_scoped3A : memref<!tpu.dma_semaphore, #tpu.memory_space<semaphore_mem>>)
        tpu.wait_dma2 semaphore(%run_scoped3A : memref<!tpu.dma_semaphore, #tpu.memory_space<semaphore_mem>>) src(%arg7 : memref<10240xf32, #tpu.memory_space<vmem_shared>>) dst(%arg4 : memref<10240xf32, #tpu.memory_space<hbm>>)
        tpu.yield
      }) : () -> ()
    } else {
    }
    return
  }
}

#map = affine_map<(d0, d1) -> (0, 0, 0)>
#map1 = affine_map<(d0, d1) -> (0, 0)>
module attributes {stable_mosaic.version = 14 : i64} {
  func.func @run(%arg0: i32, %arg1: i32, %arg2: memref<640x8x128xi32, #tpu.memory_space<hbm>>, %arg3: memref<10000x128xf32, #tpu.memory_space<hbm>>, %arg4: memref<2x10240x128xf32, #tpu.memory_space<hbm>>, %arg5: memref<10x8x128xi32, #tpu.memory_space<vmem>>, %arg6: memref<2x128x128xf32, #tpu.memory_space<vmem>>, %arg7: memref<10240x128xf32, #tpu.memory_space<vmem_shared>>, %arg8: memref<!tpu.dma_semaphore, #tpu.memory_space<semaphore_mem>>, %arg9: memref<!tpu.dma_semaphore, #tpu.memory_space<semaphore_mem>>) attributes {dimension_semantics = [#tpu.dimension_semantics<core_parallel>, #tpu.dimension_semantics<subcore_parallel>], iteration_bounds = array<i64: 2, 16>, scalar_prefetch = 0 : i64, scratch_operands = 5 : i64, tpu.core_type = #tpu.core_type<sc_vector_subcore>, window_params = [{transform_indices = #map}, {transform_indices = #map1}, {transform_indices = #map}]} {
    %mul3A = arith.constant 2 : i32
    %mul3A_0 = arith.muli %arg1, %mul3A : i32
    %add3A = arith.addi %mul3A_0, %arg0 : i32
    %scan3A = arith.constant 0 : i32
    %scan3A_1 = arith.constant 0 : i32
    %scan3A_2 = arith.constant 128 : i32
    %scan3A_3 = arith.addi %scan3A_1, %scan3A_2 : i32
    %scan3A_4 = arith.constant 1 : i32
    scf.for %scan3A_110 = %scan3A_1 to %scan3A_3 step %scan3A_4  : i32 {
      %broadcast_in_dim3A = arith.constant 0.000000e+00 : f32
      %broadcast_in_dim3A_111 = vector.broadcast %broadcast_in_dim3A : f32 to vector<16xf32>
      %swap3A = arith.constant 0 : i32
      %swap3A_112 = arith.index_cast %swap3A : i32 to index
      %swap3A_113 = arith.index_cast %scan3A_110 : i32 to index
      %swap3A_114 = arith.constant 0 : index
      %swap3A_115 = tpu.vector_load %arg6[%swap3A_112, %swap3A_113, %swap3A_114] {strides = array<i32>} : memref<2x128x128xf32, #tpu.memory_space<vmem>>, vector<1x1x16xf32>,
      %swap3A_116 = vector.shape_cast %swap3A_115 : vector<1x1x16xf32> to vector<16xf32>
      %swap3A_117 = vector.shape_cast %broadcast_in_dim3A_111 : vector<16xf32> to vector<1x1x16xf32>
      tpu.vector_store %arg6[%swap3A_112, %swap3A_113, %swap3A_114], %swap3A_117 {strides = array<i32>} : memref<2x128x128xf32, #tpu.memory_space<vmem>>, vector<1x1x16xf32>,
      %broadcast_in_dim3A_118 = arith.constant 0.000000e+00 : f32
      %broadcast_in_dim3A_119 = vector.broadcast %broadcast_in_dim3A_118 : f32 to vector<16xf32>
      %swap3A_120 = arith.constant 0 : i32
      %swap3A_121 = arith.index_cast %swap3A_120 : i32 to index
      %swap3A_122 = arith.index_cast %scan3A_110 : i32 to index
      %swap3A_123 = arith.constant 16 : index
      %swap3A_124 = tpu.vector_load %arg6[%swap3A_121, %swap3A_122, %swap3A_123] {strides = array<i32>} : memref<2x128x128xf32, #tpu.memory_space<vmem>>, vector<1x1x16xf32>,
      %swap3A_125 = vector.shape_cast %swap3A_124 : vector<1x1x16xf32> to vector<16xf32>
      %swap3A_126 = vector.shape_cast %broadcast_in_dim3A_119 : vector<16xf32> to vector<1x1x16xf32>
      tpu.vector_store %arg6[%swap3A_121, %swap3A_122, %swap3A_123], %swap3A_126 {strides = array<i32>} : memref<2x128x128xf32, #tpu.memory_space<vmem>>, vector<1x1x16xf32>,
      %broadcast_in_dim3A_127 = arith.constant 0.000000e+00 : f32
      %broadcast_in_dim3A_128 = vector.broadcast %broadcast_in_dim3A_127 : f32 to vector<16xf32>
      %swap3A_129 = arith.constant 0 : i32
      %swap3A_130 = arith.index_cast %swap3A_129 : i32 to index
      %swap3A_131 = arith.index_cast %scan3A_110 : i32 to index
      %swap3A_132 = arith.constant 32 : index
      %swap3A_133 = tpu.vector_load %arg6[%swap3A_130, %swap3A_131, %swap3A_132] {strides = array<i32>} : memref<2x128x128xf32, #tpu.memory_space<vmem>>, vector<1x1x16xf32>,
      %swap3A_134 = vector.shape_cast %swap3A_133 : vector<1x1x16xf32> to vector<16xf32>
      %swap3A_135 = vector.shape_cast %broadcast_in_dim3A_128 : vector<16xf32> to vector<1x1x16xf32>
      tpu.vector_store %arg6[%swap3A_130, %swap3A_131, %swap3A_132], %swap3A_135 {strides = array<i32>} : memref<2x128x128xf32, #tpu.memory_space<vmem>>, vector<1x1x16xf32>,
      %broadcast_in_dim3A_136 = arith.constant 0.000000e+00 : f32
      %broadcast_in_dim3A_137 = vector.broadcast %broadcast_in_dim3A_136 : f32 to vector<16xf32>
      %swap3A_138 = arith.constant 0 : i32
      %swap3A_139 = arith.index_cast %swap3A_138 : i32 to index
      %swap3A_140 = arith.index_cast %scan3A_110 : i32 to index
      %swap3A_141 = arith.constant 48 : index
      %swap3A_142 = tpu.vector_load %arg6[%swap3A_139, %swap3A_140, %swap3A_141] {strides = array<i32>} : memref<2x128x128xf32, #tpu.memory_space<vmem>>, vector<1x1x16xf32>,
      %swap3A_143 = vector.shape_cast %swap3A_142 : vector<1x1x16xf32> to vector<16xf32>
      %swap3A_144 = vector.shape_cast %broadcast_in_dim3A_137 : vector<16xf32> to vector<1x1x16xf32>
      tpu.vector_store %arg6[%swap3A_139, %swap3A_140, %swap3A_141], %swap3A_144 {strides = array<i32>} : memref<2x128x128xf32, #tpu.memory_space<vmem>>, vector<1x1x16xf32>,
      %broadcast_in_dim3A_145 = arith.constant 0.000000e+00 : f32
      %broadcast_in_dim3A_146 = vector.broadcast %broadcast_in_dim3A_145 : f32 to vector<16xf32>
      %swap3A_147 = arith.constant 0 : i32
      %swap3A_148 = arith.index_cast %swap3A_147 : i32 to index
      %swap3A_149 = arith.index_cast %scan3A_110 : i32 to index
      %swap3A_150 = arith.constant 64 : index
      %swap3A_151 = tpu.vector_load %arg6[%swap3A_148, %swap3A_149, %swap3A_150] {strides = array<i32>} : memref<2x128x128xf32, #tpu.memory_space<vmem>>, vector<1x1x16xf32>,
      %swap3A_152 = vector.shape_cast %swap3A_151 : vector<1x1x16xf32> to vector<16xf32>
      %swap3A_153 = vector.shape_cast %broadcast_in_dim3A_146 : vector<16xf32> to vector<1x1x16xf32>
      tpu.vector_store %arg6[%swap3A_148, %swap3A_149, %swap3A_150], %swap3A_153 {strides = array<i32>} : memref<2x128x128xf32, #tpu.memory_space<vmem>>, vector<1x1x16xf32>,
      %broadcast_in_dim3A_154 = arith.constant 0.000000e+00 : f32
      %broadcast_in_dim3A_155 = vector.broadcast %broadcast_in_dim3A_154 : f32 to vector<16xf32>
      %swap3A_156 = arith.constant 0 : i32
      %swap3A_157 = arith.index_cast %swap3A_156 : i32 to index
      %swap3A_158 = arith.index_cast %scan3A_110 : i32 to index
      %swap3A_159 = arith.constant 80 : index
      %swap3A_160 = tpu.vector_load %arg6[%swap3A_157, %swap3A_158, %swap3A_159] {strides = array<i32>} : memref<2x128x128xf32, #tpu.memory_space<vmem>>, vector<1x1x16xf32>,
      %swap3A_161 = vector.shape_cast %swap3A_160 : vector<1x1x16xf32> to vector<16xf32>
      %swap3A_162 = vector.shape_cast %broadcast_in_dim3A_155 : vector<16xf32> to vector<1x1x16xf32>
      tpu.vector_store %arg6[%swap3A_157, %swap3A_158, %swap3A_159], %swap3A_162 {strides = array<i32>} : memref<2x128x128xf32, #tpu.memory_space<vmem>>, vector<1x1x16xf32>,
      %broadcast_in_dim3A_163 = arith.constant 0.000000e+00 : f32
      %broadcast_in_dim3A_164 = vector.broadcast %broadcast_in_dim3A_163 : f32 to vector<16xf32>
      %swap3A_165 = arith.constant 0 : i32
      %swap3A_166 = arith.index_cast %swap3A_165 : i32 to index
      %swap3A_167 = arith.index_cast %scan3A_110 : i32 to index
      %swap3A_168 = arith.constant 96 : index
      %swap3A_169 = tpu.vector_load %arg6[%swap3A_166, %swap3A_167, %swap3A_168] {strides = array<i32>} : memref<2x128x128xf32, #tpu.memory_space<vmem>>, vector<1x1x16xf32>,
      %swap3A_170 = vector.shape_cast %swap3A_169 : vector<1x1x16xf32> to vector<16xf32>
      %swap3A_171 = vector.shape_cast %broadcast_in_dim3A_164 : vector<16xf32> to vector<1x1x16xf32>
      tpu.vector_store %arg6[%swap3A_166, %swap3A_167, %swap3A_168], %swap3A_171 {strides = array<i32>} : memref<2x128x128xf32, #tpu.memory_space<vmem>>, vector<1x1x16xf32>,
      %broadcast_in_dim3A_172 = arith.constant 0.000000e+00 : f32
      %broadcast_in_dim3A_173 = vector.broadcast %broadcast_in_dim3A_172 : f32 to vector<16xf32>
      %swap3A_174 = arith.constant 0 : i32
      %swap3A_175 = arith.index_cast %swap3A_174 : i32 to index
      %swap3A_176 = arith.index_cast %scan3A_110 : i32 to index
      %swap3A_177 = arith.constant 112 : index
      %swap3A_178 = tpu.vector_load %arg6[%swap3A_175, %swap3A_176, %swap3A_177] {strides = array<i32>} : memref<2x128x128xf32, #tpu.memory_space<vmem>>, vector<1x1x16xf32>,
      %swap3A_179 = vector.shape_cast %swap3A_178 : vector<1x1x16xf32> to vector<16xf32>
      %swap3A_180 = vector.shape_cast %broadcast_in_dim3A_173 : vector<16xf32> to vector<1x1x16xf32>
      tpu.vector_store %arg6[%swap3A_175, %swap3A_176, %swap3A_177], %swap3A_180 {strides = array<i32>} : memref<2x128x128xf32, #tpu.memory_space<vmem>>, vector<1x1x16xf32>,
    }
    %scan3A_5 = arith.constant 128 : i32
    %mul3A_6 = arith.constant 640 : i32
    %mul3A_7 = arith.muli %arg1, %mul3A_6 : i32
    %add3A_8 = arith.constant 0 : i32
    %add3A_9 = arith.addi %mul3A_7, %add3A_8 : i32
    %run_scoped3A = arith.constant 0 : i32
    "tpu.region"() ({
      %run_scoped3A_110 = tpu.sem_alloc : memref<!tpu.dma_semaphore, #tpu.memory_space<semaphore_mem>>
      %dma_start3A_111 = arith.constant 0 : i32
      %dma_start3A_112 = arith.constant 0 : i32
      %dma_start3A_113 = tpu.memref_slice %arg6[%run_scoped3A, %dma_start3A_111, %dma_start3A_112] : memref<2x128x128xf32, #tpu.memory_space<vmem>> -> memref<1x128x128xf32, #tpu.memory_space<vmem>>
      %dma_start3A_114 = tpu.memref_squeeze %dma_start3A_113 : memref<1x128x128xf32, #tpu.memory_space<vmem>> -> memref<128x128xf32, #tpu.memory_space<vmem>>
      %dma_start3A_115 = arith.constant 0 : i32
      %dma_start3A_116 = tpu.memref_slice %arg7[%add3A_9, %dma_start3A_115] : memref<10240x128xf32, #tpu.memory_space<vmem_shared>> -> memref<128x128xf32, #tpu.memory_space<vmem_shared>>
      %dma_start3A_117 = arith.constant 0 : i32
      %dma_start3A_118 = tpu.memref_slice %arg7[%add3A_9, %dma_start3A_117] : memref<10240x128xf32, #tpu.memory_space<vmem_shared>> -> memref<128x128xf32, #tpu.memory_space<vmem_shared>>
      %dma_start3A_119 = arith.constant 0 : i32
      %dma_start3A_120 = arith.constant 0 : i32
      %dma_start3A_121 = tpu.memref_slice %arg6[%run_scoped3A, %dma_start3A_119, %dma_start3A_120] : memref<2x128x128xf32, #tpu.memory_space<vmem>> -> memref<1x128x128xf32, #tpu.memory_space<vmem>>
      %dma_start3A_122 = tpu.memref_squeeze %dma_start3A_121 : memref<1x128x128xf32, #tpu.memory_space<vmem>> -> memref<128x128xf32, #tpu.memory_space<vmem>>
      tpu.enqueue_dma source(%dma_start3A_122 : memref<128x128xf32, #tpu.memory_space<vmem>>) target(%dma_start3A_118 : memref<128x128xf32, #tpu.memory_space<vmem_shared>>) target_semaphore(%run_scoped3A_110 : memref<!tpu.dma_semaphore, #tpu.memory_space<semaphore_mem>>)
      %dma_wait3A = arith.constant 0 : i32
      %dma_wait3A_123 = arith.constant 0 : i32
      %dma_wait3A_124 = tpu.memref_slice %arg6[%run_scoped3A, %dma_wait3A, %dma_wait3A_123] : memref<2x128x128xf32, #tpu.memory_space<vmem>> -> memref<1x128x128xf32, #tpu.memory_space<vmem>>
      %dma_wait3A_125 = tpu.memref_squeeze %dma_wait3A_124 : memref<1x128x128xf32, #tpu.memory_space<vmem>> -> memref<128x128xf32, #tpu.memory_space<vmem>>
      %dma_wait3A_126 = arith.constant 0 : i32
      %dma_wait3A_127 = tpu.memref_slice %arg7[%add3A_9, %dma_wait3A_126] : memref<10240x128xf32, #tpu.memory_space<vmem_shared>> -> memref<128x128xf32, #tpu.memory_space<vmem_shared>>
      %dma_wait3A_128 = arith.constant 0 : i32
      %dma_wait3A_129 = tpu.memref_slice %arg7[%add3A_9, %dma_wait3A_128] : memref<10240x128xf32, #tpu.memory_space<vmem_shared>> -> memref<128x128xf32, #tpu.memory_space<vmem_shared>>
      %dma_wait3A_130 = arith.constant 0 : i32
      %dma_wait3A_131 = arith.constant 0 : i32
      %dma_wait3A_132 = tpu.memref_slice %arg6[%run_scoped3A, %dma_wait3A_130, %dma_wait3A_131] : memref<2x128x128xf32, #tpu.memory_space<vmem>> -> memref<1x128x128xf32, #tpu.memory_space<vmem>>
      %dma_wait3A_133 = tpu.memref_squeeze %dma_wait3A_132 : memref<1x128x128xf32, #tpu.memory_space<vmem>> -> memref<128x128xf32, #tpu.memory_space<vmem>>
      tpu.wait_dma2 semaphore(%run_scoped3A_110 : memref<!tpu.dma_semaphore, #tpu.memory_space<semaphore_mem>>) src(%dma_wait3A_133 : memref<128x128xf32, #tpu.memory_space<vmem>>) dst(%dma_wait3A_129 : memref<128x128xf32, #tpu.memory_space<vmem_shared>>)
      tpu.yield
    }) : () -> ()
    %mul3A_10 = arith.constant 640 : i32
    %mul3A_11 = arith.muli %arg1, %mul3A_10 : i32
    %add3A_12 = arith.constant 128 : i32
    %add3A_13 = arith.addi %mul3A_11, %add3A_12 : i32
    %run_scoped3A_14 = arith.constant 0 : i32
    "tpu.region"() ({
      %run_scoped3A_110 = tpu.sem_alloc : memref<!tpu.dma_semaphore, #tpu.memory_space<semaphore_mem>>
      %dma_start3A_111 = arith.constant 0 : i32
      %dma_start3A_112 = arith.constant 0 : i32
      %dma_start3A_113 = tpu.memref_slice %arg6[%run_scoped3A_14, %dma_start3A_111, %dma_start3A_112] : memref<2x128x128xf32, #tpu.memory_space<vmem>> -> memref<1x128x128xf32, #tpu.memory_space<vmem>>
      %dma_start3A_114 = tpu.memref_squeeze %dma_start3A_113 : memref<1x128x128xf32, #tpu.memory_space<vmem>> -> memref<128x128xf32, #tpu.memory_space<vmem>>
      %dma_start3A_115 = arith.constant 0 : i32
      %dma_start3A_116 = tpu.memref_slice %arg7[%add3A_13, %dma_start3A_115] : memref<10240x128xf32, #tpu.memory_space<vmem_shared>> -> memref<128x128xf32, #tpu.memory_space<vmem_shared>>
      %dma_start3A_117 = arith.constant 0 : i32
      %dma_start3A_118 = tpu.memref_slice %arg7[%add3A_13, %dma_start3A_117] : memref<10240x128xf32, #tpu.memory_space<vmem_shared>> -> memref<128x128xf32, #tpu.memory_space<vmem_shared>>
      %dma_start3A_119 = arith.constant 0 : i32
      %dma_start3A_120 = arith.constant 0 : i32
      %dma_start3A_121 = tpu.memref_slice %arg6[%run_scoped3A_14, %dma_start3A_119, %dma_start3A_120] : memref<2x128x128xf32, #tpu.memory_space<vmem>> -> memref<1x128x128xf32, #tpu.memory_space<vmem>>
      %dma_start3A_122 = tpu.memref_squeeze %dma_start3A_121 : memref<1x128x128xf32, #tpu.memory_space<vmem>> -> memref<128x128xf32, #tpu.memory_space<vmem>>
      tpu.enqueue_dma source(%dma_start3A_122 : memref<128x128xf32, #tpu.memory_space<vmem>>) target(%dma_start3A_118 : memref<128x128xf32, #tpu.memory_space<vmem_shared>>) target_semaphore(%run_scoped3A_110 : memref<!tpu.dma_semaphore, #tpu.memory_space<semaphore_mem>>)
      %dma_wait3A = arith.constant 0 : i32
      %dma_wait3A_123 = arith.constant 0 : i32
      %dma_wait3A_124 = tpu.memref_slice %arg6[%run_scoped3A_14, %dma_wait3A, %dma_wait3A_123] : memref<2x128x128xf32, #tpu.memory_space<vmem>> -> memref<1x128x128xf32, #tpu.memory_space<vmem>>
      %dma_wait3A_125 = tpu.memref_squeeze %dma_wait3A_124 : memref<1x128x128xf32, #tpu.memory_space<vmem>> -> memref<128x128xf32, #tpu.memory_space<vmem>>
      %dma_wait3A_126 = arith.constant 0 : i32
      %dma_wait3A_127 = tpu.memref_slice %arg7[%add3A_13, %dma_wait3A_126] : memref<10240x128xf32, #tpu.memory_space<vmem_shared>> -> memref<128x128xf32, #tpu.memory_space<vmem_shared>>
      %dma_wait3A_128 = arith.constant 0 : i32
      %dma_wait3A_129 = tpu.memref_slice %arg7[%add3A_13, %dma_wait3A_128] : memref<10240x128xf32, #tpu.memory_space<vmem_shared>> -> memref<128x128xf32, #tpu.memory_space<vmem_shared>>
      %dma_wait3A_130 = arith.constant 0 : i32
      %dma_wait3A_131 = arith.constant 0 : i32
      %dma_wait3A_132 = tpu.memref_slice %arg6[%run_scoped3A_14, %dma_wait3A_130, %dma_wait3A_131] : memref<2x128x128xf32, #tpu.memory_space<vmem>> -> memref<1x128x128xf32, #tpu.memory_space<vmem>>
      %dma_wait3A_133 = tpu.memref_squeeze %dma_wait3A_132 : memref<1x128x128xf32, #tpu.memory_space<vmem>> -> memref<128x128xf32, #tpu.memory_space<vmem>>
      tpu.wait_dma2 semaphore(%run_scoped3A_110 : memref<!tpu.dma_semaphore, #tpu.memory_space<semaphore_mem>>) src(%dma_wait3A_133 : memref<128x128xf32, #tpu.memory_space<vmem>>) dst(%dma_wait3A_129 : memref<128x128xf32, #tpu.memory_space<vmem_shared>>)
      tpu.yield
    }) : () -> ()
    %mul3A_15 = arith.constant 640 : i32
    %mul3A_16 = arith.muli %arg1, %mul3A_15 : i32
    %add3A_17 = arith.constant 256 : i32
    %add3A_18 = arith.addi %mul3A_16, %add3A_17 : i32
    %run_scoped3A_19 = arith.constant 0 : i32
    "tpu.region"() ({
      %run_scoped3A_110 = tpu.sem_alloc : memref<!tpu.dma_semaphore, #tpu.memory_space<semaphore_mem>>
      %dma_start3A_111 = arith.constant 0 : i32
      %dma_start3A_112 = arith.constant 0 : i32
      %dma_start3A_113 = tpu.memref_slice %arg6[%run_scoped3A_19, %dma_start3A_111, %dma_start3A_112] : memref<2x128x128xf32, #tpu.memory_space<vmem>> -> memref<1x128x128xf32, #tpu.memory_space<vmem>>
      %dma_start3A_114 = tpu.memref_squeeze %dma_start3A_113 : memref<1x128x128xf32, #tpu.memory_space<vmem>> -> memref<128x128xf32, #tpu.memory_space<vmem>>
      %dma_start3A_115 = arith.constant 0 : i32
      %dma_start3A_116 = tpu.memref_slice %arg7[%add3A_18, %dma_start3A_115] : memref<10240x128xf32, #tpu.memory_space<vmem_shared>> -> memref<128x128xf32, #tpu.memory_space<vmem_shared>>
      %dma_start3A_117 = arith.constant 0 : i32
      %dma_start3A_118 = tpu.memref_slice %arg7[%add3A_18, %dma_start3A_117] : memref<10240x128xf32, #tpu.memory_space<vmem_shared>> -> memref<128x128xf32, #tpu.memory_space<vmem_shared>>
      %dma_start3A_119 = arith.constant 0 : i32
      %dma_start3A_120 = arith.constant 0 : i32
      %dma_start3A_121 = tpu.memref_slice %arg6[%run_scoped3A_19, %dma_start3A_119, %dma_start3A_120] : memref<2x128x128xf32, #tpu.memory_space<vmem>> -> memref<1x128x128xf32, #tpu.memory_space<vmem>>
      %dma_start3A_122 = tpu.memref_squeeze %dma_start3A_121 : memref<1x128x128xf32, #tpu.memory_space<vmem>> -> memref<128x128xf32, #tpu.memory_space<vmem>>
      tpu.enqueue_dma source(%dma_start3A_122 : memref<128x128xf32, #tpu.memory_space<vmem>>) target(%dma_start3A_118 : memref<128x128xf32, #tpu.memory_space<vmem_shared>>) target_semaphore(%run_scoped3A_110 : memref<!tpu.dma_semaphore, #tpu.memory_space<semaphore_mem>>)
      %dma_wait3A = arith.constant 0 : i32
      %dma_wait3A_123 = arith.constant 0 : i32
      %dma_wait3A_124 = tpu.memref_slice %arg6[%run_scoped3A_19, %dma_wait3A, %dma_wait3A_123] : memref<2x128x128xf32, #tpu.memory_space<vmem>> -> memref<1x128x128xf32, #tpu.memory_space<vmem>>
      %dma_wait3A_125 = tpu.memref_squeeze %dma_wait3A_124 : memref<1x128x128xf32, #tpu.memory_space<vmem>> -> memref<128x128xf32, #tpu.memory_space<vmem>>
      %dma_wait3A_126 = arith.constant 0 : i32
      %dma_wait3A_127 = tpu.memref_slice %arg7[%add3A_18, %dma_wait3A_126] : memref<10240x128xf32, #tpu.memory_space<vmem_shared>> -> memref<128x128xf32, #tpu.memory_space<vmem_shared>>
      %dma_wait3A_128 = arith.constant 0 : i32
      %dma_wait3A_129 = tpu.memref_slice %arg7[%add3A_18, %dma_wait3A_128] : memref<10240x128xf32, #tpu.memory_space<vmem_shared>> -> memref<128x128xf32, #tpu.memory_space<vmem_shared>>
      %dma_wait3A_130 = arith.constant 0 : i32
      %dma_wait3A_131 = arith.constant 0 : i32
      %dma_wait3A_132 = tpu.memref_slice %arg6[%run_scoped3A_19, %dma_wait3A_130, %dma_wait3A_131] : memref<2x128x128xf32, #tpu.memory_space<vmem>> -> memref<1x128x128xf32, #tpu.memory_space<vmem>>
      %dma_wait3A_133 = tpu.memref_squeeze %dma_wait3A_132 : memref<1x128x128xf32, #tpu.memory_space<vmem>> -> memref<128x128xf32, #tpu.memory_space<vmem>>
      tpu.wait_dma2 semaphore(%run_scoped3A_110 : memref<!tpu.dma_semaphore, #tpu.memory_space<semaphore_mem>>) src(%dma_wait3A_133 : memref<128x128xf32, #tpu.memory_space<vmem>>) dst(%dma_wait3A_129 : memref<128x128xf32, #tpu.memory_space<vmem_shared>>)
      tpu.yield
    }) : () -> ()
    %mul3A_20 = arith.constant 640 : i32
    %mul3A_21 = arith.muli %arg1, %mul3A_20 : i32
    %add3A_22 = arith.constant 384 : i32
    %add3A_23 = arith.addi %mul3A_21, %add3A_22 : i32
    %run_scoped3A_24 = arith.constant 0 : i32
    "tpu.region"() ({
      %run_scoped3A_110 = tpu.sem_alloc : memref<!tpu.dma_semaphore, #tpu.memory_space<semaphore_mem>>
      %dma_start3A_111 = arith.constant 0 : i32
      %dma_start3A_112 = arith.constant 0 : i32
      %dma_start3A_113 = tpu.memref_slice %arg6[%run_scoped3A_24, %dma_start3A_111, %dma_start3A_112] : memref<2x128x128xf32, #tpu.memory_space<vmem>> -> memref<1x128x128xf32, #tpu.memory_space<vmem>>
      %dma_start3A_114 = tpu.memref_squeeze %dma_start3A_113 : memref<1x128x128xf32, #tpu.memory_space<vmem>> -> memref<128x128xf32, #tpu.memory_space<vmem>>
      %dma_start3A_115 = arith.constant 0 : i32
      %dma_start3A_116 = tpu.memref_slice %arg7[%add3A_23, %dma_start3A_115] : memref<10240x128xf32, #tpu.memory_space<vmem_shared>> -> memref<128x128xf32, #tpu.memory_space<vmem_shared>>
      %dma_start3A_117 = arith.constant 0 : i32
      %dma_start3A_118 = tpu.memref_slice %arg7[%add3A_23, %dma_start3A_117] : memref<10240x128xf32, #tpu.memory_space<vmem_shared>> -> memref<128x128xf32, #tpu.memory_space<vmem_shared>>
      %dma_start3A_119 = arith.constant 0 : i32
      %dma_start3A_120 = arith.constant 0 : i32
      %dma_start3A_121 = tpu.memref_slice %arg6[%run_scoped3A_24, %dma_start3A_119, %dma_start3A_120] : memref<2x128x128xf32, #tpu.memory_space<vmem>> -> memref<1x128x128xf32, #tpu.memory_space<vmem>>
      %dma_start3A_122 = tpu.memref_squeeze %dma_start3A_121 : memref<1x128x128xf32, #tpu.memory_space<vmem>> -> memref<128x128xf32, #tpu.memory_space<vmem>>
      tpu.enqueue_dma source(%dma_start3A_122 : memref<128x128xf32, #tpu.memory_space<vmem>>) target(%dma_start3A_118 : memref<128x128xf32, #tpu.memory_space<vmem_shared>>) target_semaphore(%run_scoped3A_110 : memref<!tpu.dma_semaphore, #tpu.memory_space<semaphore_mem>>)
      %dma_wait3A = arith.constant 0 : i32
      %dma_wait3A_123 = arith.constant 0 : i32
      %dma_wait3A_124 = tpu.memref_slice %arg6[%run_scoped3A_24, %dma_wait3A, %dma_wait3A_123] : memref<2x128x128xf32, #tpu.memory_space<vmem>> -> memref<1x128x128xf32, #tpu.memory_space<vmem>>
      %dma_wait3A_125 = tpu.memref_squeeze %dma_wait3A_124 : memref<1x128x128xf32, #tpu.memory_space<vmem>> -> memref<128x128xf32, #tpu.memory_space<vmem>>
      %dma_wait3A_126 = arith.constant 0 : i32
      %dma_wait3A_127 = tpu.memref_slice %arg7[%add3A_23, %dma_wait3A_126] : memref<10240x128xf32, #tpu.memory_space<vmem_shared>> -> memref<128x128xf32, #tpu.memory_space<vmem_shared>>
      %dma_wait3A_128 = arith.constant 0 : i32
      %dma_wait3A_129 = tpu.memref_slice %arg7[%add3A_23, %dma_wait3A_128] : memref<10240x128xf32, #tpu.memory_space<vmem_shared>> -> memref<128x128xf32, #tpu.memory_space<vmem_shared>>
      %dma_wait3A_130 = arith.constant 0 : i32
      %dma_wait3A_131 = arith.constant 0 : i32
      %dma_wait3A_132 = tpu.memref_slice %arg6[%run_scoped3A_24, %dma_wait3A_130, %dma_wait3A_131] : memref<2x128x128xf32, #tpu.memory_space<vmem>> -> memref<1x128x128xf32, #tpu.memory_space<vmem>>
      %dma_wait3A_133 = tpu.memref_squeeze %dma_wait3A_132 : memref<1x128x128xf32, #tpu.memory_space<vmem>> -> memref<128x128xf32, #tpu.memory_space<vmem>>
      tpu.wait_dma2 semaphore(%run_scoped3A_110 : memref<!tpu.dma_semaphore, #tpu.memory_space<semaphore_mem>>) src(%dma_wait3A_133 : memref<128x128xf32, #tpu.memory_space<vmem>>) dst(%dma_wait3A_129 : memref<128x128xf32, #tpu.memory_space<vmem_shared>>)
      tpu.yield
    }) : () -> ()
    %mul3A_25 = arith.constant 640 : i32
    %mul3A_26 = arith.muli %arg1, %mul3A_25 : i32
    %add3A_27 = arith.constant 512 : i32
    %add3A_28 = arith.addi %mul3A_26, %add3A_27 : i32
    %run_scoped3A_29 = arith.constant 0 : i32
    "tpu.region"() ({
      %run_scoped3A_110 = tpu.sem_alloc : memref<!tpu.dma_semaphore, #tpu.memory_space<semaphore_mem>>
      %dma_start3A_111 = arith.constant 0 : i32
      %dma_start3A_112 = arith.constant 0 : i32
      %dma_start3A_113 = tpu.memref_slice %arg6[%run_scoped3A_29, %dma_start3A_111, %dma_start3A_112] : memref<2x128x128xf32, #tpu.memory_space<vmem>> -> memref<1x128x128xf32, #tpu.memory_space<vmem>>
      %dma_start3A_114 = tpu.memref_squeeze %dma_start3A_113 : memref<1x128x128xf32, #tpu.memory_space<vmem>> -> memref<128x128xf32, #tpu.memory_space<vmem>>
      %dma_start3A_115 = arith.constant 0 : i32
      %dma_start3A_116 = tpu.memref_slice %arg7[%add3A_28, %dma_start3A_115] : memref<10240x128xf32, #tpu.memory_space<vmem_shared>> -> memref<128x128xf32, #tpu.memory_space<vmem_shared>>
      %dma_start3A_117 = arith.constant 0 : i32
      %dma_start3A_118 = tpu.memref_slice %arg7[%add3A_28, %dma_start3A_117] : memref<10240x128xf32, #tpu.memory_space<vmem_shared>> -> memref<128x128xf32, #tpu.memory_space<vmem_shared>>
      %dma_start3A_119 = arith.constant 0 : i32
      %dma_start3A_120 = arith.constant 0 : i32
      %dma_start3A_121 = tpu.memref_slice %arg6[%run_scoped3A_29, %dma_start3A_119, %dma_start3A_120] : memref<2x128x128xf32, #tpu.memory_space<vmem>> -> memref<1x128x128xf32, #tpu.memory_space<vmem>>
      %dma_start3A_122 = tpu.memref_squeeze %dma_start3A_121 : memref<1x128x128xf32, #tpu.memory_space<vmem>> -> memref<128x128xf32, #tpu.memory_space<vmem>>
      tpu.enqueue_dma source(%dma_start3A_122 : memref<128x128xf32, #tpu.memory_space<vmem>>) target(%dma_start3A_118 : memref<128x128xf32, #tpu.memory_space<vmem_shared>>) target_semaphore(%run_scoped3A_110 : memref<!tpu.dma_semaphore, #tpu.memory_space<semaphore_mem>>)
      %dma_wait3A = arith.constant 0 : i32
      %dma_wait3A_123 = arith.constant 0 : i32
      %dma_wait3A_124 = tpu.memref_slice %arg6[%run_scoped3A_29, %dma_wait3A, %dma_wait3A_123] : memref<2x128x128xf32, #tpu.memory_space<vmem>> -> memref<1x128x128xf32, #tpu.memory_space<vmem>>
      %dma_wait3A_125 = tpu.memref_squeeze %dma_wait3A_124 : memref<1x128x128xf32, #tpu.memory_space<vmem>> -> memref<128x128xf32, #tpu.memory_space<vmem>>
      %dma_wait3A_126 = arith.constant 0 : i32
      %dma_wait3A_127 = tpu.memref_slice %arg7[%add3A_28, %dma_wait3A_126] : memref<10240x128xf32, #tpu.memory_space<vmem_shared>> -> memref<128x128xf32, #tpu.memory_space<vmem_shared>>
      %dma_wait3A_128 = arith.constant 0 : i32
      %dma_wait3A_129 = tpu.memref_slice %arg7[%add3A_28, %dma_wait3A_128] : memref<10240x128xf32, #tpu.memory_space<vmem_shared>> -> memref<128x128xf32, #tpu.memory_space<vmem_shared>>
      %dma_wait3A_130 = arith.constant 0 : i32
      %dma_wait3A_131 = arith.constant 0 : i32
      %dma_wait3A_132 = tpu.memref_slice %arg6[%run_scoped3A_29, %dma_wait3A_130, %dma_wait3A_131] : memref<2x128x128xf32, #tpu.memory_space<vmem>> -> memref<1x128x128xf32, #tpu.memory_space<vmem>>
      %dma_wait3A_133 = tpu.memref_squeeze %dma_wait3A_132 : memref<1x128x128xf32, #tpu.memory_space<vmem>> -> memref<128x128xf32, #tpu.memory_space<vmem>>
      tpu.wait_dma2 semaphore(%run_scoped3A_110 : memref<!tpu.dma_semaphore, #tpu.memory_space<semaphore_mem>>) src(%dma_wait3A_133 : memref<128x128xf32, #tpu.memory_space<vmem>>) dst(%dma_wait3A_129 : memref<128x128xf32, #tpu.memory_space<vmem_shared>>)
      tpu.yield
    }) : () -> ()
    %barrier3A = arith.constant 0 : index
    tpu.barrier barrier_id(%barrier3A)
    %mul3A_30 = arith.constant 20 : i32
    %mul3A_31 = arith.muli %add3A, %mul3A_30 : i32
    %add3A_32 = arith.constant 0 : i32
    %add3A_33 = arith.addi %mul3A_31, %add3A_32 : i32
    "tpu.region"() ({
      %run_scoped3A_110 = tpu.sem_alloc : memref<!tpu.dma_semaphore, #tpu.memory_space<semaphore_mem>>
      %dma_start3A_111 = arith.constant 0 : i32
      %dma_start3A_112 = arith.constant 0 : i32
      %dma_start3A_113 = tpu.memref_slice %arg2[%add3A_33, %dma_start3A_111, %dma_start3A_112] : memref<640x8x128xi32, #tpu.memory_space<hbm>> -> memref<10x8x128xi32, #tpu.memory_space<hbm>>
      %dma_start3A_114 = arith.constant 0 : i32
      %dma_start3A_115 = arith.constant 0 : i32
      %dma_start3A_116 = tpu.memref_slice %arg2[%add3A_33, %dma_start3A_114, %dma_start3A_115] : memref<640x8x128xi32, #tpu.memory_space<hbm>> -> memref<10x8x128xi32, #tpu.memory_space<hbm>>
      tpu.enqueue_dma source(%dma_start3A_116 : memref<10x8x128xi32, #tpu.memory_space<hbm>>) target(%arg5 : memref<10x8x128xi32, #tpu.memory_space<vmem>>) target_semaphore(%run_scoped3A_110 : memref<!tpu.dma_semaphore, #tpu.memory_space<semaphore_mem>>)
      %dma_wait3A = arith.constant 0 : i32
      %dma_wait3A_117 = arith.constant 0 : i32
      %dma_wait3A_118 = tpu.memref_slice %arg2[%add3A_33, %dma_wait3A, %dma_wait3A_117] : memref<640x8x128xi32, #tpu.memory_space<hbm>> -> memref<10x8x128xi32, #tpu.memory_space<hbm>>
      %dma_wait3A_119 = arith.constant 0 : i32
      %dma_wait3A_120 = arith.constant 0 : i32
      %dma_wait3A_121 = tpu.memref_slice %arg2[%add3A_33, %dma_wait3A_119, %dma_wait3A_120] : memref<640x8x128xi32, #tpu.memory_space<hbm>> -> memref<10x8x128xi32, #tpu.memory_space<hbm>>
      tpu.wait_dma2 semaphore(%run_scoped3A_110 : memref<!tpu.dma_semaphore, #tpu.memory_space<semaphore_mem>>) src(%dma_wait3A_121 : memref<10x8x128xi32, #tpu.memory_space<hbm>>) dst(%arg5 : memref<10x8x128xi32, #tpu.memory_space<vmem>>)
      tpu.yield
    }) : () -> ()
    %dma_start3A = arith.constant 0 : i32
    %dma_start3A_34 = arith.constant 0 : i32
    %dma_start3A_35 = arith.constant 0 : i32
    %dma_start3A_36 = arith.constant 0 : i32
    %dma_start3A_37 = arith.constant 0 : i32
    %dma_start3A_38 = tpu.memref_slice %arg6[%dma_start3A_35, %dma_start3A_36, %dma_start3A_37] : memref<2x128x128xf32, #tpu.memory_space<vmem>> -> memref<1x128x128xf32, #tpu.memory_space<vmem>>
    %dma_start3A_39 = tpu.memref_squeeze %dma_start3A_38 : memref<1x128x128xf32, #tpu.memory_space<vmem>> -> memref<128x128xf32, #tpu.memory_space<vmem>>
    %dma_start3A_40 = arith.constant 0 : i32
    %dma_start3A_41 = tpu.memref_slice %arg5[%dma_start3A, %dma_start3A_34, %dma_start3A_40] : memref<10x8x128xi32, #tpu.memory_space<vmem>> -> memref<1x1x128xi32, #tpu.memory_space<vmem>>
    %dma_start3A_42 = tpu.memref_squeeze %dma_start3A_41 : memref<1x1x128xi32, #tpu.memory_space<vmem>> -> memref<128xi32, #tpu.memory_space<vmem>>
    %dma_start3A_43 = arith.constant 0 : i32
    %dma_start3A_44 = arith.constant 0 : i32
    %dma_start3A_45 = tpu.memref_slice %arg3[%dma_start3A_43, %dma_start3A_44] : memref<10000x128xf32, #tpu.memory_space<hbm>> -> memref<10000x128xf32, #tpu.memory_space<hbm>>
    tpu.enqueue_indirect_dma source(%dma_start3A_45 : memref<10000x128xf32, #tpu.memory_space<hbm>>) target(%dma_start3A_39 : memref<128x128xf32, #tpu.memory_space<vmem>>) offsets(%dma_start3A_42 : memref<128xi32, #tpu.memory_space<vmem>>) semaphore(%arg8 : memref<!tpu.dma_semaphore, #tpu.memory_space<semaphore_mem>>)
    %dma_start3A_46 = arith.constant 0 : i32
    %dma_start3A_47 = arith.constant 2 : i32
    %dma_start3A_48 = arith.constant 1 : i32
    %dma_start3A_49 = arith.constant 0 : i32
    %dma_start3A_50 = arith.constant 0 : i32
    %dma_start3A_51 = tpu.memref_slice %arg6[%dma_start3A_48, %dma_start3A_49, %dma_start3A_50] : memref<2x128x128xf32, #tpu.memory_space<vmem>> -> memref<1x128x128xf32, #tpu.memory_space<vmem>>
    %dma_start3A_52 = tpu.memref_squeeze %dma_start3A_51 : memref<1x128x128xf32, #tpu.memory_space<vmem>> -> memref<128x128xf32, #tpu.memory_space<vmem>>
    %dma_start3A_53 = arith.constant 0 : i32
    %dma_start3A_54 = tpu.memref_slice %arg5[%dma_start3A_46, %dma_start3A_47, %dma_start3A_53] : memref<10x8x128xi32, #tpu.memory_space<vmem>> -> memref<1x1x128xi32, #tpu.memory_space<vmem>>
    %dma_start3A_55 = tpu.memref_squeeze %dma_start3A_54 : memref<1x1x128xi32, #tpu.memory_space<vmem>> -> memref<128xi32, #tpu.memory_space<vmem>>
    %dma_start3A_56 = arith.constant 0 : i32
    %dma_start3A_57 = arith.constant 0 : i32
    %dma_start3A_58 = tpu.memref_slice %arg3[%dma_start3A_56, %dma_start3A_57] : memref<10000x128xf32, #tpu.memory_space<hbm>> -> memref<10000x128xf32, #tpu.memory_space<hbm>>
    tpu.enqueue_indirect_dma source(%dma_start3A_58 : memref<10000x128xf32, #tpu.memory_space<hbm>>) target(%dma_start3A_52 : memref<128x128xf32, #tpu.memory_space<vmem>>) offsets(%dma_start3A_55 : memref<128xi32, #tpu.memory_space<vmem>>) semaphore(%arg9 : memref<!tpu.dma_semaphore, #tpu.memory_space<semaphore_mem>>)
    %scan3A_59 = arith.constant 0 : i32
    %scan3A_60 = arith.constant 0 : i32
    %scan3A_61 = arith.constant 1 : i32
    %scan3A_62 = arith.constant 0 : i32
    %scan3A_63 = arith.constant 10 : i32
    %scan3A_64 = arith.addi %scan3A_62, %scan3A_63 : i32
    %scan3A_65 = arith.constant 1 : i32
    scf.for %scan3A_110 = %scan3A_62 to %scan3A_64 step %scan3A_65  : i32 {
      %dma_wait3A = arith.constant 0 : i32
      %dma_wait3A_111 = arith.constant 0 : i32
      %dma_wait3A_112 = arith.constant 0 : i32
      %dma_wait3A_113 = tpu.memref_slice %arg6[%scan3A_60, %dma_wait3A_111, %dma_wait3A_112] : memref<2x128x128xf32, #tpu.memory_space<vmem>> -> memref<1x128x128xf32, #tpu.memory_space<vmem>>
      %dma_wait3A_114 = tpu.memref_squeeze %dma_wait3A_113 : memref<1x128x128xf32, #tpu.memory_space<vmem>> -> memref<128x128xf32, #tpu.memory_space<vmem>>
      %dma_wait3A_115 = arith.constant 0 : i32
      %dma_wait3A_116 = tpu.memref_slice %arg5[%scan3A_110, %dma_wait3A, %dma_wait3A_115] : memref<10x8x128xi32, #tpu.memory_space<vmem>> -> memref<1x1x128xi32, #tpu.memory_space<vmem>>
      %dma_wait3A_117 = tpu.memref_squeeze %dma_wait3A_116 : memref<1x1x128xi32, #tpu.memory_space<vmem>> -> memref<128xi32, #tpu.memory_space<vmem>>
      %dma_wait3A_118 = arith.constant 0 : i32
      %dma_wait3A_119 = arith.constant 0 : i32
      %dma_wait3A_120 = tpu.memref_slice %arg3[%dma_wait3A_118, %dma_wait3A_119] : memref<10000x128xf32, #tpu.memory_space<hbm>> -> memref<10000x128xf32, #tpu.memory_space<hbm>>
      tpu.wait_indirect_dma semaphore(%arg8 : memref<!tpu.dma_semaphore, #tpu.memory_space<semaphore_mem>>) src(%dma_wait3A_120 : memref<10000x128xf32, #tpu.memory_space<hbm>>) dst(%dma_wait3A_114 : memref<128x128xf32, #tpu.memory_space<vmem>>)
      %run_scoped3A_121 = arith.constant 1 : i32
      "tpu.region"() ({
        %run_scoped3A_191 = tpu.sem_alloc : memref<!tpu.dma_semaphore, #tpu.memory_space<semaphore_mem>>
        %dma_start3A_192 = arith.constant 0 : i32
        %dma_start3A_193 = arith.constant 0 : i32
        %dma_start3A_194 = tpu.memref_slice %arg6[%scan3A_60, %dma_start3A_192, %dma_start3A_193] : memref<2x128x128xf32, #tpu.memory_space<vmem>> -> memref<1x128x128xf32, #tpu.memory_space<vmem>>
        %dma_start3A_195 = tpu.memref_squeeze %dma_start3A_194 : memref<1x128x128xf32, #tpu.memory_space<vmem>> -> memref<128x128xf32, #tpu.memory_space<vmem>>
        %dma_start3A_196 = arith.constant 0 : i32
        %dma_start3A_197 = tpu.memref_slice %arg5[%scan3A_110, %run_scoped3A_121, %dma_start3A_196] : memref<10x8x128xi32, #tpu.memory_space<vmem>> -> memref<1x1x128xi32, #tpu.memory_space<vmem>>
        %dma_start3A_198 = tpu.memref_squeeze %dma_start3A_197 : memref<1x1x128xi32, #tpu.memory_space<vmem>> -> memref<128xi32, #tpu.memory_space<vmem>>
        %dma_start3A_199 = arith.constant 0 : i32
        %dma_start3A_200 = arith.constant 0 : i32
        %dma_start3A_201 = tpu.memref_slice %arg7[%dma_start3A_199, %dma_start3A_200] : memref<10240x128xf32, #tpu.memory_space<vmem_shared>> -> memref<10240x128xf32, #tpu.memory_space<vmem_shared>>
        tpu.enqueue_indirect_dma source(%dma_start3A_195 : memref<128x128xf32, #tpu.memory_space<vmem>>) target(%dma_start3A_201 : memref<10240x128xf32, #tpu.memory_space<vmem_shared>>) offsets(%dma_start3A_198 : memref<128xi32, #tpu.memory_space<vmem>>) semaphore(%run_scoped3A_191 : memref<!tpu.dma_semaphore, #tpu.memory_space<semaphore_mem>>) {add = true}
        %dma_wait3A_202 = arith.constant 0 : i32
        %dma_wait3A_203 = arith.constant 0 : i32
        %dma_wait3A_204 = tpu.memref_slice %arg6[%scan3A_60, %dma_wait3A_202, %dma_wait3A_203] : memref<2x128x128xf32, #tpu.memory_space<vmem>> -> memref<1x128x128xf32, #tpu.memory_space<vmem>>
        %dma_wait3A_205 = tpu.memref_squeeze %dma_wait3A_204 : memref<1x128x128xf32, #tpu.memory_space<vmem>> -> memref<128x128xf32, #tpu.memory_space<vmem>>
        %dma_wait3A_206 = arith.constant 0 : i32
        %dma_wait3A_207 = tpu.memref_slice %arg5[%scan3A_110, %run_scoped3A_121, %dma_wait3A_206] : memref<10x8x128xi32, #tpu.memory_space<vmem>> -> memref<1x1x128xi32, #tpu.memory_space<vmem>>
        %dma_wait3A_208 = tpu.memref_squeeze %dma_wait3A_207 : memref<1x1x128xi32, #tpu.memory_space<vmem>> -> memref<128xi32, #tpu.memory_space<vmem>>
        %dma_wait3A_209 = arith.constant 0 : i32
        %dma_wait3A_210 = arith.constant 0 : i32
        %dma_wait3A_211 = tpu.memref_slice %arg7[%dma_wait3A_209, %dma_wait3A_210] : memref<10240x128xf32, #tpu.memory_space<vmem_shared>> -> memref<10240x128xf32, #tpu.memory_space<vmem_shared>>
        tpu.wait_indirect_dma semaphore(%run_scoped3A_191 : memref<!tpu.dma_semaphore, #tpu.memory_space<semaphore_mem>>) src(%dma_wait3A_205 : memref<128x128xf32, #tpu.memory_space<vmem>>) dst(%dma_wait3A_211 : memref<10240x128xf32, #tpu.memory_space<vmem_shared>>)
        tpu.yield
      }) : () -> ()
      %dma_start3A_122 = arith.constant 4 : i32
      %dma_start3A_123 = arith.constant 0 : i32
      %dma_start3A_124 = arith.constant 0 : i32
      %dma_start3A_125 = tpu.memref_slice %arg6[%scan3A_60, %dma_start3A_123, %dma_start3A_124] : memref<2x128x128xf32, #tpu.memory_space<vmem>> -> memref<1x128x128xf32, #tpu.memory_space<vmem>>
      %dma_start3A_126 = tpu.memref_squeeze %dma_start3A_125 : memref<1x128x128xf32, #tpu.memory_space<vmem>> -> memref<128x128xf32, #tpu.memory_space<vmem>>
      %dma_start3A_127 = arith.constant 0 : i32
      %dma_start3A_128 = tpu.memref_slice %arg5[%scan3A_110, %dma_start3A_122, %dma_start3A_127] : memref<10x8x128xi32, #tpu.memory_space<vmem>> -> memref<1x1x128xi32, #tpu.memory_space<vmem>>
      %dma_start3A_129 = tpu.memref_squeeze %dma_start3A_128 : memref<1x1x128xi32, #tpu.memory_space<vmem>> -> memref<128xi32, #tpu.memory_space<vmem>>
      %dma_start3A_130 = arith.constant 0 : i32
      %dma_start3A_131 = arith.constant 0 : i32
      %dma_start3A_132 = tpu.memref_slice %arg3[%dma_start3A_130, %dma_start3A_131] : memref<10000x128xf32, #tpu.memory_space<hbm>> -> memref<10000x128xf32, #tpu.memory_space<hbm>>
      tpu.enqueue_indirect_dma source(%dma_start3A_132 : memref<10000x128xf32, #tpu.memory_space<hbm>>) target(%dma_start3A_126 : memref<128x128xf32, #tpu.memory_space<vmem>>) offsets(%dma_start3A_129 : memref<128xi32, #tpu.memory_space<vmem>>) semaphore(%arg8 : memref<!tpu.dma_semaphore, #tpu.memory_space<semaphore_mem>>)
      %dma_wait3A_133 = arith.constant 2 : i32
      %dma_wait3A_134 = arith.constant 0 : i32
      %dma_wait3A_135 = arith.constant 0 : i32
      %dma_wait3A_136 = tpu.memref_slice %arg6[%scan3A_61, %dma_wait3A_134, %dma_wait3A_135] : memref<2x128x128xf32, #tpu.memory_space<vmem>> -> memref<1x128x128xf32, #tpu.memory_space<vmem>>
      %dma_wait3A_137 = tpu.memref_squeeze %dma_wait3A_136 : memref<1x128x128xf32, #tpu.memory_space<vmem>> -> memref<128x128xf32, #tpu.memory_space<vmem>>
      %dma_wait3A_138 = arith.constant 0 : i32
      %dma_wait3A_139 = tpu.memref_slice %arg5[%scan3A_110, %dma_wait3A_133, %dma_wait3A_138] : memref<10x8x128xi32, #tpu.memory_space<vmem>> -> memref<1x1x128xi32, #tpu.memory_space<vmem>>
      %dma_wait3A_140 = tpu.memref_squeeze %dma_wait3A_139 : memref<1x1x128xi32, #tpu.memory_space<vmem>> -> memref<128xi32, #tpu.memory_space<vmem>>
      %dma_wait3A_141 = arith.constant 0 : i32
      %dma_wait3A_142 = arith.constant 0 : i32
      %dma_wait3A_143 = tpu.memref_slice %arg3[%dma_wait3A_141, %dma_wait3A_142] : memref<10000x128xf32, #tpu.memory_space<hbm>> -> memref<10000x128xf32, #tpu.memory_space<hbm>>
      tpu.wait_indirect_dma semaphore(%arg9 : memref<!tpu.dma_semaphore, #tpu.memory_space<semaphore_mem>>) src(%dma_wait3A_143 : memref<10000x128xf32, #tpu.memory_space<hbm>>) dst(%dma_wait3A_137 : memref<128x128xf32, #tpu.memory_space<vmem>>)
      %run_scoped3A_144 = arith.constant 3 : i32
      "tpu.region"() ({
        %run_scoped3A_191 = tpu.sem_alloc : memref<!tpu.dma_semaphore, #tpu.memory_space<semaphore_mem>>
        %dma_start3A_192 = arith.constant 0 : i32
        %dma_start3A_193 = arith.constant 0 : i32
        %dma_start3A_194 = tpu.memref_slice %arg6[%scan3A_61, %dma_start3A_192, %dma_start3A_193] : memref<2x128x128xf32, #tpu.memory_space<vmem>> -> memref<1x128x128xf32, #tpu.memory_space<vmem>>
        %dma_start3A_195 = tpu.memref_squeeze %dma_start3A_194 : memref<1x128x128xf32, #tpu.memory_space<vmem>> -> memref<128x128xf32, #tpu.memory_space<vmem>>
        %dma_start3A_196 = arith.constant 0 : i32
        %dma_start3A_197 = tpu.memref_slice %arg5[%scan3A_110, %run_scoped3A_144, %dma_start3A_196] : memref<10x8x128xi32, #tpu.memory_space<vmem>> -> memref<1x1x128xi32, #tpu.memory_space<vmem>>
        %dma_start3A_198 = tpu.memref_squeeze %dma_start3A_197 : memref<1x1x128xi32, #tpu.memory_space<vmem>> -> memref<128xi32, #tpu.memory_space<vmem>>
        %dma_start3A_199 = arith.constant 0 : i32
        %dma_start3A_200 = arith.constant 0 : i32
        %dma_start3A_201 = tpu.memref_slice %arg7[%dma_start3A_199, %dma_start3A_200] : memref<10240x128xf32, #tpu.memory_space<vmem_shared>> -> memref<10240x128xf32, #tpu.memory_space<vmem_shared>>
        tpu.enqueue_indirect_dma source(%dma_start3A_195 : memref<128x128xf32, #tpu.memory_space<vmem>>) target(%dma_start3A_201 : memref<10240x128xf32, #tpu.memory_space<vmem_shared>>) offsets(%dma_start3A_198 : memref<128xi32, #tpu.memory_space<vmem>>) semaphore(%run_scoped3A_191 : memref<!tpu.dma_semaphore, #tpu.memory_space<semaphore_mem>>) {add = true}
        %dma_wait3A_202 = arith.constant 0 : i32
        %dma_wait3A_203 = arith.constant 0 : i32
        %dma_wait3A_204 = tpu.memref_slice %arg6[%scan3A_61, %dma_wait3A_202, %dma_wait3A_203] : memref<2x128x128xf32, #tpu.memory_space<vmem>> -> memref<1x128x128xf32, #tpu.memory_space<vmem>>
        %dma_wait3A_205 = tpu.memref_squeeze %dma_wait3A_204 : memref<1x128x128xf32, #tpu.memory_space<vmem>> -> memref<128x128xf32, #tpu.memory_space<vmem>>
        %dma_wait3A_206 = arith.constant 0 : i32
        %dma_wait3A_207 = tpu.memref_slice %arg5[%scan3A_110, %run_scoped3A_144, %dma_wait3A_206] : memref<10x8x128xi32, #tpu.memory_space<vmem>> -> memref<1x1x128xi32, #tpu.memory_space<vmem>>
        %dma_wait3A_208 = tpu.memref_squeeze %dma_wait3A_207 : memref<1x1x128xi32, #tpu.memory_space<vmem>> -> memref<128xi32, #tpu.memory_space<vmem>>
        %dma_wait3A_209 = arith.constant 0 : i32
        %dma_wait3A_210 = arith.constant 0 : i32
        %dma_wait3A_211 = tpu.memref_slice %arg7[%dma_wait3A_209, %dma_wait3A_210] : memref<10240x128xf32, #tpu.memory_space<vmem_shared>> -> memref<10240x128xf32, #tpu.memory_space<vmem_shared>>
        tpu.wait_indirect_dma semaphore(%run_scoped3A_191 : memref<!tpu.dma_semaphore, #tpu.memory_space<semaphore_mem>>) src(%dma_wait3A_205 : memref<128x128xf32, #tpu.memory_space<vmem>>) dst(%dma_wait3A_211 : memref<10240x128xf32, #tpu.memory_space<vmem_shared>>)
        tpu.yield
      }) : () -> ()
      %dma_start3A_145 = arith.constant 6 : i32
      %dma_start3A_146 = arith.constant 0 : i32
      %dma_start3A_147 = arith.constant 0 : i32
      %dma_start3A_148 = tpu.memref_slice %arg6[%scan3A_61, %dma_start3A_146, %dma_start3A_147] : memref<2x128x128xf32, #tpu.memory_space<vmem>> -> memref<1x128x128xf32, #tpu.memory_space<vmem>>
      %dma_start3A_149 = tpu.memref_squeeze %dma_start3A_148 : memref<1x128x128xf32, #tpu.memory_space<vmem>> -> memref<128x128xf32, #tpu.memory_space<vmem>>
      %dma_start3A_150 = arith.constant 0 : i32
      %dma_start3A_151 = tpu.memref_slice %arg5[%scan3A_110, %dma_start3A_145, %dma_start3A_150] : memref<10x8x128xi32, #tpu.memory_space<vmem>> -> memref<1x1x128xi32, #tpu.memory_space<vmem>>
      %dma_start3A_152 = tpu.memref_squeeze %dma_start3A_151 : memref<1x1x128xi32, #tpu.memory_space<vmem>> -> memref<128xi32, #tpu.memory_space<vmem>>
      %dma_start3A_153 = arith.constant 0 : i32
      %dma_start3A_154 = arith.constant 0 : i32
      %dma_start3A_155 = tpu.memref_slice %arg3[%dma_start3A_153, %dma_start3A_154] : memref<10000x128xf32, #tpu.memory_space<hbm>> -> memref<10000x128xf32, #tpu.memory_space<hbm>>
      tpu.enqueue_indirect_dma source(%dma_start3A_155 : memref<10000x128xf32, #tpu.memory_space<hbm>>) target(%dma_start3A_149 : memref<128x128xf32, #tpu.memory_space<vmem>>) offsets(%dma_start3A_152 : memref<128xi32, #tpu.memory_space<vmem>>) semaphore(%arg9 : memref<!tpu.dma_semaphore, #tpu.memory_space<semaphore_mem>>)
      %dma_wait3A_156 = arith.constant 4 : i32
      %dma_wait3A_157 = arith.constant 0 : i32
      %dma_wait3A_158 = arith.constant 0 : i32
      %dma_wait3A_159 = tpu.memref_slice %arg6[%scan3A_60, %dma_wait3A_157, %dma_wait3A_158] : memref<2x128x128xf32, #tpu.memory_space<vmem>> -> memref<1x128x128xf32, #tpu.memory_space<vmem>>
      %dma_wait3A_160 = tpu.memref_squeeze %dma_wait3A_159 : memref<1x128x128xf32, #tpu.memory_space<vmem>> -> memref<128x128xf32, #tpu.memory_space<vmem>>
      %dma_wait3A_161 = arith.constant 0 : i32
      %dma_wait3A_162 = tpu.memref_slice %arg5[%scan3A_110, %dma_wait3A_156, %dma_wait3A_161] : memref<10x8x128xi32, #tpu.memory_space<vmem>> -> memref<1x1x128xi32, #tpu.memory_space<vmem>>
      %dma_wait3A_163 = tpu.memref_squeeze %dma_wait3A_162 : memref<1x1x128xi32, #tpu.memory_space<vmem>> -> memref<128xi32, #tpu.memory_space<vmem>>
      %dma_wait3A_164 = arith.constant 0 : i32
      %dma_wait3A_165 = arith.constant 0 : i32
      %dma_wait3A_166 = tpu.memref_slice %arg3[%dma_wait3A_164, %dma_wait3A_165] : memref<10000x128xf32, #tpu.memory_space<hbm>> -> memref<10000x128xf32, #tpu.memory_space<hbm>>
      tpu.wait_indirect_dma semaphore(%arg8 : memref<!tpu.dma_semaphore, #tpu.memory_space<semaphore_mem>>) src(%dma_wait3A_166 : memref<10000x128xf32, #tpu.memory_space<hbm>>) dst(%dma_wait3A_160 : memref<128x128xf32, #tpu.memory_space<vmem>>)
      %run_scoped3A_167 = arith.constant 5 : i32
      "tpu.region"() ({
        %run_scoped3A_191 = tpu.sem_alloc : memref<!tpu.dma_semaphore, #tpu.memory_space<semaphore_mem>>
        %dma_start3A_192 = arith.constant 0 : i32
        %dma_start3A_193 = arith.constant 0 : i32
        %dma_start3A_194 = tpu.memref_slice %arg6[%scan3A_60, %dma_start3A_192, %dma_start3A_193] : memref<2x128x128xf32, #tpu.memory_space<vmem>> -> memref<1x128x128xf32, #tpu.memory_space<vmem>>
        %dma_start3A_195 = tpu.memref_squeeze %dma_start3A_194 : memref<1x128x128xf32, #tpu.memory_space<vmem>> -> memref<128x128xf32, #tpu.memory_space<vmem>>
        %dma_start3A_196 = arith.constant 0 : i32
        %dma_start3A_197 = tpu.memref_slice %arg5[%scan3A_110, %run_scoped3A_167, %dma_start3A_196] : memref<10x8x128xi32, #tpu.memory_space<vmem>> -> memref<1x1x128xi32, #tpu.memory_space<vmem>>
        %dma_start3A_198 = tpu.memref_squeeze %dma_start3A_197 : memref<1x1x128xi32, #tpu.memory_space<vmem>> -> memref<128xi32, #tpu.memory_space<vmem>>
        %dma_start3A_199 = arith.constant 0 : i32
        %dma_start3A_200 = arith.constant 0 : i32
        %dma_start3A_201 = tpu.memref_slice %arg7[%dma_start3A_199, %dma_start3A_200] : memref<10240x128xf32, #tpu.memory_space<vmem_shared>> -> memref<10240x128xf32, #tpu.memory_space<vmem_shared>>
        tpu.enqueue_indirect_dma source(%dma_start3A_195 : memref<128x128xf32, #tpu.memory_space<vmem>>) target(%dma_start3A_201 : memref<10240x128xf32, #tpu.memory_space<vmem_shared>>) offsets(%dma_start3A_198 : memref<128xi32, #tpu.memory_space<vmem>>) semaphore(%run_scoped3A_191 : memref<!tpu.dma_semaphore, #tpu.memory_space<semaphore_mem>>) {add = true}
        %dma_wait3A_202 = arith.constant 0 : i32
        %dma_wait3A_203 = arith.constant 0 : i32
        %dma_wait3A_204 = tpu.memref_slice %arg6[%scan3A_60, %dma_wait3A_202, %dma_wait3A_203] : memref<2x128x128xf32, #tpu.memory_space<vmem>> -> memref<1x128x128xf32, #tpu.memory_space<vmem>>
        %dma_wait3A_205 = tpu.memref_squeeze %dma_wait3A_204 : memref<1x128x128xf32, #tpu.memory_space<vmem>> -> memref<128x128xf32, #tpu.memory_space<vmem>>
        %dma_wait3A_206 = arith.constant 0 : i32
        %dma_wait3A_207 = tpu.memref_slice %arg5[%scan3A_110, %run_scoped3A_167, %dma_wait3A_206] : memref<10x8x128xi32, #tpu.memory_space<vmem>> -> memref<1x1x128xi32, #tpu.memory_space<vmem>>
        %dma_wait3A_208 = tpu.memref_squeeze %dma_wait3A_207 : memref<1x1x128xi32, #tpu.memory_space<vmem>> -> memref<128xi32, #tpu.memory_space<vmem>>
        %dma_wait3A_209 = arith.constant 0 : i32
        %dma_wait3A_210 = arith.constant 0 : i32
        %dma_wait3A_211 = tpu.memref_slice %arg7[%dma_wait3A_209, %dma_wait3A_210] : memref<10240x128xf32, #tpu.memory_space<vmem_shared>> -> memref<10240x128xf32, #tpu.memory_space<vmem_shared>>
        tpu.wait_indirect_dma semaphore(%run_scoped3A_191 : memref<!tpu.dma_semaphore, #tpu.memory_space<semaphore_mem>>) src(%dma_wait3A_205 : memref<128x128xf32, #tpu.memory_space<vmem>>) dst(%dma_wait3A_211 : memref<10240x128xf32, #tpu.memory_space<vmem_shared>>)
        tpu.yield
      }) : () -> ()
      %add3A_168 = arith.constant 1 : i32
      %add3A_169 = arith.addi %scan3A_110, %add3A_168 : i32
      %lt3A = arith.constant 10 : i32
      %lt3A_170 = arith.cmpi slt, %add3A_169, %lt3A : i32
      %convert_element_type3A = arith.extui %lt3A_170 : i1 to i32
      %cond3A = arith.constant 0 : i32
      %cond3A_171 = arith.cmpi ne, %convert_element_type3A, %cond3A : i32
      scf.if %cond3A_171 {
        %add3A_191 = arith.constant 1 : i32
        %add3A_192 = arith.addi %scan3A_110, %add3A_191 : i32
        %dma_start3A_193 = arith.constant 0 : i32
        %dma_start3A_194 = arith.constant 0 : i32
        %dma_start3A_195 = arith.constant 0 : i32
        %dma_start3A_196 = tpu.memref_slice %arg6[%scan3A_60, %dma_start3A_194, %dma_start3A_195] : memref<2x128x128xf32, #tpu.memory_space<vmem>> -> memref<1x128x128xf32, #tpu.memory_space<vmem>>
        %dma_start3A_197 = tpu.memref_squeeze %dma_start3A_196 : memref<1x128x128xf32, #tpu.memory_space<vmem>> -> memref<128x128xf32, #tpu.memory_space<vmem>>
        %dma_start3A_198 = arith.constant 0 : i32
        %dma_start3A_199 = tpu.memref_slice %arg5[%add3A_192, %dma_start3A_193, %dma_start3A_198] : memref<10x8x128xi32, #tpu.memory_space<vmem>> -> memref<1x1x128xi32, #tpu.memory_space<vmem>>
        %dma_start3A_200 = tpu.memref_squeeze %dma_start3A_199 : memref<1x1x128xi32, #tpu.memory_space<vmem>> -> memref<128xi32, #tpu.memory_space<vmem>>
        %dma_start3A_201 = arith.constant 0 : i32
        %dma_start3A_202 = arith.constant 0 : i32
        %dma_start3A_203 = tpu.memref_slice %arg3[%dma_start3A_201, %dma_start3A_202] : memref<10000x128xf32, #tpu.memory_space<hbm>> -> memref<10000x128xf32, #tpu.memory_space<hbm>>
        tpu.enqueue_indirect_dma source(%dma_start3A_203 : memref<10000x128xf32, #tpu.memory_space<hbm>>) target(%dma_start3A_197 : memref<128x128xf32, #tpu.memory_space<vmem>>) offsets(%dma_start3A_200 : memref<128xi32, #tpu.memory_space<vmem>>) semaphore(%arg8 : memref<!tpu.dma_semaphore, #tpu.memory_space<semaphore_mem>>)
      } else {
      }
      %dma_wait3A_172 = arith.constant 6 : i32
      %dma_wait3A_173 = arith.constant 0 : i32
      %dma_wait3A_174 = arith.constant 0 : i32
      %dma_wait3A_175 = tpu.memref_slice %arg6[%scan3A_61, %dma_wait3A_173, %dma_wait3A_174] : memref<2x128x128xf32, #tpu.memory_space<vmem>> -> memref<1x128x128xf32, #tpu.memory_space<vmem>>
      %dma_wait3A_176 = tpu.memref_squeeze %dma_wait3A_175 : memref<1x128x128xf32, #tpu.memory_space<vmem>> -> memref<128x128xf32, #tpu.memory_space<vmem>>
      %dma_wait3A_177 = arith.constant 0 : i32
      %dma_wait3A_178 = tpu.memref_slice %arg5[%scan3A_110, %dma_wait3A_172, %dma_wait3A_177] : memref<10x8x128xi32, #tpu.memory_space<vmem>> -> memref<1x1x128xi32, #tpu.memory_space<vmem>>
      %dma_wait3A_179 = tpu.memref_squeeze %dma_wait3A_178 : memref<1x1x128xi32, #tpu.memory_space<vmem>> -> memref<128xi32, #tpu.memory_space<vmem>>
      %dma_wait3A_180 = arith.constant 0 : i32
      %dma_wait3A_181 = arith.constant 0 : i32
      %dma_wait3A_182 = tpu.memref_slice %arg3[%dma_wait3A_180, %dma_wait3A_181] : memref<10000x128xf32, #tpu.memory_space<hbm>> -> memref<10000x128xf32, #tpu.memory_space<hbm>>
      tpu.wait_indirect_dma semaphore(%arg9 : memref<!tpu.dma_semaphore, #tpu.memory_space<semaphore_mem>>) src(%dma_wait3A_182 : memref<10000x128xf32, #tpu.memory_space<hbm>>) dst(%dma_wait3A_176 : memref<128x128xf32, #tpu.memory_space<vmem>>)
      %run_scoped3A_183 = arith.constant 7 : i32
      "tpu.region"() ({
        %run_scoped3A_191 = tpu.sem_alloc : memref<!tpu.dma_semaphore, #tpu.memory_space<semaphore_mem>>
        %dma_start3A_192 = arith.constant 0 : i32
        %dma_start3A_193 = arith.constant 0 : i32
        %dma_start3A_194 = tpu.memref_slice %arg6[%scan3A_61, %dma_start3A_192, %dma_start3A_193] : memref<2x128x128xf32, #tpu.memory_space<vmem>> -> memref<1x128x128xf32, #tpu.memory_space<vmem>>
        %dma_start3A_195 = tpu.memref_squeeze %dma_start3A_194 : memref<1x128x128xf32, #tpu.memory_space<vmem>> -> memref<128x128xf32, #tpu.memory_space<vmem>>
        %dma_start3A_196 = arith.constant 0 : i32
        %dma_start3A_197 = tpu.memref_slice %arg5[%scan3A_110, %run_scoped3A_183, %dma_start3A_196] : memref<10x8x128xi32, #tpu.memory_space<vmem>> -> memref<1x1x128xi32, #tpu.memory_space<vmem>>
        %dma_start3A_198 = tpu.memref_squeeze %dma_start3A_197 : memref<1x1x128xi32, #tpu.memory_space<vmem>> -> memref<128xi32, #tpu.memory_space<vmem>>
        %dma_start3A_199 = arith.constant 0 : i32
        %dma_start3A_200 = arith.constant 0 : i32
        %dma_start3A_201 = tpu.memref_slice %arg7[%dma_start3A_199, %dma_start3A_200] : memref<10240x128xf32, #tpu.memory_space<vmem_shared>> -> memref<10240x128xf32, #tpu.memory_space<vmem_shared>>
        tpu.enqueue_indirect_dma source(%dma_start3A_195 : memref<128x128xf32, #tpu.memory_space<vmem>>) target(%dma_start3A_201 : memref<10240x128xf32, #tpu.memory_space<vmem_shared>>) offsets(%dma_start3A_198 : memref<128xi32, #tpu.memory_space<vmem>>) semaphore(%run_scoped3A_191 : memref<!tpu.dma_semaphore, #tpu.memory_space<semaphore_mem>>) {add = true}
        %dma_wait3A_202 = arith.constant 0 : i32
        %dma_wait3A_203 = arith.constant 0 : i32
        %dma_wait3A_204 = tpu.memref_slice %arg6[%scan3A_61, %dma_wait3A_202, %dma_wait3A_203] : memref<2x128x128xf32, #tpu.memory_space<vmem>> -> memref<1x128x128xf32, #tpu.memory_space<vmem>>
        %dma_wait3A_205 = tpu.memref_squeeze %dma_wait3A_204 : memref<1x128x128xf32, #tpu.memory_space<vmem>> -> memref<128x128xf32, #tpu.memory_space<vmem>>
        %dma_wait3A_206 = arith.constant 0 : i32
        %dma_wait3A_207 = tpu.memref_slice %arg5[%scan3A_110, %run_scoped3A_183, %dma_wait3A_206] : memref<10x8x128xi32, #tpu.memory_space<vmem>> -> memref<1x1x128xi32, #tpu.memory_space<vmem>>
        %dma_wait3A_208 = tpu.memref_squeeze %dma_wait3A_207 : memref<1x1x128xi32, #tpu.memory_space<vmem>> -> memref<128xi32, #tpu.memory_space<vmem>>
        %dma_wait3A_209 = arith.constant 0 : i32
        %dma_wait3A_210 = arith.constant 0 : i32
        %dma_wait3A_211 = tpu.memref_slice %arg7[%dma_wait3A_209, %dma_wait3A_210] : memref<10240x128xf32, #tpu.memory_space<vmem_shared>> -> memref<10240x128xf32, #tpu.memory_space<vmem_shared>>
        tpu.wait_indirect_dma semaphore(%run_scoped3A_191 : memref<!tpu.dma_semaphore, #tpu.memory_space<semaphore_mem>>) src(%dma_wait3A_205 : memref<128x128xf32, #tpu.memory_space<vmem>>) dst(%dma_wait3A_211 : memref<10240x128xf32, #tpu.memory_space<vmem_shared>>)
        tpu.yield
      }) : () -> ()
      %add3A_184 = arith.constant 1 : i32
      %add3A_185 = arith.addi %scan3A_110, %add3A_184 : i32
      %lt3A_186 = arith.constant 10 : i32
      %lt3A_187 = arith.cmpi slt, %add3A_185, %lt3A_186 : i32
      %convert_element_type3A_188 = arith.extui %lt3A_187 : i1 to i32
      %cond3A_189 = arith.constant 0 : i32
      %cond3A_190 = arith.cmpi ne, %convert_element_type3A_188, %cond3A_189 : i32
      scf.if %cond3A_190 {
        %add3A_191 = arith.constant 1 : i32
        %add3A_192 = arith.addi %scan3A_110, %add3A_191 : i32
        %dma_start3A_193 = arith.constant 2 : i32
        %dma_start3A_194 = arith.constant 0 : i32
        %dma_start3A_195 = arith.constant 0 : i32
        %dma_start3A_196 = tpu.memref_slice %arg6[%scan3A_61, %dma_start3A_194, %dma_start3A_195] : memref<2x128x128xf32, #tpu.memory_space<vmem>> -> memref<1x128x128xf32, #tpu.memory_space<vmem>>
        %dma_start3A_197 = tpu.memref_squeeze %dma_start3A_196 : memref<1x128x128xf32, #tpu.memory_space<vmem>> -> memref<128x128xf32, #tpu.memory_space<vmem>>
        %dma_start3A_198 = arith.constant 0 : i32
        %dma_start3A_199 = tpu.memref_slice %arg5[%add3A_192, %dma_start3A_193, %dma_start3A_198] : memref<10x8x128xi32, #tpu.memory_space<vmem>> -> memref<1x1x128xi32, #tpu.memory_space<vmem>>
        %dma_start3A_200 = tpu.memref_squeeze %dma_start3A_199 : memref<1x1x128xi32, #tpu.memory_space<vmem>> -> memref<128xi32, #tpu.memory_space<vmem>>
        %dma_start3A_201 = arith.constant 0 : i32
        %dma_start3A_202 = arith.constant 0 : i32
        %dma_start3A_203 = tpu.memref_slice %arg3[%dma_start3A_201, %dma_start3A_202] : memref<10000x128xf32, #tpu.memory_space<hbm>> -> memref<10000x128xf32, #tpu.memory_space<hbm>>
        tpu.enqueue_indirect_dma source(%dma_start3A_203 : memref<10000x128xf32, #tpu.memory_space<hbm>>) target(%dma_start3A_197 : memref<128x128xf32, #tpu.memory_space<vmem>>) offsets(%dma_start3A_200 : memref<128xi32, #tpu.memory_space<vmem>>) semaphore(%arg9 : memref<!tpu.dma_semaphore, #tpu.memory_space<semaphore_mem>>)
      } else {
      }
    }
    %scan3A_66 = arith.constant 10 : i32
    %mul3A_67 = arith.constant 20 : i32
    %mul3A_68 = arith.muli %add3A, %mul3A_67 : i32
    %add3A_69 = arith.constant 10 : i32
    %add3A_70 = arith.addi %mul3A_68, %add3A_69 : i32
    "tpu.region"() ({
      %run_scoped3A_110 = tpu.sem_alloc : memref<!tpu.dma_semaphore, #tpu.memory_space<semaphore_mem>>
      %dma_start3A_111 = arith.constant 0 : i32
      %dma_start3A_112 = arith.constant 0 : i32
      %dma_start3A_113 = tpu.memref_slice %arg2[%add3A_70, %dma_start3A_111, %dma_start3A_112] : memref<640x8x128xi32, #tpu.memory_space<hbm>> -> memref<10x8x128xi32, #tpu.memory_space<hbm>>
      %dma_start3A_114 = arith.constant 0 : i32
      %dma_start3A_115 = arith.constant 0 : i32
      %dma_start3A_116 = tpu.memref_slice %arg2[%add3A_70, %dma_start3A_114, %dma_start3A_115] : memref<640x8x128xi32, #tpu.memory_space<hbm>> -> memref<10x8x128xi32, #tpu.memory_space<hbm>>
      tpu.enqueue_dma source(%dma_start3A_116 : memref<10x8x128xi32, #tpu.memory_space<hbm>>) target(%arg5 : memref<10x8x128xi32, #tpu.memory_space<vmem>>) target_semaphore(%run_scoped3A_110 : memref<!tpu.dma_semaphore, #tpu.memory_space<semaphore_mem>>)
      %dma_wait3A = arith.constant 0 : i32
      %dma_wait3A_117 = arith.constant 0 : i32
      %dma_wait3A_118 = tpu.memref_slice %arg2[%add3A_70, %dma_wait3A, %dma_wait3A_117] : memref<640x8x128xi32, #tpu.memory_space<hbm>> -> memref<10x8x128xi32, #tpu.memory_space<hbm>>
      %dma_wait3A_119 = arith.constant 0 : i32
      %dma_wait3A_120 = arith.constant 0 : i32
      %dma_wait3A_121 = tpu.memref_slice %arg2[%add3A_70, %dma_wait3A_119, %dma_wait3A_120] : memref<640x8x128xi32, #tpu.memory_space<hbm>> -> memref<10x8x128xi32, #tpu.memory_space<hbm>>
      tpu.wait_dma2 semaphore(%run_scoped3A_110 : memref<!tpu.dma_semaphore, #tpu.memory_space<semaphore_mem>>) src(%dma_wait3A_121 : memref<10x8x128xi32, #tpu.memory_space<hbm>>) dst(%arg5 : memref<10x8x128xi32, #tpu.memory_space<vmem>>)
      tpu.yield
    }) : () -> ()
    %dma_start3A_71 = arith.constant 0 : i32
    %dma_start3A_72 = arith.constant 0 : i32
    %dma_start3A_73 = arith.constant 0 : i32
    %dma_start3A_74 = arith.constant 0 : i32
    %dma_start3A_75 = arith.constant 0 : i32
    %dma_start3A_76 = tpu.memref_slice %arg6[%dma_start3A_73, %dma_start3A_74, %dma_start3A_75] : memref<2x128x128xf32, #tpu.memory_space<vmem>> -> memref<1x128x128xf32, #tpu.memory_space<vmem>>
    %dma_start3A_77 = tpu.memref_squeeze %dma_start3A_76 : memref<1x128x128xf32, #tpu.memory_space<vmem>> -> memref<128x128xf32, #tpu.memory_space<vmem>>
    %dma_start3A_78 = arith.constant 0 : i32
    %dma_start3A_79 = tpu.memref_slice %arg5[%dma_start3A_71, %dma_start3A_72, %dma_start3A_78] : memref<10x8x128xi32, #tpu.memory_space<vmem>> -> memref<1x1x128xi32, #tpu.memory_space<vmem>>
    %dma_start3A_80 = tpu.memref_squeeze %dma_start3A_79 : memref<1x1x128xi32, #tpu.memory_space<vmem>> -> memref<128xi32, #tpu.memory_space<vmem>>
    %dma_start3A_81 = arith.constant 0 : i32
    %dma_start3A_82 = arith.constant 0 : i32
    %dma_start3A_83 = tpu.memref_slice %arg3[%dma_start3A_81, %dma_start3A_82] : memref<10000x128xf32, #tpu.memory_space<hbm>> -> memref<10000x128xf32, #tpu.memory_space<hbm>>
    tpu.enqueue_indirect_dma source(%dma_start3A_83 : memref<10000x128xf32, #tpu.memory_space<hbm>>) target(%dma_start3A_77 : memref<128x128xf32, #tpu.memory_space<vmem>>) offsets(%dma_start3A_80 : memref<128xi32, #tpu.memory_space<vmem>>) semaphore(%arg8 : memref<!tpu.dma_semaphore, #tpu.memory_space<semaphore_mem>>)
    %dma_start3A_84 = arith.constant 0 : i32
    %dma_start3A_85 = arith.constant 2 : i32
    %dma_start3A_86 = arith.constant 1 : i32
    %dma_start3A_87 = arith.constant 0 : i32
    %dma_start3A_88 = arith.constant 0 : i32
    %dma_start3A_89 = tpu.memref_slice %arg6[%dma_start3A_86, %dma_start3A_87, %dma_start3A_88] : memref<2x128x128xf32, #tpu.memory_space<vmem>> -> memref<1x128x128xf32, #tpu.memory_space<vmem>>
    %dma_start3A_90 = tpu.memref_squeeze %dma_start3A_89 : memref<1x128x128xf32, #tpu.memory_space<vmem>> -> memref<128x128xf32, #tpu.memory_space<vmem>>
    %dma_start3A_91 = arith.constant 0 : i32
    %dma_start3A_92 = tpu.memref_slice %arg5[%dma_start3A_84, %dma_start3A_85, %dma_start3A_91] : memref<10x8x128xi32, #tpu.memory_space<vmem>> -> memref<1x1x128xi32, #tpu.memory_space<vmem>>
    %dma_start3A_93 = tpu.memref_squeeze %dma_start3A_92 : memref<1x1x128xi32, #tpu.memory_space<vmem>> -> memref<128xi32, #tpu.memory_space<vmem>>
    %dma_start3A_94 = arith.constant 0 : i32
    %dma_start3A_95 = arith.constant 0 : i32
    %dma_start3A_96 = tpu.memref_slice %arg3[%dma_start3A_94, %dma_start3A_95] : memref<10000x128xf32, #tpu.memory_space<hbm>> -> memref<10000x128xf32, #tpu.memory_space<hbm>>
    tpu.enqueue_indirect_dma source(%dma_start3A_96 : memref<10000x128xf32, #tpu.memory_space<hbm>>) target(%dma_start3A_90 : memref<128x128xf32, #tpu.memory_space<vmem>>) offsets(%dma_start3A_93 : memref<128xi32, #tpu.memory_space<vmem>>) semaphore(%arg9 : memref<!tpu.dma_semaphore, #tpu.memory_space<semaphore_mem>>)
    %scan3A_97 = arith.constant 0 : i32
    %scan3A_98 = arith.constant 0 : i32
    %scan3A_99 = arith.constant 1 : i32
    %scan3A_100 = arith.constant 0 : i32
    %scan3A_101 = arith.constant 10 : i32
    %scan3A_102 = arith.addi %scan3A_100, %scan3A_101 : i32
    %scan3A_103 = arith.constant 1 : i32
    scf.for %scan3A_110 = %scan3A_100 to %scan3A_102 step %scan3A_103  : i32 {
      %dma_wait3A = arith.constant 0 : i32
      %dma_wait3A_111 = arith.constant 0 : i32
      %dma_wait3A_112 = arith.constant 0 : i32
      %dma_wait3A_113 = tpu.memref_slice %arg6[%scan3A_98, %dma_wait3A_111, %dma_wait3A_112] : memref<2x128x128xf32, #tpu.memory_space<vmem>> -> memref<1x128x128xf32, #tpu.memory_space<vmem>>
      %dma_wait3A_114 = tpu.memref_squeeze %dma_wait3A_113 : memref<1x128x128xf32, #tpu.memory_space<vmem>> -> memref<128x128xf32, #tpu.memory_space<vmem>>
      %dma_wait3A_115 = arith.constant 0 : i32
      %dma_wait3A_116 = tpu.memref_slice %arg5[%scan3A_110, %dma_wait3A, %dma_wait3A_115] : memref<10x8x128xi32, #tpu.memory_space<vmem>> -> memref<1x1x128xi32, #tpu.memory_space<vmem>>
      %dma_wait3A_117 = tpu.memref_squeeze %dma_wait3A_116 : memref<1x1x128xi32, #tpu.memory_space<vmem>> -> memref<128xi32, #tpu.memory_space<vmem>>
      %dma_wait3A_118 = arith.constant 0 : i32
      %dma_wait3A_119 = arith.constant 0 : i32
      %dma_wait3A_120 = tpu.memref_slice %arg3[%dma_wait3A_118, %dma_wait3A_119] : memref<10000x128xf32, #tpu.memory_space<hbm>> -> memref<10000x128xf32, #tpu.memory_space<hbm>>
      tpu.wait_indirect_dma semaphore(%arg8 : memref<!tpu.dma_semaphore, #tpu.memory_space<semaphore_mem>>) src(%dma_wait3A_120 : memref<10000x128xf32, #tpu.memory_space<hbm>>) dst(%dma_wait3A_114 : memref<128x128xf32, #tpu.memory_space<vmem>>)
      %run_scoped3A_121 = arith.constant 1 : i32
      "tpu.region"() ({
        %run_scoped3A_191 = tpu.sem_alloc : memref<!tpu.dma_semaphore, #tpu.memory_space<semaphore_mem>>
        %dma_start3A_192 = arith.constant 0 : i32
        %dma_start3A_193 = arith.constant 0 : i32
        %dma_start3A_194 = tpu.memref_slice %arg6[%scan3A_98, %dma_start3A_192, %dma_start3A_193] : memref<2x128x128xf32, #tpu.memory_space<vmem>> -> memref<1x128x128xf32, #tpu.memory_space<vmem>>
        %dma_start3A_195 = tpu.memref_squeeze %dma_start3A_194 : memref<1x128x128xf32, #tpu.memory_space<vmem>> -> memref<128x128xf32, #tpu.memory_space<vmem>>
        %dma_start3A_196 = arith.constant 0 : i32
        %dma_start3A_197 = tpu.memref_slice %arg5[%scan3A_110, %run_scoped3A_121, %dma_start3A_196] : memref<10x8x128xi32, #tpu.memory_space<vmem>> -> memref<1x1x128xi32, #tpu.memory_space<vmem>>
        %dma_start3A_198 = tpu.memref_squeeze %dma_start3A_197 : memref<1x1x128xi32, #tpu.memory_space<vmem>> -> memref<128xi32, #tpu.memory_space<vmem>>
        %dma_start3A_199 = arith.constant 0 : i32
        %dma_start3A_200 = arith.constant 0 : i32
        %dma_start3A_201 = tpu.memref_slice %arg7[%dma_start3A_199, %dma_start3A_200] : memref<10240x128xf32, #tpu.memory_space<vmem_shared>> -> memref<10240x128xf32, #tpu.memory_space<vmem_shared>>
        tpu.enqueue_indirect_dma source(%dma_start3A_195 : memref<128x128xf32, #tpu.memory_space<vmem>>) target(%dma_start3A_201 : memref<10240x128xf32, #tpu.memory_space<vmem_shared>>) offsets(%dma_start3A_198 : memref<128xi32, #tpu.memory_space<vmem>>) semaphore(%run_scoped3A_191 : memref<!tpu.dma_semaphore, #tpu.memory_space<semaphore_mem>>) {add = true}
        %dma_wait3A_202 = arith.constant 0 : i32
        %dma_wait3A_203 = arith.constant 0 : i32
        %dma_wait3A_204 = tpu.memref_slice %arg6[%scan3A_98, %dma_wait3A_202, %dma_wait3A_203] : memref<2x128x128xf32, #tpu.memory_space<vmem>> -> memref<1x128x128xf32, #tpu.memory_space<vmem>>
        %dma_wait3A_205 = tpu.memref_squeeze %dma_wait3A_204 : memref<1x128x128xf32, #tpu.memory_space<vmem>> -> memref<128x128xf32, #tpu.memory_space<vmem>>
        %dma_wait3A_206 = arith.constant 0 : i32
        %dma_wait3A_207 = tpu.memref_slice %arg5[%scan3A_110, %run_scoped3A_121, %dma_wait3A_206] : memref<10x8x128xi32, #tpu.memory_space<vmem>> -> memref<1x1x128xi32, #tpu.memory_space<vmem>>
        %dma_wait3A_208 = tpu.memref_squeeze %dma_wait3A_207 : memref<1x1x128xi32, #tpu.memory_space<vmem>> -> memref<128xi32, #tpu.memory_space<vmem>>
        %dma_wait3A_209 = arith.constant 0 : i32
        %dma_wait3A_210 = arith.constant 0 : i32
        %dma_wait3A_211 = tpu.memref_slice %arg7[%dma_wait3A_209, %dma_wait3A_210] : memref<10240x128xf32, #tpu.memory_space<vmem_shared>> -> memref<10240x128xf32, #tpu.memory_space<vmem_shared>>
        tpu.wait_indirect_dma semaphore(%run_scoped3A_191 : memref<!tpu.dma_semaphore, #tpu.memory_space<semaphore_mem>>) src(%dma_wait3A_205 : memref<128x128xf32, #tpu.memory_space<vmem>>) dst(%dma_wait3A_211 : memref<10240x128xf32, #tpu.memory_space<vmem_shared>>)
        tpu.yield
      }) : () -> ()
      %dma_start3A_122 = arith.constant 4 : i32
      %dma_start3A_123 = arith.constant 0 : i32
      %dma_start3A_124 = arith.constant 0 : i32
      %dma_start3A_125 = tpu.memref_slice %arg6[%scan3A_98, %dma_start3A_123, %dma_start3A_124] : memref<2x128x128xf32, #tpu.memory_space<vmem>> -> memref<1x128x128xf32, #tpu.memory_space<vmem>>
      %dma_start3A_126 = tpu.memref_squeeze %dma_start3A_125 : memref<1x128x128xf32, #tpu.memory_space<vmem>> -> memref<128x128xf32, #tpu.memory_space<vmem>>
      %dma_start3A_127 = arith.constant 0 : i32
      %dma_start3A_128 = tpu.memref_slice %arg5[%scan3A_110, %dma_start3A_122, %dma_start3A_127] : memref<10x8x128xi32, #tpu.memory_space<vmem>> -> memref<1x1x128xi32, #tpu.memory_space<vmem>>
      %dma_start3A_129 = tpu.memref_squeeze %dma_start3A_128 : memref<1x1x128xi32, #tpu.memory_space<vmem>> -> memref<128xi32, #tpu.memory_space<vmem>>
      %dma_start3A_130 = arith.constant 0 : i32
      %dma_start3A_131 = arith.constant 0 : i32
      %dma_start3A_132 = tpu.memref_slice %arg3[%dma_start3A_130, %dma_start3A_131] : memref<10000x128xf32, #tpu.memory_space<hbm>> -> memref<10000x128xf32, #tpu.memory_space<hbm>>
      tpu.enqueue_indirect_dma source(%dma_start3A_132 : memref<10000x128xf32, #tpu.memory_space<hbm>>) target(%dma_start3A_126 : memref<128x128xf32, #tpu.memory_space<vmem>>) offsets(%dma_start3A_129 : memref<128xi32, #tpu.memory_space<vmem>>) semaphore(%arg8 : memref<!tpu.dma_semaphore, #tpu.memory_space<semaphore_mem>>)
      %dma_wait3A_133 = arith.constant 2 : i32
      %dma_wait3A_134 = arith.constant 0 : i32
      %dma_wait3A_135 = arith.constant 0 : i32
      %dma_wait3A_136 = tpu.memref_slice %arg6[%scan3A_99, %dma_wait3A_134, %dma_wait3A_135] : memref<2x128x128xf32, #tpu.memory_space<vmem>> -> memref<1x128x128xf32, #tpu.memory_space<vmem>>
      %dma_wait3A_137 = tpu.memref_squeeze %dma_wait3A_136 : memref<1x128x128xf32, #tpu.memory_space<vmem>> -> memref<128x128xf32, #tpu.memory_space<vmem>>
      %dma_wait3A_138 = arith.constant 0 : i32
      %dma_wait3A_139 = tpu.memref_slice %arg5[%scan3A_110, %dma_wait3A_133, %dma_wait3A_138] : memref<10x8x128xi32, #tpu.memory_space<vmem>> -> memref<1x1x128xi32, #tpu.memory_space<vmem>>
      %dma_wait3A_140 = tpu.memref_squeeze %dma_wait3A_139 : memref<1x1x128xi32, #tpu.memory_space<vmem>> -> memref<128xi32, #tpu.memory_space<vmem>>
      %dma_wait3A_141 = arith.constant 0 : i32
      %dma_wait3A_142 = arith.constant 0 : i32
      %dma_wait3A_143 = tpu.memref_slice %arg3[%dma_wait3A_141, %dma_wait3A_142] : memref<10000x128xf32, #tpu.memory_space<hbm>> -> memref<10000x128xf32, #tpu.memory_space<hbm>>
      tpu.wait_indirect_dma semaphore(%arg9 : memref<!tpu.dma_semaphore, #tpu.memory_space<semaphore_mem>>) src(%dma_wait3A_143 : memref<10000x128xf32, #tpu.memory_space<hbm>>) dst(%dma_wait3A_137 : memref<128x128xf32, #tpu.memory_space<vmem>>)
      %run_scoped3A_144 = arith.constant 3 : i32
      "tpu.region"() ({
        %run_scoped3A_191 = tpu.sem_alloc : memref<!tpu.dma_semaphore, #tpu.memory_space<semaphore_mem>>
        %dma_start3A_192 = arith.constant 0 : i32
        %dma_start3A_193 = arith.constant 0 : i32
        %dma_start3A_194 = tpu.memref_slice %arg6[%scan3A_99, %dma_start3A_192, %dma_start3A_193] : memref<2x128x128xf32, #tpu.memory_space<vmem>> -> memref<1x128x128xf32, #tpu.memory_space<vmem>>
        %dma_start3A_195 = tpu.memref_squeeze %dma_start3A_194 : memref<1x128x128xf32, #tpu.memory_space<vmem>> -> memref<128x128xf32, #tpu.memory_space<vmem>>
        %dma_start3A_196 = arith.constant 0 : i32
        %dma_start3A_197 = tpu.memref_slice %arg5[%scan3A_110, %run_scoped3A_144, %dma_start3A_196] : memref<10x8x128xi32, #tpu.memory_space<vmem>> -> memref<1x1x128xi32, #tpu.memory_space<vmem>>
        %dma_start3A_198 = tpu.memref_squeeze %dma_start3A_197 : memref<1x1x128xi32, #tpu.memory_space<vmem>> -> memref<128xi32, #tpu.memory_space<vmem>>
        %dma_start3A_199 = arith.constant 0 : i32
        %dma_start3A_200 = arith.constant 0 : i32
        %dma_start3A_201 = tpu.memref_slice %arg7[%dma_start3A_199, %dma_start3A_200] : memref<10240x128xf32, #tpu.memory_space<vmem_shared>> -> memref<10240x128xf32, #tpu.memory_space<vmem_shared>>
        tpu.enqueue_indirect_dma source(%dma_start3A_195 : memref<128x128xf32, #tpu.memory_space<vmem>>) target(%dma_start3A_201 : memref<10240x128xf32, #tpu.memory_space<vmem_shared>>) offsets(%dma_start3A_198 : memref<128xi32, #tpu.memory_space<vmem>>) semaphore(%run_scoped3A_191 : memref<!tpu.dma_semaphore, #tpu.memory_space<semaphore_mem>>) {add = true}
        %dma_wait3A_202 = arith.constant 0 : i32
        %dma_wait3A_203 = arith.constant 0 : i32
        %dma_wait3A_204 = tpu.memref_slice %arg6[%scan3A_99, %dma_wait3A_202, %dma_wait3A_203] : memref<2x128x128xf32, #tpu.memory_space<vmem>> -> memref<1x128x128xf32, #tpu.memory_space<vmem>>
        %dma_wait3A_205 = tpu.memref_squeeze %dma_wait3A_204 : memref<1x128x128xf32, #tpu.memory_space<vmem>> -> memref<128x128xf32, #tpu.memory_space<vmem>>
        %dma_wait3A_206 = arith.constant 0 : i32
        %dma_wait3A_207 = tpu.memref_slice %arg5[%scan3A_110, %run_scoped3A_144, %dma_wait3A_206] : memref<10x8x128xi32, #tpu.memory_space<vmem>> -> memref<1x1x128xi32, #tpu.memory_space<vmem>>
        %dma_wait3A_208 = tpu.memref_squeeze %dma_wait3A_207 : memref<1x1x128xi32, #tpu.memory_space<vmem>> -> memref<128xi32, #tpu.memory_space<vmem>>
        %dma_wait3A_209 = arith.constant 0 : i32
        %dma_wait3A_210 = arith.constant 0 : i32
        %dma_wait3A_211 = tpu.memref_slice %arg7[%dma_wait3A_209, %dma_wait3A_210] : memref<10240x128xf32, #tpu.memory_space<vmem_shared>> -> memref<10240x128xf32, #tpu.memory_space<vmem_shared>>
        tpu.wait_indirect_dma semaphore(%run_scoped3A_191 : memref<!tpu.dma_semaphore, #tpu.memory_space<semaphore_mem>>) src(%dma_wait3A_205 : memref<128x128xf32, #tpu.memory_space<vmem>>) dst(%dma_wait3A_211 : memref<10240x128xf32, #tpu.memory_space<vmem_shared>>)
        tpu.yield
      }) : () -> ()
      %dma_start3A_145 = arith.constant 6 : i32
      %dma_start3A_146 = arith.constant 0 : i32
      %dma_start3A_147 = arith.constant 0 : i32
      %dma_start3A_148 = tpu.memref_slice %arg6[%scan3A_99, %dma_start3A_146, %dma_start3A_147] : memref<2x128x128xf32, #tpu.memory_space<vmem>> -> memref<1x128x128xf32, #tpu.memory_space<vmem>>
      %dma_start3A_149 = tpu.memref_squeeze %dma_start3A_148 : memref<1x128x128xf32, #tpu.memory_space<vmem>> -> memref<128x128xf32, #tpu.memory_space<vmem>>
      %dma_start3A_150 = arith.constant 0 : i32
      %dma_start3A_151 = tpu.memref_slice %arg5[%scan3A_110, %dma_start3A_145, %dma_start3A_150] : memref<10x8x128xi32, #tpu.memory_space<vmem>> -> memref<1x1x128xi32, #tpu.memory_space<vmem>>
      %dma_start3A_152 = tpu.memref_squeeze %dma_start3A_151 : memref<1x1x128xi32, #tpu.memory_space<vmem>> -> memref<128xi32, #tpu.memory_space<vmem>>
      %dma_start3A_153 = arith.constant 0 : i32
      %dma_start3A_154 = arith.constant 0 : i32
      %dma_start3A_155 = tpu.memref_slice %arg3[%dma_start3A_153, %dma_start3A_154] : memref<10000x128xf32, #tpu.memory_space<hbm>> -> memref<10000x128xf32, #tpu.memory_space<hbm>>
      tpu.enqueue_indirect_dma source(%dma_start3A_155 : memref<10000x128xf32, #tpu.memory_space<hbm>>) target(%dma_start3A_149 : memref<128x128xf32, #tpu.memory_space<vmem>>) offsets(%dma_start3A_152 : memref<128xi32, #tpu.memory_space<vmem>>) semaphore(%arg9 : memref<!tpu.dma_semaphore, #tpu.memory_space<semaphore_mem>>)
      %dma_wait3A_156 = arith.constant 4 : i32
      %dma_wait3A_157 = arith.constant 0 : i32
      %dma_wait3A_158 = arith.constant 0 : i32
      %dma_wait3A_159 = tpu.memref_slice %arg6[%scan3A_98, %dma_wait3A_157, %dma_wait3A_158] : memref<2x128x128xf32, #tpu.memory_space<vmem>> -> memref<1x128x128xf32, #tpu.memory_space<vmem>>
      %dma_wait3A_160 = tpu.memref_squeeze %dma_wait3A_159 : memref<1x128x128xf32, #tpu.memory_space<vmem>> -> memref<128x128xf32, #tpu.memory_space<vmem>>
      %dma_wait3A_161 = arith.constant 0 : i32
      %dma_wait3A_162 = tpu.memref_slice %arg5[%scan3A_110, %dma_wait3A_156, %dma_wait3A_161] : memref<10x8x128xi32, #tpu.memory_space<vmem>> -> memref<1x1x128xi32, #tpu.memory_space<vmem>>
      %dma_wait3A_163 = tpu.memref_squeeze %dma_wait3A_162 : memref<1x1x128xi32, #tpu.memory_space<vmem>> -> memref<128xi32, #tpu.memory_space<vmem>>
      %dma_wait3A_164 = arith.constant 0 : i32
      %dma_wait3A_165 = arith.constant 0 : i32
      %dma_wait3A_166 = tpu.memref_slice %arg3[%dma_wait3A_164, %dma_wait3A_165] : memref<10000x128xf32, #tpu.memory_space<hbm>> -> memref<10000x128xf32, #tpu.memory_space<hbm>>
      tpu.wait_indirect_dma semaphore(%arg8 : memref<!tpu.dma_semaphore, #tpu.memory_space<semaphore_mem>>) src(%dma_wait3A_166 : memref<10000x128xf32, #tpu.memory_space<hbm>>) dst(%dma_wait3A_160 : memref<128x128xf32, #tpu.memory_space<vmem>>)
      %run_scoped3A_167 = arith.constant 5 : i32
      "tpu.region"() ({
        %run_scoped3A_191 = tpu.sem_alloc : memref<!tpu.dma_semaphore, #tpu.memory_space<semaphore_mem>>
        %dma_start3A_192 = arith.constant 0 : i32
        %dma_start3A_193 = arith.constant 0 : i32
        %dma_start3A_194 = tpu.memref_slice %arg6[%scan3A_98, %dma_start3A_192, %dma_start3A_193] : memref<2x128x128xf32, #tpu.memory_space<vmem>> -> memref<1x128x128xf32, #tpu.memory_space<vmem>>
        %dma_start3A_195 = tpu.memref_squeeze %dma_start3A_194 : memref<1x128x128xf32, #tpu.memory_space<vmem>> -> memref<128x128xf32, #tpu.memory_space<vmem>>
        %dma_start3A_196 = arith.constant 0 : i32
        %dma_start3A_197 = tpu.memref_slice %arg5[%scan3A_110, %run_scoped3A_167, %dma_start3A_196] : memref<10x8x128xi32, #tpu.memory_space<vmem>> -> memref<1x1x128xi32, #tpu.memory_space<vmem>>
        %dma_start3A_198 = tpu.memref_squeeze %dma_start3A_197 : memref<1x1x128xi32, #tpu.memory_space<vmem>> -> memref<128xi32, #tpu.memory_space<vmem>>
        %dma_start3A_199 = arith.constant 0 : i32
        %dma_start3A_200 = arith.constant 0 : i32
        %dma_start3A_201 = tpu.memref_slice %arg7[%dma_start3A_199, %dma_start3A_200] : memref<10240x128xf32, #tpu.memory_space<vmem_shared>> -> memref<10240x128xf32, #tpu.memory_space<vmem_shared>>
        tpu.enqueue_indirect_dma source(%dma_start3A_195 : memref<128x128xf32, #tpu.memory_space<vmem>>) target(%dma_start3A_201 : memref<10240x128xf32, #tpu.memory_space<vmem_shared>>) offsets(%dma_start3A_198 : memref<128xi32, #tpu.memory_space<vmem>>) semaphore(%run_scoped3A_191 : memref<!tpu.dma_semaphore, #tpu.memory_space<semaphore_mem>>) {add = true}
        %dma_wait3A_202 = arith.constant 0 : i32
        %dma_wait3A_203 = arith.constant 0 : i32
        %dma_wait3A_204 = tpu.memref_slice %arg6[%scan3A_98, %dma_wait3A_202, %dma_wait3A_203] : memref<2x128x128xf32, #tpu.memory_space<vmem>> -> memref<1x128x128xf32, #tpu.memory_space<vmem>>
        %dma_wait3A_205 = tpu.memref_squeeze %dma_wait3A_204 : memref<1x128x128xf32, #tpu.memory_space<vmem>> -> memref<128x128xf32, #tpu.memory_space<vmem>>
        %dma_wait3A_206 = arith.constant 0 : i32
        %dma_wait3A_207 = tpu.memref_slice %arg5[%scan3A_110, %run_scoped3A_167, %dma_wait3A_206] : memref<10x8x128xi32, #tpu.memory_space<vmem>> -> memref<1x1x128xi32, #tpu.memory_space<vmem>>
        %dma_wait3A_208 = tpu.memref_squeeze %dma_wait3A_207 : memref<1x1x128xi32, #tpu.memory_space<vmem>> -> memref<128xi32, #tpu.memory_space<vmem>>
        %dma_wait3A_209 = arith.constant 0 : i32
        %dma_wait3A_210 = arith.constant 0 : i32
        %dma_wait3A_211 = tpu.memref_slice %arg7[%dma_wait3A_209, %dma_wait3A_210] : memref<10240x128xf32, #tpu.memory_space<vmem_shared>> -> memref<10240x128xf32, #tpu.memory_space<vmem_shared>>
        tpu.wait_indirect_dma semaphore(%run_scoped3A_191 : memref<!tpu.dma_semaphore, #tpu.memory_space<semaphore_mem>>) src(%dma_wait3A_205 : memref<128x128xf32, #tpu.memory_space<vmem>>) dst(%dma_wait3A_211 : memref<10240x128xf32, #tpu.memory_space<vmem_shared>>)
        tpu.yield
      }) : () -> ()
      %add3A_168 = arith.constant 1 : i32
      %add3A_169 = arith.addi %scan3A_110, %add3A_168 : i32
      %lt3A = arith.constant 10 : i32
      %lt3A_170 = arith.cmpi slt, %add3A_169, %lt3A : i32
      %convert_element_type3A = arith.extui %lt3A_170 : i1 to i32
      %cond3A = arith.constant 0 : i32
      %cond3A_171 = arith.cmpi ne, %convert_element_type3A, %cond3A : i32
      scf.if %cond3A_171 {
        %add3A_191 = arith.constant 1 : i32
        %add3A_192 = arith.addi %scan3A_110, %add3A_191 : i32
        %dma_start3A_193 = arith.constant 0 : i32
        %dma_start3A_194 = arith.constant 0 : i32
        %dma_start3A_195 = arith.constant 0 : i32
        %dma_start3A_196 = tpu.memref_slice %arg6[%scan3A_98, %dma_start3A_194, %dma_start3A_195] : memref<2x128x128xf32, #tpu.memory_space<vmem>> -> memref<1x128x128xf32, #tpu.memory_space<vmem>>
        %dma_start3A_197 = tpu.memref_squeeze %dma_start3A_196 : memref<1x128x128xf32, #tpu.memory_space<vmem>> -> memref<128x128xf32, #tpu.memory_space<vmem>>
        %dma_start3A_198 = arith.constant 0 : i32
        %dma_start3A_199 = tpu.memref_slice %arg5[%add3A_192, %dma_start3A_193, %dma_start3A_198] : memref<10x8x128xi32, #tpu.memory_space<vmem>> -> memref<1x1x128xi32, #tpu.memory_space<vmem>>
        %dma_start3A_200 = tpu.memref_squeeze %dma_start3A_199 : memref<1x1x128xi32, #tpu.memory_space<vmem>> -> memref<128xi32, #tpu.memory_space<vmem>>
        %dma_start3A_201 = arith.constant 0 : i32
        %dma_start3A_202 = arith.constant 0 : i32
        %dma_start3A_203 = tpu.memref_slice %arg3[%dma_start3A_201, %dma_start3A_202] : memref<10000x128xf32, #tpu.memory_space<hbm>> -> memref<10000x128xf32, #tpu.memory_space<hbm>>
        tpu.enqueue_indirect_dma source(%dma_start3A_203 : memref<10000x128xf32, #tpu.memory_space<hbm>>) target(%dma_start3A_197 : memref<128x128xf32, #tpu.memory_space<vmem>>) offsets(%dma_start3A_200 : memref<128xi32, #tpu.memory_space<vmem>>) semaphore(%arg8 : memref<!tpu.dma_semaphore, #tpu.memory_space<semaphore_mem>>)
      } else {
      }
      %dma_wait3A_172 = arith.constant 6 : i32
      %dma_wait3A_173 = arith.constant 0 : i32
      %dma_wait3A_174 = arith.constant 0 : i32
      %dma_wait3A_175 = tpu.memref_slice %arg6[%scan3A_99, %dma_wait3A_173, %dma_wait3A_174] : memref<2x128x128xf32, #tpu.memory_space<vmem>> -> memref<1x128x128xf32, #tpu.memory_space<vmem>>
      %dma_wait3A_176 = tpu.memref_squeeze %dma_wait3A_175 : memref<1x128x128xf32, #tpu.memory_space<vmem>> -> memref<128x128xf32, #tpu.memory_space<vmem>>
      %dma_wait3A_177 = arith.constant 0 : i32
      %dma_wait3A_178 = tpu.memref_slice %arg5[%scan3A_110, %dma_wait3A_172, %dma_wait3A_177] : memref<10x8x128xi32, #tpu.memory_space<vmem>> -> memref<1x1x128xi32, #tpu.memory_space<vmem>>
      %dma_wait3A_179 = tpu.memref_squeeze %dma_wait3A_178 : memref<1x1x128xi32, #tpu.memory_space<vmem>> -> memref<128xi32, #tpu.memory_space<vmem>>
      %dma_wait3A_180 = arith.constant 0 : i32
      %dma_wait3A_181 = arith.constant 0 : i32
      %dma_wait3A_182 = tpu.memref_slice %arg3[%dma_wait3A_180, %dma_wait3A_181] : memref<10000x128xf32, #tpu.memory_space<hbm>> -> memref<10000x128xf32, #tpu.memory_space<hbm>>
      tpu.wait_indirect_dma semaphore(%arg9 : memref<!tpu.dma_semaphore, #tpu.memory_space<semaphore_mem>>) src(%dma_wait3A_182 : memref<10000x128xf32, #tpu.memory_space<hbm>>) dst(%dma_wait3A_176 : memref<128x128xf32, #tpu.memory_space<vmem>>)
      %run_scoped3A_183 = arith.constant 7 : i32
      "tpu.region"() ({
        %run_scoped3A_191 = tpu.sem_alloc : memref<!tpu.dma_semaphore, #tpu.memory_space<semaphore_mem>>
        %dma_start3A_192 = arith.constant 0 : i32
        %dma_start3A_193 = arith.constant 0 : i32
        %dma_start3A_194 = tpu.memref_slice %arg6[%scan3A_99, %dma_start3A_192, %dma_start3A_193] : memref<2x128x128xf32, #tpu.memory_space<vmem>> -> memref<1x128x128xf32, #tpu.memory_space<vmem>>
        %dma_start3A_195 = tpu.memref_squeeze %dma_start3A_194 : memref<1x128x128xf32, #tpu.memory_space<vmem>> -> memref<128x128xf32, #tpu.memory_space<vmem>>
        %dma_start3A_196 = arith.constant 0 : i32
        %dma_start3A_197 = tpu.memref_slice %arg5[%scan3A_110, %run_scoped3A_183, %dma_start3A_196] : memref<10x8x128xi32, #tpu.memory_space<vmem>> -> memref<1x1x128xi32, #tpu.memory_space<vmem>>
        %dma_start3A_198 = tpu.memref_squeeze %dma_start3A_197 : memref<1x1x128xi32, #tpu.memory_space<vmem>> -> memref<128xi32, #tpu.memory_space<vmem>>
        %dma_start3A_199 = arith.constant 0 : i32
        %dma_start3A_200 = arith.constant 0 : i32
        %dma_start3A_201 = tpu.memref_slice %arg7[%dma_start3A_199, %dma_start3A_200] : memref<10240x128xf32, #tpu.memory_space<vmem_shared>> -> memref<10240x128xf32, #tpu.memory_space<vmem_shared>>
        tpu.enqueue_indirect_dma source(%dma_start3A_195 : memref<128x128xf32, #tpu.memory_space<vmem>>) target(%dma_start3A_201 : memref<10240x128xf32, #tpu.memory_space<vmem_shared>>) offsets(%dma_start3A_198 : memref<128xi32, #tpu.memory_space<vmem>>) semaphore(%run_scoped3A_191 : memref<!tpu.dma_semaphore, #tpu.memory_space<semaphore_mem>>) {add = true}
        %dma_wait3A_202 = arith.constant 0 : i32
        %dma_wait3A_203 = arith.constant 0 : i32
        %dma_wait3A_204 = tpu.memref_slice %arg6[%scan3A_99, %dma_wait3A_202, %dma_wait3A_203] : memref<2x128x128xf32, #tpu.memory_space<vmem>> -> memref<1x128x128xf32, #tpu.memory_space<vmem>>
        %dma_wait3A_205 = tpu.memref_squeeze %dma_wait3A_204 : memref<1x128x128xf32, #tpu.memory_space<vmem>> -> memref<128x128xf32, #tpu.memory_space<vmem>>
        %dma_wait3A_206 = arith.constant 0 : i32
        %dma_wait3A_207 = tpu.memref_slice %arg5[%scan3A_110, %run_scoped3A_183, %dma_wait3A_206] : memref<10x8x128xi32, #tpu.memory_space<vmem>> -> memref<1x1x128xi32, #tpu.memory_space<vmem>>
        %dma_wait3A_208 = tpu.memref_squeeze %dma_wait3A_207 : memref<1x1x128xi32, #tpu.memory_space<vmem>> -> memref<128xi32, #tpu.memory_space<vmem>>
        %dma_wait3A_209 = arith.constant 0 : i32
        %dma_wait3A_210 = arith.constant 0 : i32
        %dma_wait3A_211 = tpu.memref_slice %arg7[%dma_wait3A_209, %dma_wait3A_210] : memref<10240x128xf32, #tpu.memory_space<vmem_shared>> -> memref<10240x128xf32, #tpu.memory_space<vmem_shared>>
        tpu.wait_indirect_dma semaphore(%run_scoped3A_191 : memref<!tpu.dma_semaphore, #tpu.memory_space<semaphore_mem>>) src(%dma_wait3A_205 : memref<128x128xf32, #tpu.memory_space<vmem>>) dst(%dma_wait3A_211 : memref<10240x128xf32, #tpu.memory_space<vmem_shared>>)
        tpu.yield
      }) : () -> ()
      %add3A_184 = arith.constant 1 : i32
      %add3A_185 = arith.addi %scan3A_110, %add3A_184 : i32
      %lt3A_186 = arith.constant 10 : i32
      %lt3A_187 = arith.cmpi slt, %add3A_185, %lt3A_186 : i32
      %convert_element_type3A_188 = arith.extui %lt3A_187 : i1 to i32
      %cond3A_189 = arith.constant 0 : i32
      %cond3A_190 = arith.cmpi ne, %convert_element_type3A_188, %cond3A_189 : i32
      scf.if %cond3A_190 {
        %add3A_191 = arith.constant 1 : i32
        %add3A_192 = arith.addi %scan3A_110, %add3A_191 : i32
        %dma_start3A_193 = arith.constant 2 : i32
        %dma_start3A_194 = arith.constant 0 : i32
        %dma_start3A_195 = arith.constant 0 : i32
        %dma_start3A_196 = tpu.memref_slice %arg6[%scan3A_99, %dma_start3A_194, %dma_start3A_195] : memref<2x128x128xf32, #tpu.memory_space<vmem>> -> memref<1x128x128xf32, #tpu.memory_space<vmem>>
        %dma_start3A_197 = tpu.memref_squeeze %dma_start3A_196 : memref<1x128x128xf32, #tpu.memory_space<vmem>> -> memref<128x128xf32, #tpu.memory_space<vmem>>
        %dma_start3A_198 = arith.constant 0 : i32
        %dma_start3A_199 = tpu.memref_slice %arg5[%add3A_192, %dma_start3A_193, %dma_start3A_198] : memref<10x8x128xi32, #tpu.memory_space<vmem>> -> memref<1x1x128xi32, #tpu.memory_space<vmem>>
        %dma_start3A_200 = tpu.memref_squeeze %dma_start3A_199 : memref<1x1x128xi32, #tpu.memory_space<vmem>> -> memref<128xi32, #tpu.memory_space<vmem>>
        %dma_start3A_201 = arith.constant 0 : i32
        %dma_start3A_202 = arith.constant 0 : i32
        %dma_start3A_203 = tpu.memref_slice %arg3[%dma_start3A_201, %dma_start3A_202] : memref<10000x128xf32, #tpu.memory_space<hbm>> -> memref<10000x128xf32, #tpu.memory_space<hbm>>
        tpu.enqueue_indirect_dma source(%dma_start3A_203 : memref<10000x128xf32, #tpu.memory_space<hbm>>) target(%dma_start3A_197 : memref<128x128xf32, #tpu.memory_space<vmem>>) offsets(%dma_start3A_200 : memref<128xi32, #tpu.memory_space<vmem>>) semaphore(%arg9 : memref<!tpu.dma_semaphore, #tpu.memory_space<semaphore_mem>>)
      } else {
      }
    }
    %scan3A_104 = arith.constant 10 : i32
    %barrier3A_105 = arith.constant 0 : index
    tpu.barrier barrier_id(%barrier3A_105)
    %mul3A_106 = arith.constant 640 : i32
    %mul3A_107 = arith.muli %arg1, %mul3A_106 : i32
    %mul3A_108 = arith.constant 640 : i32
    %mul3A_109 = arith.muli %arg1, %mul3A_108 : i32
    "tpu.region"() ({
      %run_scoped3A_110 = tpu.sem_alloc : memref<!tpu.dma_semaphore, #tpu.memory_space<semaphore_mem>>
      %dma_start3A_111 = arith.constant 0 : i32
      %dma_start3A_112 = tpu.memref_slice %arg4[%arg0, %mul3A_109, %dma_start3A_111] : memref<2x10240x128xf32, #tpu.memory_space<hbm>> -> memref<1x640x128xf32, #tpu.memory_space<hbm>>
      %dma_start3A_113 = tpu.memref_squeeze %dma_start3A_112 : memref<1x640x128xf32, #tpu.memory_space<hbm>> -> memref<640x128xf32, #tpu.memory_space<hbm>>
      %dma_start3A_114 = arith.constant 0 : i32
      %dma_start3A_115 = tpu.memref_slice %arg7[%mul3A_107, %dma_start3A_114] : memref<10240x128xf32, #tpu.memory_space<vmem_shared>> -> memref<640x128xf32, #tpu.memory_space<vmem_shared>>
      tpu.enqueue_dma source(%dma_start3A_115 : memref<640x128xf32, #tpu.memory_space<vmem_shared>>) target(%dma_start3A_113 : memref<640x128xf32, #tpu.memory_space<hbm>>) target_semaphore(%run_scoped3A_110 : memref<!tpu.dma_semaphore, #tpu.memory_space<semaphore_mem>>)
      %dma_wait3A = arith.constant 0 : i32
      %dma_wait3A_116 = tpu.memref_slice %arg4[%arg0, %mul3A_109, %dma_wait3A] : memref<2x10240x128xf32, #tpu.memory_space<hbm>> -> memref<1x640x128xf32, #tpu.memory_space<hbm>>
      %dma_wait3A_117 = tpu.memref_squeeze %dma_wait3A_116 : memref<1x640x128xf32, #tpu.memory_space<hbm>> -> memref<640x128xf32, #tpu.memory_space<hbm>>
      %dma_wait3A_118 = arith.constant 0 : i32
      %dma_wait3A_119 = tpu.memref_slice %arg7[%mul3A_107, %dma_wait3A_118] : memref<10240x128xf32, #tpu.memory_space<vmem_shared>> -> memref<640x128xf32, #tpu.memory_space<vmem_shared>>
      tpu.wait_dma2 semaphore(%run_scoped3A_110 : memref<!tpu.dma_semaphore, #tpu.memory_space<semaphore_mem>>) src(%dma_wait3A_119 : memref<640x128xf32, #tpu.memory_space<vmem_shared>>) dst(%dma_wait3A_117 : memref<640x128xf32, #tpu.memory_space<hbm>>)
      tpu.yield
    }) : () -> ()
    return
  }
}

#map = affine_map<(d0, d1) -> (0, 0, 0)>
#map1 = affine_map<(d0, d1) -> (0, 0)>
module attributes {stable_mosaic.version = 14 : i64} {
  func.func @run(%arg0: i32, %arg1: i32, %arg2: memref<640x8x128xi32, #tpu.memory_space<hbm>>, %arg3: memref<10000x128xf32, #tpu.memory_space<hbm>>, %arg4: memref<2x10240x128xf32, #tpu.memory_space<hbm>>, %arg5: memref<10x8x128xi32, #tpu.memory_space<vmem>>, %arg6: memref<2x128x128xf32, #tpu.memory_space<vmem>>, %arg7: memref<10240x128xf32, #tpu.memory_space<vmem_shared>>, %arg8: memref<!tpu.dma_semaphore, #tpu.memory_space<semaphore_mem>>, %arg9: memref<!tpu.dma_semaphore, #tpu.memory_space<semaphore_mem>>) attributes {dimension_semantics = [#tpu.dimension_semantics<core_parallel>, #tpu.dimension_semantics<subcore_parallel>], iteration_bounds = array<i64: 2, 16>, scalar_prefetch = 0 : i64, scratch_operands = 5 : i64, tpu.core_type = #tpu.core_type<sc_vector_subcore>, window_params = [{transform_indices = #map}, {transform_indices = #map1}, {transform_indices = #map}]} {
    %mul3A = arith.constant 2 : i32
    %mul3A_0 = arith.muli %arg1, %mul3A : i32
    %add3A = arith.addi %mul3A_0, %arg0 : i32
    %scan3A = arith.constant 0 : i32
    %scan3A_1 = arith.constant 0 : i32
    %scan3A_2 = arith.constant 128 : i32
    %scan3A_3 = arith.addi %scan3A_1, %scan3A_2 : i32
    %scan3A_4 = arith.constant 1 : i32
    scf.for %scan3A_110 = %scan3A_1 to %scan3A_3 step %scan3A_4  : i32 {
      %broadcast_in_dim3A = arith.constant 0.000000e+00 : f32
      %broadcast_in_dim3A_111 = vector.broadcast %broadcast_in_dim3A : f32 to vector<16xf32>
      %swap3A = arith.constant 0 : i32
      %swap3A_112 = arith.index_cast %swap3A : i32 to index
      %swap3A_113 = arith.index_cast %scan3A_110 : i32 to index
      %swap3A_114 = arith.constant 0 : index
      %swap3A_115 = tpu.vector_load %arg6[%swap3A_112, %swap3A_113, %swap3A_114] {strides = array<i32>} : memref<2x128x128xf32, #tpu.memory_space<vmem>>, vector<1x1x16xf32>,
      %swap3A_116 = vector.shape_cast %swap3A_115 : vector<1x1x16xf32> to vector<16xf32>
      %swap3A_117 = vector.shape_cast %broadcast_in_dim3A_111 : vector<16xf32> to vector<1x1x16xf32>
      tpu.vector_store %arg6[%swap3A_112, %swap3A_113, %swap3A_114], %swap3A_117 {strides = array<i32>} : memref<2x128x128xf32, #tpu.memory_space<vmem>>, vector<1x1x16xf32>,
      %broadcast_in_dim3A_118 = arith.constant 0.000000e+00 : f32
      %broadcast_in_dim3A_119 = vector.broadcast %broadcast_in_dim3A_118 : f32 to vector<16xf32>
      %swap3A_120 = arith.constant 0 : i32
      %swap3A_121 = arith.index_cast %swap3A_120 : i32 to index
      %swap3A_122 = arith.index_cast %scan3A_110 : i32 to index
      %swap3A_123 = arith.constant 16 : index
      %swap3A_124 = tpu.vector_load %arg6[%swap3A_121, %swap3A_122, %swap3A_123] {strides = array<i32>} : memref<2x128x128xf32, #tpu.memory_space<vmem>>, vector<1x1x16xf32>,
      %swap3A_125 = vector.shape_cast %swap3A_124 : vector<1x1x16xf32> to vector<16xf32>
      %swap3A_126 = vector.shape_cast %broadcast_in_dim3A_119 : vector<16xf32> to vector<1x1x16xf32>
      tpu.vector_store %arg6[%swap3A_121, %swap3A_122, %swap3A_123], %swap3A_126 {strides = array<i32>} : memref<2x128x128xf32, #tpu.memory_space<vmem>>, vector<1x1x16xf32>,
      %broadcast_in_dim3A_127 = arith.constant 0.000000e+00 : f32
      %broadcast_in_dim3A_128 = vector.broadcast %broadcast_in_dim3A_127 : f32 to vector<16xf32>
      %swap3A_129 = arith.constant 0 : i32
      %swap3A_130 = arith.index_cast %swap3A_129 : i32 to index
      %swap3A_131 = arith.index_cast %scan3A_110 : i32 to index
      %swap3A_132 = arith.constant 32 : index
      %swap3A_133 = tpu.vector_load %arg6[%swap3A_130, %swap3A_131, %swap3A_132] {strides = array<i32>} : memref<2x128x128xf32, #tpu.memory_space<vmem>>, vector<1x1x16xf32>,
      %swap3A_134 = vector.shape_cast %swap3A_133 : vector<1x1x16xf32> to vector<16xf32>
      %swap3A_135 = vector.shape_cast %broadcast_in_dim3A_128 : vector<16xf32> to vector<1x1x16xf32>
      tpu.vector_store %arg6[%swap3A_130, %swap3A_131, %swap3A_132], %swap3A_135 {strides = array<i32>} : memref<2x128x128xf32, #tpu.memory_space<vmem>>, vector<1x1x16xf32>,
      %broadcast_in_dim3A_136 = arith.constant 0.000000e+00 : f32
      %broadcast_in_dim3A_137 = vector.broadcast %broadcast_in_dim3A_136 : f32 to vector<16xf32>
      %swap3A_138 = arith.constant 0 : i32
      %swap3A_139 = arith.index_cast %swap3A_138 : i32 to index
      %swap3A_140 = arith.index_cast %scan3A_110 : i32 to index
      %swap3A_141 = arith.constant 48 : index
      %swap3A_142 = tpu.vector_load %arg6[%swap3A_139, %swap3A_140, %swap3A_141] {strides = array<i32>} : memref<2x128x128xf32, #tpu.memory_space<vmem>>, vector<1x1x16xf32>,
      %swap3A_143 = vector.shape_cast %swap3A_142 : vector<1x1x16xf32> to vector<16xf32>
      %swap3A_144 = vector.shape_cast %broadcast_in_dim3A_137 : vector<16xf32> to vector<1x1x16xf32>
      tpu.vector_store %arg6[%swap3A_139, %swap3A_140, %swap3A_141], %swap3A_144 {strides = array<i32>} : memref<2x128x128xf32, #tpu.memory_space<vmem>>, vector<1x1x16xf32>,
      %broadcast_in_dim3A_145 = arith.constant 0.000000e+00 : f32
      %broadcast_in_dim3A_146 = vector.broadcast %broadcast_in_dim3A_145 : f32 to vector<16xf32>
      %swap3A_147 = arith.constant 0 : i32
      %swap3A_148 = arith.index_cast %swap3A_147 : i32 to index
      %swap3A_149 = arith.index_cast %scan3A_110 : i32 to index
      %swap3A_150 = arith.constant 64 : index
      %swap3A_151 = tpu.vector_load %arg6[%swap3A_148, %swap3A_149, %swap3A_150] {strides = array<i32>} : memref<2x128x128xf32, #tpu.memory_space<vmem>>, vector<1x1x16xf32>,
      %swap3A_152 = vector.shape_cast %swap3A_151 : vector<1x1x16xf32> to vector<16xf32>
      %swap3A_153 = vector.shape_cast %broadcast_in_dim3A_146 : vector<16xf32> to vector<1x1x16xf32>
      tpu.vector_store %arg6[%swap3A_148, %swap3A_149, %swap3A_150], %swap3A_153 {strides = array<i32>} : memref<2x128x128xf32, #tpu.memory_space<vmem>>, vector<1x1x16xf32>,
      %broadcast_in_dim3A_154 = arith.constant 0.000000e+00 : f32
      %broadcast_in_dim3A_155 = vector.broadcast %broadcast_in_dim3A_154 : f32 to vector<16xf32>
      %swap3A_156 = arith.constant 0 : i32
      %swap3A_157 = arith.index_cast %swap3A_156 : i32 to index
      %swap3A_158 = arith.index_cast %scan3A_110 : i32 to index
      %swap3A_159 = arith.constant 80 : index
      %swap3A_160 = tpu.vector_load %arg6[%swap3A_157, %swap3A_158, %swap3A_159] {strides = array<i32>} : memref<2x128x128xf32, #tpu.memory_space<vmem>>, vector<1x1x16xf32>,
      %swap3A_161 = vector.shape_cast %swap3A_160 : vector<1x1x16xf32> to vector<16xf32>
      %swap3A_162 = vector.shape_cast %broadcast_in_dim3A_155 : vector<16xf32> to vector<1x1x16xf32>
      tpu.vector_store %arg6[%swap3A_157, %swap3A_158, %swap3A_159], %swap3A_162 {strides = array<i32>} : memref<2x128x128xf32, #tpu.memory_space<vmem>>, vector<1x1x16xf32>,
      %broadcast_in_dim3A_163 = arith.constant 0.000000e+00 : f32
      %broadcast_in_dim3A_164 = vector.broadcast %broadcast_in_dim3A_163 : f32 to vector<16xf32>
      %swap3A_165 = arith.constant 0 : i32
      %swap3A_166 = arith.index_cast %swap3A_165 : i32 to index
      %swap3A_167 = arith.index_cast %scan3A_110 : i32 to index
      %swap3A_168 = arith.constant 96 : index
      %swap3A_169 = tpu.vector_load %arg6[%swap3A_166, %swap3A_167, %swap3A_168] {strides = array<i32>} : memref<2x128x128xf32, #tpu.memory_space<vmem>>, vector<1x1x16xf32>,
      %swap3A_170 = vector.shape_cast %swap3A_169 : vector<1x1x16xf32> to vector<16xf32>
      %swap3A_171 = vector.shape_cast %broadcast_in_dim3A_164 : vector<16xf32> to vector<1x1x16xf32>
      tpu.vector_store %arg6[%swap3A_166, %swap3A_167, %swap3A_168], %swap3A_171 {strides = array<i32>} : memref<2x128x128xf32, #tpu.memory_space<vmem>>, vector<1x1x16xf32>,
      %broadcast_in_dim3A_172 = arith.constant 0.000000e+00 : f32
      %broadcast_in_dim3A_173 = vector.broadcast %broadcast_in_dim3A_172 : f32 to vector<16xf32>
      %swap3A_174 = arith.constant 0 : i32
      %swap3A_175 = arith.index_cast %swap3A_174 : i32 to index
      %swap3A_176 = arith.index_cast %scan3A_110 : i32 to index
      %swap3A_177 = arith.constant 112 : index
      %swap3A_178 = tpu.vector_load %arg6[%swap3A_175, %swap3A_176, %swap3A_177] {strides = array<i32>} : memref<2x128x128xf32, #tpu.memory_space<vmem>>, vector<1x1x16xf32>,
      %swap3A_179 = vector.shape_cast %swap3A_178 : vector<1x1x16xf32> to vector<16xf32>
      %swap3A_180 = vector.shape_cast %broadcast_in_dim3A_173 : vector<16xf32> to vector<1x1x16xf32>
      tpu.vector_store %arg6[%swap3A_175, %swap3A_176, %swap3A_177], %swap3A_180 {strides = array<i32>} : memref<2x128x128xf32, #tpu.memory_space<vmem>>, vector<1x1x16xf32>,
    }
    %scan3A_5 = arith.constant 128 : i32
    %mul3A_6 = arith.constant 640 : i32
    %mul3A_7 = arith.muli %arg1, %mul3A_6 : i32
    %add3A_8 = arith.constant 0 : i32
    %add3A_9 = arith.addi %mul3A_7, %add3A_8 : i32
    %run_scoped3A = arith.constant 0 : i32
    "tpu.region"() ({
      %run_scoped3A_110 = tpu.sem_alloc : memref<!tpu.dma_semaphore, #tpu.memory_space<semaphore_mem>>
      %dma_start3A_111 = arith.constant 0 : i32
      %dma_start3A_112 = arith.constant 0 : i32
      %dma_start3A_113 = tpu.memref_slice %arg6[%run_scoped3A, %dma_start3A_111, %dma_start3A_112] : memref<2x128x128xf32, #tpu.memory_space<vmem>> -> memref<1x128x128xf32, #tpu.memory_space<vmem>>
      %dma_start3A_114 = tpu.memref_squeeze %dma_start3A_113 : memref<1x128x128xf32, #tpu.memory_space<vmem>> -> memref<128x128xf32, #tpu.memory_space<vmem>>
      %dma_start3A_115 = arith.constant 0 : i32
      %dma_start3A_116 = tpu.memref_slice %arg7[%add3A_9, %dma_start3A_115] : memref<10240x128xf32, #tpu.memory_space<vmem_shared>> -> memref<128x128xf32, #tpu.memory_space<vmem_shared>>
      %dma_start3A_117 = arith.constant 0 : i32
      %dma_start3A_118 = tpu.memref_slice %arg7[%add3A_9, %dma_start3A_117] : memref<10240x128xf32, #tpu.memory_space<vmem_shared>> -> memref<128x128xf32, #tpu.memory_space<vmem_shared>>
      %dma_start3A_119 = arith.constant 0 : i32
      %dma_start3A_120 = arith.constant 0 : i32
      %dma_start3A_121 = tpu.memref_slice %arg6[%run_scoped3A, %dma_start3A_119, %dma_start3A_120] : memref<2x128x128xf32, #tpu.memory_space<vmem>> -> memref<1x128x128xf32, #tpu.memory_space<vmem>>
      %dma_start3A_122 = tpu.memref_squeeze %dma_start3A_121 : memref<1x128x128xf32, #tpu.memory_space<vmem>> -> memref<128x128xf32, #tpu.memory_space<vmem>>
      tpu.enqueue_dma source(%dma_start3A_122 : memref<128x128xf32, #tpu.memory_space<vmem>>) target(%dma_start3A_118 : memref<128x128xf32, #tpu.memory_space<vmem_shared>>) target_semaphore(%run_scoped3A_110 : memref<!tpu.dma_semaphore, #tpu.memory_space<semaphore_mem>>)
      %dma_wait3A = arith.constant 0 : i32
      %dma_wait3A_123 = arith.constant 0 : i32
      %dma_wait3A_124 = tpu.memref_slice %arg6[%run_scoped3A, %dma_wait3A, %dma_wait3A_123] : memref<2x128x128xf32, #tpu.memory_space<vmem>> -> memref<1x128x128xf32, #tpu.memory_space<vmem>>
      %dma_wait3A_125 = tpu.memref_squeeze %dma_wait3A_124 : memref<1x128x128xf32, #tpu.memory_space<vmem>> -> memref<128x128xf32, #tpu.memory_space<vmem>>
      %dma_wait3A_126 = arith.constant 0 : i32
      %dma_wait3A_127 = tpu.memref_slice %arg7[%add3A_9, %dma_wait3A_126] : memref<10240x128xf32, #tpu.memory_space<vmem_shared>> -> memref<128x128xf32, #tpu.memory_space<vmem_shared>>
      %dma_wait3A_128 = arith.constant 0 : i32
      %dma_wait3A_129 = tpu.memref_slice %arg7[%add3A_9, %dma_wait3A_128] : memref<10240x128xf32, #tpu.memory_space<vmem_shared>> -> memref<128x128xf32, #tpu.memory_space<vmem_shared>>
      %dma_wait3A_130 = arith.constant 0 : i32
      %dma_wait3A_131 = arith.constant 0 : i32
      %dma_wait3A_132 = tpu.memref_slice %arg6[%run_scoped3A, %dma_wait3A_130, %dma_wait3A_131] : memref<2x128x128xf32, #tpu.memory_space<vmem>> -> memref<1x128x128xf32, #tpu.memory_space<vmem>>
      %dma_wait3A_133 = tpu.memref_squeeze %dma_wait3A_132 : memref<1x128x128xf32, #tpu.memory_space<vmem>> -> memref<128x128xf32, #tpu.memory_space<vmem>>
      tpu.wait_dma2 semaphore(%run_scoped3A_110 : memref<!tpu.dma_semaphore, #tpu.memory_space<semaphore_mem>>) src(%dma_wait3A_133 : memref<128x128xf32, #tpu.memory_space<vmem>>) dst(%dma_wait3A_129 : memref<128x128xf32, #tpu.memory_space<vmem_shared>>)
      tpu.yield
    }) : () -> ()
    %mul3A_10 = arith.constant 640 : i32
    %mul3A_11 = arith.muli %arg1, %mul3A_10 : i32
    %add3A_12 = arith.constant 128 : i32
    %add3A_13 = arith.addi %mul3A_11, %add3A_12 : i32
    %run_scoped3A_14 = arith.constant 0 : i32
    "tpu.region"() ({
      %run_scoped3A_110 = tpu.sem_alloc : memref<!tpu.dma_semaphore, #tpu.memory_space<semaphore_mem>>
      %dma_start3A_111 = arith.constant 0 : i32
      %dma_start3A_112 = arith.constant 0 : i32
      %dma_start3A_113 = tpu.memref_slice %arg6[%run_scoped3A_14, %dma_start3A_111, %dma_start3A_112] : memref<2x128x128xf32, #tpu.memory_space<vmem>> -> memref<1x128x128xf32, #tpu.memory_space<vmem>>
      %dma_start3A_114 = tpu.memref_squeeze %dma_start3A_113 : memref<1x128x128xf32, #tpu.memory_space<vmem>> -> memref<128x128xf32, #tpu.memory_space<vmem>>
      %dma_start3A_115 = arith.constant 0 : i32
      %dma_start3A_116 = tpu.memref_slice %arg7[%add3A_13, %dma_start3A_115] : memref<10240x128xf32, #tpu.memory_space<vmem_shared>> -> memref<128x128xf32, #tpu.memory_space<vmem_shared>>
      %dma_start3A_117 = arith.constant 0 : i32
      %dma_start3A_118 = tpu.memref_slice %arg7[%add3A_13, %dma_start3A_117] : memref<10240x128xf32, #tpu.memory_space<vmem_shared>> -> memref<128x128xf32, #tpu.memory_space<vmem_shared>>
      %dma_start3A_119 = arith.constant 0 : i32
      %dma_start3A_120 = arith.constant 0 : i32
      %dma_start3A_121 = tpu.memref_slice %arg6[%run_scoped3A_14, %dma_start3A_119, %dma_start3A_120] : memref<2x128x128xf32, #tpu.memory_space<vmem>> -> memref<1x128x128xf32, #tpu.memory_space<vmem>>
      %dma_start3A_122 = tpu.memref_squeeze %dma_start3A_121 : memref<1x128x128xf32, #tpu.memory_space<vmem>> -> memref<128x128xf32, #tpu.memory_space<vmem>>
      tpu.enqueue_dma source(%dma_start3A_122 : memref<128x128xf32, #tpu.memory_space<vmem>>) target(%dma_start3A_118 : memref<128x128xf32, #tpu.memory_space<vmem_shared>>) target_semaphore(%run_scoped3A_110 : memref<!tpu.dma_semaphore, #tpu.memory_space<semaphore_mem>>)
      %dma_wait3A = arith.constant 0 : i32
      %dma_wait3A_123 = arith.constant 0 : i32
      %dma_wait3A_124 = tpu.memref_slice %arg6[%run_scoped3A_14, %dma_wait3A, %dma_wait3A_123] : memref<2x128x128xf32, #tpu.memory_space<vmem>> -> memref<1x128x128xf32, #tpu.memory_space<vmem>>
      %dma_wait3A_125 = tpu.memref_squeeze %dma_wait3A_124 : memref<1x128x128xf32, #tpu.memory_space<vmem>> -> memref<128x128xf32, #tpu.memory_space<vmem>>
      %dma_wait3A_126 = arith.constant 0 : i32
      %dma_wait3A_127 = tpu.memref_slice %arg7[%add3A_13, %dma_wait3A_126] : memref<10240x128xf32, #tpu.memory_space<vmem_shared>> -> memref<128x128xf32, #tpu.memory_space<vmem_shared>>
      %dma_wait3A_128 = arith.constant 0 : i32
      %dma_wait3A_129 = tpu.memref_slice %arg7[%add3A_13, %dma_wait3A_128] : memref<10240x128xf32, #tpu.memory_space<vmem_shared>> -> memref<128x128xf32, #tpu.memory_space<vmem_shared>>
      %dma_wait3A_130 = arith.constant 0 : i32
      %dma_wait3A_131 = arith.constant 0 : i32
      %dma_wait3A_132 = tpu.memref_slice %arg6[%run_scoped3A_14, %dma_wait3A_130, %dma_wait3A_131] : memref<2x128x128xf32, #tpu.memory_space<vmem>> -> memref<1x128x128xf32, #tpu.memory_space<vmem>>
      %dma_wait3A_133 = tpu.memref_squeeze %dma_wait3A_132 : memref<1x128x128xf32, #tpu.memory_space<vmem>> -> memref<128x128xf32, #tpu.memory_space<vmem>>
      tpu.wait_dma2 semaphore(%run_scoped3A_110 : memref<!tpu.dma_semaphore, #tpu.memory_space<semaphore_mem>>) src(%dma_wait3A_133 : memref<128x128xf32, #tpu.memory_space<vmem>>) dst(%dma_wait3A_129 : memref<128x128xf32, #tpu.memory_space<vmem_shared>>)
      tpu.yield
    }) : () -> ()
    %mul3A_15 = arith.constant 640 : i32
    %mul3A_16 = arith.muli %arg1, %mul3A_15 : i32
    %add3A_17 = arith.constant 256 : i32
    %add3A_18 = arith.addi %mul3A_16, %add3A_17 : i32
    %run_scoped3A_19 = arith.constant 0 : i32
    "tpu.region"() ({
      %run_scoped3A_110 = tpu.sem_alloc : memref<!tpu.dma_semaphore, #tpu.memory_space<semaphore_mem>>
      %dma_start3A_111 = arith.constant 0 : i32
      %dma_start3A_112 = arith.constant 0 : i32
      %dma_start3A_113 = tpu.memref_slice %arg6[%run_scoped3A_19, %dma_start3A_111, %dma_start3A_112] : memref<2x128x128xf32, #tpu.memory_space<vmem>> -> memref<1x128x128xf32, #tpu.memory_space<vmem>>
      %dma_start3A_114 = tpu.memref_squeeze %dma_start3A_113 : memref<1x128x128xf32, #tpu.memory_space<vmem>> -> memref<128x128xf32, #tpu.memory_space<vmem>>
      %dma_start3A_115 = arith.constant 0 : i32
      %dma_start3A_116 = tpu.memref_slice %arg7[%add3A_18, %dma_start3A_115] : memref<10240x128xf32, #tpu.memory_space<vmem_shared>> -> memref<128x128xf32, #tpu.memory_space<vmem_shared>>
      %dma_start3A_117 = arith.constant 0 : i32
      %dma_start3A_118 = tpu.memref_slice %arg7[%add3A_18, %dma_start3A_117] : memref<10240x128xf32, #tpu.memory_space<vmem_shared>> -> memref<128x128xf32, #tpu.memory_space<vmem_shared>>
      %dma_start3A_119 = arith.constant 0 : i32
      %dma_start3A_120 = arith.constant 0 : i32
      %dma_start3A_121 = tpu.memref_slice %arg6[%run_scoped3A_19, %dma_start3A_119, %dma_start3A_120] : memref<2x128x128xf32, #tpu.memory_space<vmem>> -> memref<1x128x128xf32, #tpu.memory_space<vmem>>
      %dma_start3A_122 = tpu.memref_squeeze %dma_start3A_121 : memref<1x128x128xf32, #tpu.memory_space<vmem>> -> memref<128x128xf32, #tpu.memory_space<vmem>>
      tpu.enqueue_dma source(%dma_start3A_122 : memref<128x128xf32, #tpu.memory_space<vmem>>) target(%dma_start3A_118 : memref<128x128xf32, #tpu.memory_space<vmem_shared>>) target_semaphore(%run_scoped3A_110 : memref<!tpu.dma_semaphore, #tpu.memory_space<semaphore_mem>>)
      %dma_wait3A = arith.constant 0 : i32
      %dma_wait3A_123 = arith.constant 0 : i32
      %dma_wait3A_124 = tpu.memref_slice %arg6[%run_scoped3A_19, %dma_wait3A, %dma_wait3A_123] : memref<2x128x128xf32, #tpu.memory_space<vmem>> -> memref<1x128x128xf32, #tpu.memory_space<vmem>>
      %dma_wait3A_125 = tpu.memref_squeeze %dma_wait3A_124 : memref<1x128x128xf32, #tpu.memory_space<vmem>> -> memref<128x128xf32, #tpu.memory_space<vmem>>
      %dma_wait3A_126 = arith.constant 0 : i32
      %dma_wait3A_127 = tpu.memref_slice %arg7[%add3A_18, %dma_wait3A_126] : memref<10240x128xf32, #tpu.memory_space<vmem_shared>> -> memref<128x128xf32, #tpu.memory_space<vmem_shared>>
      %dma_wait3A_128 = arith.constant 0 : i32
      %dma_wait3A_129 = tpu.memref_slice %arg7[%add3A_18, %dma_wait3A_128] : memref<10240x128xf32, #tpu.memory_space<vmem_shared>> -> memref<128x128xf32, #tpu.memory_space<vmem_shared>>
      %dma_wait3A_130 = arith.constant 0 : i32
      %dma_wait3A_131 = arith.constant 0 : i32
      %dma_wait3A_132 = tpu.memref_slice %arg6[%run_scoped3A_19, %dma_wait3A_130, %dma_wait3A_131] : memref<2x128x128xf32, #tpu.memory_space<vmem>> -> memref<1x128x128xf32, #tpu.memory_space<vmem>>
      %dma_wait3A_133 = tpu.memref_squeeze %dma_wait3A_132 : memref<1x128x128xf32, #tpu.memory_space<vmem>> -> memref<128x128xf32, #tpu.memory_space<vmem>>
      tpu.wait_dma2 semaphore(%run_scoped3A_110 : memref<!tpu.dma_semaphore, #tpu.memory_space<semaphore_mem>>) src(%dma_wait3A_133 : memref<128x128xf32, #tpu.memory_space<vmem>>) dst(%dma_wait3A_129 : memref<128x128xf32, #tpu.memory_space<vmem_shared>>)
      tpu.yield
    }) : () -> ()
    %mul3A_20 = arith.constant 640 : i32
    %mul3A_21 = arith.muli %arg1, %mul3A_20 : i32
    %add3A_22 = arith.constant 384 : i32
    %add3A_23 = arith.addi %mul3A_21, %add3A_22 : i32
    %run_scoped3A_24 = arith.constant 0 : i32
    "tpu.region"() ({
      %run_scoped3A_110 = tpu.sem_alloc : memref<!tpu.dma_semaphore, #tpu.memory_space<semaphore_mem>>
      %dma_start3A_111 = arith.constant 0 : i32
      %dma_start3A_112 = arith.constant 0 : i32
      %dma_start3A_113 = tpu.memref_slice %arg6[%run_scoped3A_24, %dma_start3A_111, %dma_start3A_112] : memref<2x128x128xf32, #tpu.memory_space<vmem>> -> memref<1x128x128xf32, #tpu.memory_space<vmem>>
      %dma_start3A_114 = tpu.memref_squeeze %dma_start3A_113 : memref<1x128x128xf32, #tpu.memory_space<vmem>> -> memref<128x128xf32, #tpu.memory_space<vmem>>
      %dma_start3A_115 = arith.constant 0 : i32
      %dma_start3A_116 = tpu.memref_slice %arg7[%add3A_23, %dma_start3A_115] : memref<10240x128xf32, #tpu.memory_space<vmem_shared>> -> memref<128x128xf32, #tpu.memory_space<vmem_shared>>
      %dma_start3A_117 = arith.constant 0 : i32
      %dma_start3A_118 = tpu.memref_slice %arg7[%add3A_23, %dma_start3A_117] : memref<10240x128xf32, #tpu.memory_space<vmem_shared>> -> memref<128x128xf32, #tpu.memory_space<vmem_shared>>
      %dma_start3A_119 = arith.constant 0 : i32
      %dma_start3A_120 = arith.constant 0 : i32
      %dma_start3A_121 = tpu.memref_slice %arg6[%run_scoped3A_24, %dma_start3A_119, %dma_start3A_120] : memref<2x128x128xf32, #tpu.memory_space<vmem>> -> memref<1x128x128xf32, #tpu.memory_space<vmem>>
      %dma_start3A_122 = tpu.memref_squeeze %dma_start3A_121 : memref<1x128x128xf32, #tpu.memory_space<vmem>> -> memref<128x128xf32, #tpu.memory_space<vmem>>
      tpu.enqueue_dma source(%dma_start3A_122 : memref<128x128xf32, #tpu.memory_space<vmem>>) target(%dma_start3A_118 : memref<128x128xf32, #tpu.memory_space<vmem_shared>>) target_semaphore(%run_scoped3A_110 : memref<!tpu.dma_semaphore, #tpu.memory_space<semaphore_mem>>)
      %dma_wait3A = arith.constant 0 : i32
      %dma_wait3A_123 = arith.constant 0 : i32
      %dma_wait3A_124 = tpu.memref_slice %arg6[%run_scoped3A_24, %dma_wait3A, %dma_wait3A_123] : memref<2x128x128xf32, #tpu.memory_space<vmem>> -> memref<1x128x128xf32, #tpu.memory_space<vmem>>
      %dma_wait3A_125 = tpu.memref_squeeze %dma_wait3A_124 : memref<1x128x128xf32, #tpu.memory_space<vmem>> -> memref<128x128xf32, #tpu.memory_space<vmem>>
      %dma_wait3A_126 = arith.constant 0 : i32
      %dma_wait3A_127 = tpu.memref_slice %arg7[%add3A_23, %dma_wait3A_126] : memref<10240x128xf32, #tpu.memory_space<vmem_shared>> -> memref<128x128xf32, #tpu.memory_space<vmem_shared>>
      %dma_wait3A_128 = arith.constant 0 : i32
      %dma_wait3A_129 = tpu.memref_slice %arg7[%add3A_23, %dma_wait3A_128] : memref<10240x128xf32, #tpu.memory_space<vmem_shared>> -> memref<128x128xf32, #tpu.memory_space<vmem_shared>>
      %dma_wait3A_130 = arith.constant 0 : i32
      %dma_wait3A_131 = arith.constant 0 : i32
      %dma_wait3A_132 = tpu.memref_slice %arg6[%run_scoped3A_24, %dma_wait3A_130, %dma_wait3A_131] : memref<2x128x128xf32, #tpu.memory_space<vmem>> -> memref<1x128x128xf32, #tpu.memory_space<vmem>>
      %dma_wait3A_133 = tpu.memref_squeeze %dma_wait3A_132 : memref<1x128x128xf32, #tpu.memory_space<vmem>> -> memref<128x128xf32, #tpu.memory_space<vmem>>
      tpu.wait_dma2 semaphore(%run_scoped3A_110 : memref<!tpu.dma_semaphore, #tpu.memory_space<semaphore_mem>>) src(%dma_wait3A_133 : memref<128x128xf32, #tpu.memory_space<vmem>>) dst(%dma_wait3A_129 : memref<128x128xf32, #tpu.memory_space<vmem_shared>>)
      tpu.yield
    }) : () -> ()
    %mul3A_25 = arith.constant 640 : i32
    %mul3A_26 = arith.muli %arg1, %mul3A_25 : i32
    %add3A_27 = arith.constant 512 : i32
    %add3A_28 = arith.addi %mul3A_26, %add3A_27 : i32
    %run_scoped3A_29 = arith.constant 0 : i32
    "tpu.region"() ({
      %run_scoped3A_110 = tpu.sem_alloc : memref<!tpu.dma_semaphore, #tpu.memory_space<semaphore_mem>>
      %dma_start3A_111 = arith.constant 0 : i32
      %dma_start3A_112 = arith.constant 0 : i32
      %dma_start3A_113 = tpu.memref_slice %arg6[%run_scoped3A_29, %dma_start3A_111, %dma_start3A_112] : memref<2x128x128xf32, #tpu.memory_space<vmem>> -> memref<1x128x128xf32, #tpu.memory_space<vmem>>
      %dma_start3A_114 = tpu.memref_squeeze %dma_start3A_113 : memref<1x128x128xf32, #tpu.memory_space<vmem>> -> memref<128x128xf32, #tpu.memory_space<vmem>>
      %dma_start3A_115 = arith.constant 0 : i32
      %dma_start3A_116 = tpu.memref_slice %arg7[%add3A_28, %dma_start3A_115] : memref<10240x128xf32, #tpu.memory_space<vmem_shared>> -> memref<128x128xf32, #tpu.memory_space<vmem_shared>>
      %dma_start3A_117 = arith.constant 0 : i32
      %dma_start3A_118 = tpu.memref_slice %arg7[%add3A_28, %dma_start3A_117] : memref<10240x128xf32, #tpu.memory_space<vmem_shared>> -> memref<128x128xf32, #tpu.memory_space<vmem_shared>>
      %dma_start3A_119 = arith.constant 0 : i32
      %dma_start3A_120 = arith.constant 0 : i32
      %dma_start3A_121 = tpu.memref_slice %arg6[%run_scoped3A_29, %dma_start3A_119, %dma_start3A_120] : memref<2x128x128xf32, #tpu.memory_space<vmem>> -> memref<1x128x128xf32, #tpu.memory_space<vmem>>
      %dma_start3A_122 = tpu.memref_squeeze %dma_start3A_121 : memref<1x128x128xf32, #tpu.memory_space<vmem>> -> memref<128x128xf32, #tpu.memory_space<vmem>>
      tpu.enqueue_dma source(%dma_start3A_122 : memref<128x128xf32, #tpu.memory_space<vmem>>) target(%dma_start3A_118 : memref<128x128xf32, #tpu.memory_space<vmem_shared>>) target_semaphore(%run_scoped3A_110 : memref<!tpu.dma_semaphore, #tpu.memory_space<semaphore_mem>>)
      %dma_wait3A = arith.constant 0 : i32
      %dma_wait3A_123 = arith.constant 0 : i32
      %dma_wait3A_124 = tpu.memref_slice %arg6[%run_scoped3A_29, %dma_wait3A, %dma_wait3A_123] : memref<2x128x128xf32, #tpu.memory_space<vmem>> -> memref<1x128x128xf32, #tpu.memory_space<vmem>>
      %dma_wait3A_125 = tpu.memref_squeeze %dma_wait3A_124 : memref<1x128x128xf32, #tpu.memory_space<vmem>> -> memref<128x128xf32, #tpu.memory_space<vmem>>
      %dma_wait3A_126 = arith.constant 0 : i32
      %dma_wait3A_127 = tpu.memref_slice %arg7[%add3A_28, %dma_wait3A_126] : memref<10240x128xf32, #tpu.memory_space<vmem_shared>> -> memref<128x128xf32, #tpu.memory_space<vmem_shared>>
      %dma_wait3A_128 = arith.constant 0 : i32
      %dma_wait3A_129 = tpu.memref_slice %arg7[%add3A_28, %dma_wait3A_128] : memref<10240x128xf32, #tpu.memory_space<vmem_shared>> -> memref<128x128xf32, #tpu.memory_space<vmem_shared>>
      %dma_wait3A_130 = arith.constant 0 : i32
      %dma_wait3A_131 = arith.constant 0 : i32
      %dma_wait3A_132 = tpu.memref_slice %arg6[%run_scoped3A_29, %dma_wait3A_130, %dma_wait3A_131] : memref<2x128x128xf32, #tpu.memory_space<vmem>> -> memref<1x128x128xf32, #tpu.memory_space<vmem>>
      %dma_wait3A_133 = tpu.memref_squeeze %dma_wait3A_132 : memref<1x128x128xf32, #tpu.memory_space<vmem>> -> memref<128x128xf32, #tpu.memory_space<vmem>>
      tpu.wait_dma2 semaphore(%run_scoped3A_110 : memref<!tpu.dma_semaphore, #tpu.memory_space<semaphore_mem>>) src(%dma_wait3A_133 : memref<128x128xf32, #tpu.memory_space<vmem>>) dst(%dma_wait3A_129 : memref<128x128xf32, #tpu.memory_space<vmem_shared>>)
      tpu.yield
    }) : () -> ()
    %barrier3A = arith.constant 0 : index
    tpu.barrier barrier_id(%barrier3A)
    %mul3A_30 = arith.constant 20 : i32
    %mul3A_31 = arith.muli %add3A, %mul3A_30 : i32
    %add3A_32 = arith.constant 0 : i32
    %add3A_33 = arith.addi %mul3A_31, %add3A_32 : i32
    "tpu.region"() ({
      %run_scoped3A_110 = tpu.sem_alloc : memref<!tpu.dma_semaphore, #tpu.memory_space<semaphore_mem>>
      %dma_start3A_111 = arith.constant 0 : i32
      %dma_start3A_112 = arith.constant 0 : i32
      %dma_start3A_113 = tpu.memref_slice %arg2[%add3A_33, %dma_start3A_111, %dma_start3A_112] : memref<640x8x128xi32, #tpu.memory_space<hbm>> -> memref<10x8x128xi32, #tpu.memory_space<hbm>>
      %dma_start3A_114 = arith.constant 0 : i32
      %dma_start3A_115 = arith.constant 0 : i32
      %dma_start3A_116 = tpu.memref_slice %arg2[%add3A_33, %dma_start3A_114, %dma_start3A_115] : memref<640x8x128xi32, #tpu.memory_space<hbm>> -> memref<10x8x128xi32, #tpu.memory_space<hbm>>
      tpu.enqueue_dma source(%dma_start3A_116 : memref<10x8x128xi32, #tpu.memory_space<hbm>>) target(%arg5 : memref<10x8x128xi32, #tpu.memory_space<vmem>>) target_semaphore(%run_scoped3A_110 : memref<!tpu.dma_semaphore, #tpu.memory_space<semaphore_mem>>)
      %dma_wait3A = arith.constant 0 : i32
      %dma_wait3A_117 = arith.constant 0 : i32
      %dma_wait3A_118 = tpu.memref_slice %arg2[%add3A_33, %dma_wait3A, %dma_wait3A_117] : memref<640x8x128xi32, #tpu.memory_space<hbm>> -> memref<10x8x128xi32, #tpu.memory_space<hbm>>
      %dma_wait3A_119 = arith.constant 0 : i32
      %dma_wait3A_120 = arith.constant 0 : i32
      %dma_wait3A_121 = tpu.memref_slice %arg2[%add3A_33, %dma_wait3A_119, %dma_wait3A_120] : memref<640x8x128xi32, #tpu.memory_space<hbm>> -> memref<10x8x128xi32, #tpu.memory_space<hbm>>
      tpu.wait_dma2 semaphore(%run_scoped3A_110 : memref<!tpu.dma_semaphore, #tpu.memory_space<semaphore_mem>>) src(%dma_wait3A_121 : memref<10x8x128xi32, #tpu.memory_space<hbm>>) dst(%arg5 : memref<10x8x128xi32, #tpu.memory_space<vmem>>)
      tpu.yield
    }) : () -> ()
    %dma_start3A = arith.constant 0 : i32
    %dma_start3A_34 = arith.constant 0 : i32
    %dma_start3A_35 = arith.constant 0 : i32
    %dma_start3A_36 = arith.constant 0 : i32
    %dma_start3A_37 = arith.constant 0 : i32
    %dma_start3A_38 = tpu.memref_slice %arg6[%dma_start3A_35, %dma_start3A_36, %dma_start3A_37] : memref<2x128x128xf32, #tpu.memory_space<vmem>> -> memref<1x128x128xf32, #tpu.memory_space<vmem>>
    %dma_start3A_39 = tpu.memref_squeeze %dma_start3A_38 : memref<1x128x128xf32, #tpu.memory_space<vmem>> -> memref<128x128xf32, #tpu.memory_space<vmem>>
    %dma_start3A_40 = arith.constant 0 : i32
    %dma_start3A_41 = tpu.memref_slice %arg5[%dma_start3A, %dma_start3A_34, %dma_start3A_40] : memref<10x8x128xi32, #tpu.memory_space<vmem>> -> memref<1x1x128xi32, #tpu.memory_space<vmem>>
    %dma_start3A_42 = tpu.memref_squeeze %dma_start3A_41 : memref<1x1x128xi32, #tpu.memory_space<vmem>> -> memref<128xi32, #tpu.memory_space<vmem>>
    %dma_start3A_43 = arith.constant 0 : i32
    %dma_start3A_44 = arith.constant 0 : i32
    %dma_start3A_45 = tpu.memref_slice %arg3[%dma_start3A_43, %dma_start3A_44] : memref<10000x128xf32, #tpu.memory_space<hbm>> -> memref<10000x128xf32, #tpu.memory_space<hbm>>
    tpu.enqueue_indirect_dma source(%dma_start3A_45 : memref<10000x128xf32, #tpu.memory_space<hbm>>) target(%dma_start3A_39 : memref<128x128xf32, #tpu.memory_space<vmem>>) offsets(%dma_start3A_42 : memref<128xi32, #tpu.memory_space<vmem>>) semaphore(%arg8 : memref<!tpu.dma_semaphore, #tpu.memory_space<semaphore_mem>>)
    %dma_start3A_46 = arith.constant 0 : i32
    %dma_start3A_47 = arith.constant 2 : i32
    %dma_start3A_48 = arith.constant 1 : i32
    %dma_start3A_49 = arith.constant 0 : i32
    %dma_start3A_50 = arith.constant 0 : i32
    %dma_start3A_51 = tpu.memref_slice %arg6[%dma_start3A_48, %dma_start3A_49, %dma_start3A_50] : memref<2x128x128xf32, #tpu.memory_space<vmem>> -> memref<1x128x128xf32, #tpu.memory_space<vmem>>
    %dma_start3A_52 = tpu.memref_squeeze %dma_start3A_51 : memref<1x128x128xf32, #tpu.memory_space<vmem>> -> memref<128x128xf32, #tpu.memory_space<vmem>>
    %dma_start3A_53 = arith.constant 0 : i32
    %dma_start3A_54 = tpu.memref_slice %arg5[%dma_start3A_46, %dma_start3A_47, %dma_start3A_53] : memref<10x8x128xi32, #tpu.memory_space<vmem>> -> memref<1x1x128xi32, #tpu.memory_space<vmem>>
    %dma_start3A_55 = tpu.memref_squeeze %dma_start3A_54 : memref<1x1x128xi32, #tpu.memory_space<vmem>> -> memref<128xi32, #tpu.memory_space<vmem>>
    %dma_start3A_56 = arith.constant 0 : i32
    %dma_start3A_57 = arith.constant 0 : i32
    %dma_start3A_58 = tpu.memref_slice %arg3[%dma_start3A_56, %dma_start3A_57] : memref<10000x128xf32, #tpu.memory_space<hbm>> -> memref<10000x128xf32, #tpu.memory_space<hbm>>
    tpu.enqueue_indirect_dma source(%dma_start3A_58 : memref<10000x128xf32, #tpu.memory_space<hbm>>) target(%dma_start3A_52 : memref<128x128xf32, #tpu.memory_space<vmem>>) offsets(%dma_start3A_55 : memref<128xi32, #tpu.memory_space<vmem>>) semaphore(%arg9 : memref<!tpu.dma_semaphore, #tpu.memory_space<semaphore_mem>>)
    %scan3A_59 = arith.constant 0 : i32
    %scan3A_60 = arith.constant 0 : i32
    %scan3A_61 = arith.constant 1 : i32
    %scan3A_62 = arith.constant 0 : i32
    %scan3A_63 = arith.constant 10 : i32
    %scan3A_64 = arith.addi %scan3A_62, %scan3A_63 : i32
    %scan3A_65 = arith.constant 1 : i32
    scf.for %scan3A_110 = %scan3A_62 to %scan3A_64 step %scan3A_65  : i32 {
      %dma_wait3A = arith.constant 0 : i32
      %dma_wait3A_111 = arith.constant 0 : i32
      %dma_wait3A_112 = arith.constant 0 : i32
      %dma_wait3A_113 = tpu.memref_slice %arg6[%scan3A_60, %dma_wait3A_111, %dma_wait3A_112] : memref<2x128x128xf32, #tpu.memory_space<vmem>> -> memref<1x128x128xf32, #tpu.memory_space<vmem>>
      %dma_wait3A_114 = tpu.memref_squeeze %dma_wait3A_113 : memref<1x128x128xf32, #tpu.memory_space<vmem>> -> memref<128x128xf32, #tpu.memory_space<vmem>>
      %dma_wait3A_115 = arith.constant 0 : i32
      %dma_wait3A_116 = tpu.memref_slice %arg5[%scan3A_110, %dma_wait3A, %dma_wait3A_115] : memref<10x8x128xi32, #tpu.memory_space<vmem>> -> memref<1x1x128xi32, #tpu.memory_space<vmem>>
      %dma_wait3A_117 = tpu.memref_squeeze %dma_wait3A_116 : memref<1x1x128xi32, #tpu.memory_space<vmem>> -> memref<128xi32, #tpu.memory_space<vmem>>
      %dma_wait3A_118 = arith.constant 0 : i32
      %dma_wait3A_119 = arith.constant 0 : i32
      %dma_wait3A_120 = tpu.memref_slice %arg3[%dma_wait3A_118, %dma_wait3A_119] : memref<10000x128xf32, #tpu.memory_space<hbm>> -> memref<10000x128xf32, #tpu.memory_space<hbm>>
      tpu.wait_indirect_dma semaphore(%arg8 : memref<!tpu.dma_semaphore, #tpu.memory_space<semaphore_mem>>) src(%dma_wait3A_120 : memref<10000x128xf32, #tpu.memory_space<hbm>>) dst(%dma_wait3A_114 : memref<128x128xf32, #tpu.memory_space<vmem>>)
      %run_scoped3A_121 = arith.constant 1 : i32
      "tpu.region"() ({
        %run_scoped3A_191 = tpu.sem_alloc : memref<!tpu.dma_semaphore, #tpu.memory_space<semaphore_mem>>
        %dma_start3A_192 = arith.constant 0 : i32
        %dma_start3A_193 = arith.constant 0 : i32
        %dma_start3A_194 = tpu.memref_slice %arg6[%scan3A_60, %dma_start3A_192, %dma_start3A_193] : memref<2x128x128xf32, #tpu.memory_space<vmem>> -> memref<1x128x128xf32, #tpu.memory_space<vmem>>
        %dma_start3A_195 = tpu.memref_squeeze %dma_start3A_194 : memref<1x128x128xf32, #tpu.memory_space<vmem>> -> memref<128x128xf32, #tpu.memory_space<vmem>>
        %dma_start3A_196 = arith.constant 0 : i32
        %dma_start3A_197 = tpu.memref_slice %arg5[%scan3A_110, %run_scoped3A_121, %dma_start3A_196] : memref<10x8x128xi32, #tpu.memory_space<vmem>> -> memref<1x1x128xi32, #tpu.memory_space<vmem>>
        %dma_start3A_198 = tpu.memref_squeeze %dma_start3A_197 : memref<1x1x128xi32, #tpu.memory_space<vmem>> -> memref<128xi32, #tpu.memory_space<vmem>>
        %dma_start3A_199 = arith.constant 0 : i32
        %dma_start3A_200 = arith.constant 0 : i32
        %dma_start3A_201 = tpu.memref_slice %arg7[%dma_start3A_199, %dma_start3A_200] : memref<10240x128xf32, #tpu.memory_space<vmem_shared>> -> memref<10240x128xf32, #tpu.memory_space<vmem_shared>>
        tpu.enqueue_indirect_dma source(%dma_start3A_195 : memref<128x128xf32, #tpu.memory_space<vmem>>) target(%dma_start3A_201 : memref<10240x128xf32, #tpu.memory_space<vmem_shared>>) offsets(%dma_start3A_198 : memref<128xi32, #tpu.memory_space<vmem>>) semaphore(%run_scoped3A_191 : memref<!tpu.dma_semaphore, #tpu.memory_space<semaphore_mem>>) {add = true}
        %dma_wait3A_202 = arith.constant 0 : i32
        %dma_wait3A_203 = arith.constant 0 : i32
        %dma_wait3A_204 = tpu.memref_slice %arg6[%scan3A_60, %dma_wait3A_202, %dma_wait3A_203] : memref<2x128x128xf32, #tpu.memory_space<vmem>> -> memref<1x128x128xf32, #tpu.memory_space<vmem>>
        %dma_wait3A_205 = tpu.memref_squeeze %dma_wait3A_204 : memref<1x128x128xf32, #tpu.memory_space<vmem>> -> memref<128x128xf32, #tpu.memory_space<vmem>>
        %dma_wait3A_206 = arith.constant 0 : i32
        %dma_wait3A_207 = tpu.memref_slice %arg5[%scan3A_110, %run_scoped3A_121, %dma_wait3A_206] : memref<10x8x128xi32, #tpu.memory_space<vmem>> -> memref<1x1x128xi32, #tpu.memory_space<vmem>>
        %dma_wait3A_208 = tpu.memref_squeeze %dma_wait3A_207 : memref<1x1x128xi32, #tpu.memory_space<vmem>> -> memref<128xi32, #tpu.memory_space<vmem>>
        %dma_wait3A_209 = arith.constant 0 : i32
        %dma_wait3A_210 = arith.constant 0 : i32
        %dma_wait3A_211 = tpu.memref_slice %arg7[%dma_wait3A_209, %dma_wait3A_210] : memref<10240x128xf32, #tpu.memory_space<vmem_shared>> -> memref<10240x128xf32, #tpu.memory_space<vmem_shared>>
        tpu.wait_indirect_dma semaphore(%run_scoped3A_191 : memref<!tpu.dma_semaphore, #tpu.memory_space<semaphore_mem>>) src(%dma_wait3A_205 : memref<128x128xf32, #tpu.memory_space<vmem>>) dst(%dma_wait3A_211 : memref<10240x128xf32, #tpu.memory_space<vmem_shared>>)
        tpu.yield
      }) : () -> ()
      %dma_start3A_122 = arith.constant 4 : i32
      %dma_start3A_123 = arith.constant 0 : i32
      %dma_start3A_124 = arith.constant 0 : i32
      %dma_start3A_125 = tpu.memref_slice %arg6[%scan3A_60, %dma_start3A_123, %dma_start3A_124] : memref<2x128x128xf32, #tpu.memory_space<vmem>> -> memref<1x128x128xf32, #tpu.memory_space<vmem>>
      %dma_start3A_126 = tpu.memref_squeeze %dma_start3A_125 : memref<1x128x128xf32, #tpu.memory_space<vmem>> -> memref<128x128xf32, #tpu.memory_space<vmem>>
      %dma_start3A_127 = arith.constant 0 : i32
      %dma_start3A_128 = tpu.memref_slice %arg5[%scan3A_110, %dma_start3A_122, %dma_start3A_127] : memref<10x8x128xi32, #tpu.memory_space<vmem>> -> memref<1x1x128xi32, #tpu.memory_space<vmem>>
      %dma_start3A_129 = tpu.memref_squeeze %dma_start3A_128 : memref<1x1x128xi32, #tpu.memory_space<vmem>> -> memref<128xi32, #tpu.memory_space<vmem>>
      %dma_start3A_130 = arith.constant 0 : i32
      %dma_start3A_131 = arith.constant 0 : i32
      %dma_start3A_132 = tpu.memref_slice %arg3[%dma_start3A_130, %dma_start3A_131] : memref<10000x128xf32, #tpu.memory_space<hbm>> -> memref<10000x128xf32, #tpu.memory_space<hbm>>
      tpu.enqueue_indirect_dma source(%dma_start3A_132 : memref<10000x128xf32, #tpu.memory_space<hbm>>) target(%dma_start3A_126 : memref<128x128xf32, #tpu.memory_space<vmem>>) offsets(%dma_start3A_129 : memref<128xi32, #tpu.memory_space<vmem>>) semaphore(%arg8 : memref<!tpu.dma_semaphore, #tpu.memory_space<semaphore_mem>>)
      %dma_wait3A_133 = arith.constant 2 : i32
      %dma_wait3A_134 = arith.constant 0 : i32
      %dma_wait3A_135 = arith.constant 0 : i32
      %dma_wait3A_136 = tpu.memref_slice %arg6[%scan3A_61, %dma_wait3A_134, %dma_wait3A_135] : memref<2x128x128xf32, #tpu.memory_space<vmem>> -> memref<1x128x128xf32, #tpu.memory_space<vmem>>
      %dma_wait3A_137 = tpu.memref_squeeze %dma_wait3A_136 : memref<1x128x128xf32, #tpu.memory_space<vmem>> -> memref<128x128xf32, #tpu.memory_space<vmem>>
      %dma_wait3A_138 = arith.constant 0 : i32
      %dma_wait3A_139 = tpu.memref_slice %arg5[%scan3A_110, %dma_wait3A_133, %dma_wait3A_138] : memref<10x8x128xi32, #tpu.memory_space<vmem>> -> memref<1x1x128xi32, #tpu.memory_space<vmem>>
      %dma_wait3A_140 = tpu.memref_squeeze %dma_wait3A_139 : memref<1x1x128xi32, #tpu.memory_space<vmem>> -> memref<128xi32, #tpu.memory_space<vmem>>
      %dma_wait3A_141 = arith.constant 0 : i32
      %dma_wait3A_142 = arith.constant 0 : i32
      %dma_wait3A_143 = tpu.memref_slice %arg3[%dma_wait3A_141, %dma_wait3A_142] : memref<10000x128xf32, #tpu.memory_space<hbm>> -> memref<10000x128xf32, #tpu.memory_space<hbm>>
      tpu.wait_indirect_dma semaphore(%arg9 : memref<!tpu.dma_semaphore, #tpu.memory_space<semaphore_mem>>) src(%dma_wait3A_143 : memref<10000x128xf32, #tpu.memory_space<hbm>>) dst(%dma_wait3A_137 : memref<128x128xf32, #tpu.memory_space<vmem>>)
      %run_scoped3A_144 = arith.constant 3 : i32
      "tpu.region"() ({
        %run_scoped3A_191 = tpu.sem_alloc : memref<!tpu.dma_semaphore, #tpu.memory_space<semaphore_mem>>
        %dma_start3A_192 = arith.constant 0 : i32
        %dma_start3A_193 = arith.constant 0 : i32
        %dma_start3A_194 = tpu.memref_slice %arg6[%scan3A_61, %dma_start3A_192, %dma_start3A_193] : memref<2x128x128xf32, #tpu.memory_space<vmem>> -> memref<1x128x128xf32, #tpu.memory_space<vmem>>
        %dma_start3A_195 = tpu.memref_squeeze %dma_start3A_194 : memref<1x128x128xf32, #tpu.memory_space<vmem>> -> memref<128x128xf32, #tpu.memory_space<vmem>>
        %dma_start3A_196 = arith.constant 0 : i32
        %dma_start3A_197 = tpu.memref_slice %arg5[%scan3A_110, %run_scoped3A_144, %dma_start3A_196] : memref<10x8x128xi32, #tpu.memory_space<vmem>> -> memref<1x1x128xi32, #tpu.memory_space<vmem>>
        %dma_start3A_198 = tpu.memref_squeeze %dma_start3A_197 : memref<1x1x128xi32, #tpu.memory_space<vmem>> -> memref<128xi32, #tpu.memory_space<vmem>>
        %dma_start3A_199 = arith.constant 0 : i32
        %dma_start3A_200 = arith.constant 0 : i32
        %dma_start3A_201 = tpu.memref_slice %arg7[%dma_start3A_199, %dma_start3A_200] : memref<10240x128xf32, #tpu.memory_space<vmem_shared>> -> memref<10240x128xf32, #tpu.memory_space<vmem_shared>>
        tpu.enqueue_indirect_dma source(%dma_start3A_195 : memref<128x128xf32, #tpu.memory_space<vmem>>) target(%dma_start3A_201 : memref<10240x128xf32, #tpu.memory_space<vmem_shared>>) offsets(%dma_start3A_198 : memref<128xi32, #tpu.memory_space<vmem>>) semaphore(%run_scoped3A_191 : memref<!tpu.dma_semaphore, #tpu.memory_space<semaphore_mem>>) {add = true}
        %dma_wait3A_202 = arith.constant 0 : i32
        %dma_wait3A_203 = arith.constant 0 : i32
        %dma_wait3A_204 = tpu.memref_slice %arg6[%scan3A_61, %dma_wait3A_202, %dma_wait3A_203] : memref<2x128x128xf32, #tpu.memory_space<vmem>> -> memref<1x128x128xf32, #tpu.memory_space<vmem>>
        %dma_wait3A_205 = tpu.memref_squeeze %dma_wait3A_204 : memref<1x128x128xf32, #tpu.memory_space<vmem>> -> memref<128x128xf32, #tpu.memory_space<vmem>>
        %dma_wait3A_206 = arith.constant 0 : i32
        %dma_wait3A_207 = tpu.memref_slice %arg5[%scan3A_110, %run_scoped3A_144, %dma_wait3A_206] : memref<10x8x128xi32, #tpu.memory_space<vmem>> -> memref<1x1x128xi32, #tpu.memory_space<vmem>>
        %dma_wait3A_208 = tpu.memref_squeeze %dma_wait3A_207 : memref<1x1x128xi32, #tpu.memory_space<vmem>> -> memref<128xi32, #tpu.memory_space<vmem>>
        %dma_wait3A_209 = arith.constant 0 : i32
        %dma_wait3A_210 = arith.constant 0 : i32
        %dma_wait3A_211 = tpu.memref_slice %arg7[%dma_wait3A_209, %dma_wait3A_210] : memref<10240x128xf32, #tpu.memory_space<vmem_shared>> -> memref<10240x128xf32, #tpu.memory_space<vmem_shared>>
        tpu.wait_indirect_dma semaphore(%run_scoped3A_191 : memref<!tpu.dma_semaphore, #tpu.memory_space<semaphore_mem>>) src(%dma_wait3A_205 : memref<128x128xf32, #tpu.memory_space<vmem>>) dst(%dma_wait3A_211 : memref<10240x128xf32, #tpu.memory_space<vmem_shared>>)
        tpu.yield
      }) : () -> ()
      %dma_start3A_145 = arith.constant 6 : i32
      %dma_start3A_146 = arith.constant 0 : i32
      %dma_start3A_147 = arith.constant 0 : i32
      %dma_start3A_148 = tpu.memref_slice %arg6[%scan3A_61, %dma_start3A_146, %dma_start3A_147] : memref<2x128x128xf32, #tpu.memory_space<vmem>> -> memref<1x128x128xf32, #tpu.memory_space<vmem>>
      %dma_start3A_149 = tpu.memref_squeeze %dma_start3A_148 : memref<1x128x128xf32, #tpu.memory_space<vmem>> -> memref<128x128xf32, #tpu.memory_space<vmem>>
      %dma_start3A_150 = arith.constant 0 : i32
      %dma_start3A_151 = tpu.memref_slice %arg5[%scan3A_110, %dma_start3A_145, %dma_start3A_150] : memref<10x8x128xi32, #tpu.memory_space<vmem>> -> memref<1x1x128xi32, #tpu.memory_space<vmem>>
      %dma_start3A_152 = tpu.memref_squeeze %dma_start3A_151 : memref<1x1x128xi32, #tpu.memory_space<vmem>> -> memref<128xi32, #tpu.memory_space<vmem>>
      %dma_start3A_153 = arith.constant 0 : i32
      %dma_start3A_154 = arith.constant 0 : i32
      %dma_start3A_155 = tpu.memref_slice %arg3[%dma_start3A_153, %dma_start3A_154] : memref<10000x128xf32, #tpu.memory_space<hbm>> -> memref<10000x128xf32, #tpu.memory_space<hbm>>
      tpu.enqueue_indirect_dma source(%dma_start3A_155 : memref<10000x128xf32, #tpu.memory_space<hbm>>) target(%dma_start3A_149 : memref<128x128xf32, #tpu.memory_space<vmem>>) offsets(%dma_start3A_152 : memref<128xi32, #tpu.memory_space<vmem>>) semaphore(%arg9 : memref<!tpu.dma_semaphore, #tpu.memory_space<semaphore_mem>>)
      %dma_wait3A_156 = arith.constant 4 : i32
      %dma_wait3A_157 = arith.constant 0 : i32
      %dma_wait3A_158 = arith.constant 0 : i32
      %dma_wait3A_159 = tpu.memref_slice %arg6[%scan3A_60, %dma_wait3A_157, %dma_wait3A_158] : memref<2x128x128xf32, #tpu.memory_space<vmem>> -> memref<1x128x128xf32, #tpu.memory_space<vmem>>
      %dma_wait3A_160 = tpu.memref_squeeze %dma_wait3A_159 : memref<1x128x128xf32, #tpu.memory_space<vmem>> -> memref<128x128xf32, #tpu.memory_space<vmem>>
      %dma_wait3A_161 = arith.constant 0 : i32
      %dma_wait3A_162 = tpu.memref_slice %arg5[%scan3A_110, %dma_wait3A_156, %dma_wait3A_161] : memref<10x8x128xi32, #tpu.memory_space<vmem>> -> memref<1x1x128xi32, #tpu.memory_space<vmem>>
      %dma_wait3A_163 = tpu.memref_squeeze %dma_wait3A_162 : memref<1x1x128xi32, #tpu.memory_space<vmem>> -> memref<128xi32, #tpu.memory_space<vmem>>
      %dma_wait3A_164 = arith.constant 0 : i32
      %dma_wait3A_165 = arith.constant 0 : i32
      %dma_wait3A_166 = tpu.memref_slice %arg3[%dma_wait3A_164, %dma_wait3A_165] : memref<10000x128xf32, #tpu.memory_space<hbm>> -> memref<10000x128xf32, #tpu.memory_space<hbm>>
      tpu.wait_indirect_dma semaphore(%arg8 : memref<!tpu.dma_semaphore, #tpu.memory_space<semaphore_mem>>) src(%dma_wait3A_166 : memref<10000x128xf32, #tpu.memory_space<hbm>>) dst(%dma_wait3A_160 : memref<128x128xf32, #tpu.memory_space<vmem>>)
      %run_scoped3A_167 = arith.constant 5 : i32
      "tpu.region"() ({
        %run_scoped3A_191 = tpu.sem_alloc : memref<!tpu.dma_semaphore, #tpu.memory_space<semaphore_mem>>
        %dma_start3A_192 = arith.constant 0 : i32
        %dma_start3A_193 = arith.constant 0 : i32
        %dma_start3A_194 = tpu.memref_slice %arg6[%scan3A_60, %dma_start3A_192, %dma_start3A_193] : memref<2x128x128xf32, #tpu.memory_space<vmem>> -> memref<1x128x128xf32, #tpu.memory_space<vmem>>
        %dma_start3A_195 = tpu.memref_squeeze %dma_start3A_194 : memref<1x128x128xf32, #tpu.memory_space<vmem>> -> memref<128x128xf32, #tpu.memory_space<vmem>>
        %dma_start3A_196 = arith.constant 0 : i32
        %dma_start3A_197 = tpu.memref_slice %arg5[%scan3A_110, %run_scoped3A_167, %dma_start3A_196] : memref<10x8x128xi32, #tpu.memory_space<vmem>> -> memref<1x1x128xi32, #tpu.memory_space<vmem>>
        %dma_start3A_198 = tpu.memref_squeeze %dma_start3A_197 : memref<1x1x128xi32, #tpu.memory_space<vmem>> -> memref<128xi32, #tpu.memory_space<vmem>>
        %dma_start3A_199 = arith.constant 0 : i32
        %dma_start3A_200 = arith.constant 0 : i32
        %dma_start3A_201 = tpu.memref_slice %arg7[%dma_start3A_199, %dma_start3A_200] : memref<10240x128xf32, #tpu.memory_space<vmem_shared>> -> memref<10240x128xf32, #tpu.memory_space<vmem_shared>>
        tpu.enqueue_indirect_dma source(%dma_start3A_195 : memref<128x128xf32, #tpu.memory_space<vmem>>) target(%dma_start3A_201 : memref<10240x128xf32, #tpu.memory_space<vmem_shared>>) offsets(%dma_start3A_198 : memref<128xi32, #tpu.memory_space<vmem>>) semaphore(%run_scoped3A_191 : memref<!tpu.dma_semaphore, #tpu.memory_space<semaphore_mem>>) {add = true}
        %dma_wait3A_202 = arith.constant 0 : i32
        %dma_wait3A_203 = arith.constant 0 : i32
        %dma_wait3A_204 = tpu.memref_slice %arg6[%scan3A_60, %dma_wait3A_202, %dma_wait3A_203] : memref<2x128x128xf32, #tpu.memory_space<vmem>> -> memref<1x128x128xf32, #tpu.memory_space<vmem>>
        %dma_wait3A_205 = tpu.memref_squeeze %dma_wait3A_204 : memref<1x128x128xf32, #tpu.memory_space<vmem>> -> memref<128x128xf32, #tpu.memory_space<vmem>>
        %dma_wait3A_206 = arith.constant 0 : i32
        %dma_wait3A_207 = tpu.memref_slice %arg5[%scan3A_110, %run_scoped3A_167, %dma_wait3A_206] : memref<10x8x128xi32, #tpu.memory_space<vmem>> -> memref<1x1x128xi32, #tpu.memory_space<vmem>>
        %dma_wait3A_208 = tpu.memref_squeeze %dma_wait3A_207 : memref<1x1x128xi32, #tpu.memory_space<vmem>> -> memref<128xi32, #tpu.memory_space<vmem>>
        %dma_wait3A_209 = arith.constant 0 : i32
        %dma_wait3A_210 = arith.constant 0 : i32
        %dma_wait3A_211 = tpu.memref_slice %arg7[%dma_wait3A_209, %dma_wait3A_210] : memref<10240x128xf32, #tpu.memory_space<vmem_shared>> -> memref<10240x128xf32, #tpu.memory_space<vmem_shared>>
        tpu.wait_indirect_dma semaphore(%run_scoped3A_191 : memref<!tpu.dma_semaphore, #tpu.memory_space<semaphore_mem>>) src(%dma_wait3A_205 : memref<128x128xf32, #tpu.memory_space<vmem>>) dst(%dma_wait3A_211 : memref<10240x128xf32, #tpu.memory_space<vmem_shared>>)
        tpu.yield
      }) : () -> ()
      %add3A_168 = arith.constant 1 : i32
      %add3A_169 = arith.addi %scan3A_110, %add3A_168 : i32
      %lt3A = arith.constant 10 : i32
      %lt3A_170 = arith.cmpi slt, %add3A_169, %lt3A : i32
      %convert_element_type3A = arith.extui %lt3A_170 : i1 to i32
      %cond3A = arith.constant 0 : i32
      %cond3A_171 = arith.cmpi ne, %convert_element_type3A, %cond3A : i32
      scf.if %cond3A_171 {
        %add3A_191 = arith.constant 1 : i32
        %add3A_192 = arith.addi %scan3A_110, %add3A_191 : i32
        %dma_start3A_193 = arith.constant 0 : i32
        %dma_start3A_194 = arith.constant 0 : i32
        %dma_start3A_195 = arith.constant 0 : i32
        %dma_start3A_196 = tpu.memref_slice %arg6[%scan3A_60, %dma_start3A_194, %dma_start3A_195] : memref<2x128x128xf32, #tpu.memory_space<vmem>> -> memref<1x128x128xf32, #tpu.memory_space<vmem>>
        %dma_start3A_197 = tpu.memref_squeeze %dma_start3A_196 : memref<1x128x128xf32, #tpu.memory_space<vmem>> -> memref<128x128xf32, #tpu.memory_space<vmem>>
        %dma_start3A_198 = arith.constant 0 : i32
        %dma_start3A_199 = tpu.memref_slice %arg5[%add3A_192, %dma_start3A_193, %dma_start3A_198] : memref<10x8x128xi32, #tpu.memory_space<vmem>> -> memref<1x1x128xi32, #tpu.memory_space<vmem>>
        %dma_start3A_200 = tpu.memref_squeeze %dma_start3A_199 : memref<1x1x128xi32, #tpu.memory_space<vmem>> -> memref<128xi32, #tpu.memory_space<vmem>>
        %dma_start3A_201 = arith.constant 0 : i32
        %dma_start3A_202 = arith.constant 0 : i32
        %dma_start3A_203 = tpu.memref_slice %arg3[%dma_start3A_201, %dma_start3A_202] : memref<10000x128xf32, #tpu.memory_space<hbm>> -> memref<10000x128xf32, #tpu.memory_space<hbm>>
        tpu.enqueue_indirect_dma source(%dma_start3A_203 : memref<10000x128xf32, #tpu.memory_space<hbm>>) target(%dma_start3A_197 : memref<128x128xf32, #tpu.memory_space<vmem>>) offsets(%dma_start3A_200 : memref<128xi32, #tpu.memory_space<vmem>>) semaphore(%arg8 : memref<!tpu.dma_semaphore, #tpu.memory_space<semaphore_mem>>)
      } else {
      }
      %dma_wait3A_172 = arith.constant 6 : i32
      %dma_wait3A_173 = arith.constant 0 : i32
      %dma_wait3A_174 = arith.constant 0 : i32
      %dma_wait3A_175 = tpu.memref_slice %arg6[%scan3A_61, %dma_wait3A_173, %dma_wait3A_174] : memref<2x128x128xf32, #tpu.memory_space<vmem>> -> memref<1x128x128xf32, #tpu.memory_space<vmem>>
      %dma_wait3A_176 = tpu.memref_squeeze %dma_wait3A_175 : memref<1x128x128xf32, #tpu.memory_space<vmem>> -> memref<128x128xf32, #tpu.memory_space<vmem>>
      %dma_wait3A_177 = arith.constant 0 : i32
      %dma_wait3A_178 = tpu.memref_slice %arg5[%scan3A_110, %dma_wait3A_172, %dma_wait3A_177] : memref<10x8x128xi32, #tpu.memory_space<vmem>> -> memref<1x1x128xi32, #tpu.memory_space<vmem>>
      %dma_wait3A_179 = tpu.memref_squeeze %dma_wait3A_178 : memref<1x1x128xi32, #tpu.memory_space<vmem>> -> memref<128xi32, #tpu.memory_space<vmem>>
      %dma_wait3A_180 = arith.constant 0 : i32
      %dma_wait3A_181 = arith.constant 0 : i32
      %dma_wait3A_182 = tpu.memref_slice %arg3[%dma_wait3A_180, %dma_wait3A_181] : memref<10000x128xf32, #tpu.memory_space<hbm>> -> memref<10000x128xf32, #tpu.memory_space<hbm>>
      tpu.wait_indirect_dma semaphore(%arg9 : memref<!tpu.dma_semaphore, #tpu.memory_space<semaphore_mem>>) src(%dma_wait3A_182 : memref<10000x128xf32, #tpu.memory_space<hbm>>) dst(%dma_wait3A_176 : memref<128x128xf32, #tpu.memory_space<vmem>>)
      %run_scoped3A_183 = arith.constant 7 : i32
      "tpu.region"() ({
        %run_scoped3A_191 = tpu.sem_alloc : memref<!tpu.dma_semaphore, #tpu.memory_space<semaphore_mem>>
        %dma_start3A_192 = arith.constant 0 : i32
        %dma_start3A_193 = arith.constant 0 : i32
        %dma_start3A_194 = tpu.memref_slice %arg6[%scan3A_61, %dma_start3A_192, %dma_start3A_193] : memref<2x128x128xf32, #tpu.memory_space<vmem>> -> memref<1x128x128xf32, #tpu.memory_space<vmem>>
        %dma_start3A_195 = tpu.memref_squeeze %dma_start3A_194 : memref<1x128x128xf32, #tpu.memory_space<vmem>> -> memref<128x128xf32, #tpu.memory_space<vmem>>
        %dma_start3A_196 = arith.constant 0 : i32
        %dma_start3A_197 = tpu.memref_slice %arg5[%scan3A_110, %run_scoped3A_183, %dma_start3A_196] : memref<10x8x128xi32, #tpu.memory_space<vmem>> -> memref<1x1x128xi32, #tpu.memory_space<vmem>>
        %dma_start3A_198 = tpu.memref_squeeze %dma_start3A_197 : memref<1x1x128xi32, #tpu.memory_space<vmem>> -> memref<128xi32, #tpu.memory_space<vmem>>
        %dma_start3A_199 = arith.constant 0 : i32
        %dma_start3A_200 = arith.constant 0 : i32
        %dma_start3A_201 = tpu.memref_slice %arg7[%dma_start3A_199, %dma_start3A_200] : memref<10240x128xf32, #tpu.memory_space<vmem_shared>> -> memref<10240x128xf32, #tpu.memory_space<vmem_shared>>
        tpu.enqueue_indirect_dma source(%dma_start3A_195 : memref<128x128xf32, #tpu.memory_space<vmem>>) target(%dma_start3A_201 : memref<10240x128xf32, #tpu.memory_space<vmem_shared>>) offsets(%dma_start3A_198 : memref<128xi32, #tpu.memory_space<vmem>>) semaphore(%run_scoped3A_191 : memref<!tpu.dma_semaphore, #tpu.memory_space<semaphore_mem>>) {add = true}
        %dma_wait3A_202 = arith.constant 0 : i32
        %dma_wait3A_203 = arith.constant 0 : i32
        %dma_wait3A_204 = tpu.memref_slice %arg6[%scan3A_61, %dma_wait3A_202, %dma_wait3A_203] : memref<2x128x128xf32, #tpu.memory_space<vmem>> -> memref<1x128x128xf32, #tpu.memory_space<vmem>>
        %dma_wait3A_205 = tpu.memref_squeeze %dma_wait3A_204 : memref<1x128x128xf32, #tpu.memory_space<vmem>> -> memref<128x128xf32, #tpu.memory_space<vmem>>
        %dma_wait3A_206 = arith.constant 0 : i32
        %dma_wait3A_207 = tpu.memref_slice %arg5[%scan3A_110, %run_scoped3A_183, %dma_wait3A_206] : memref<10x8x128xi32, #tpu.memory_space<vmem>> -> memref<1x1x128xi32, #tpu.memory_space<vmem>>
        %dma_wait3A_208 = tpu.memref_squeeze %dma_wait3A_207 : memref<1x1x128xi32, #tpu.memory_space<vmem>> -> memref<128xi32, #tpu.memory_space<vmem>>
        %dma_wait3A_209 = arith.constant 0 : i32
        %dma_wait3A_210 = arith.constant 0 : i32
        %dma_wait3A_211 = tpu.memref_slice %arg7[%dma_wait3A_209, %dma_wait3A_210] : memref<10240x128xf32, #tpu.memory_space<vmem_shared>> -> memref<10240x128xf32, #tpu.memory_space<vmem_shared>>
        tpu.wait_indirect_dma semaphore(%run_scoped3A_191 : memref<!tpu.dma_semaphore, #tpu.memory_space<semaphore_mem>>) src(%dma_wait3A_205 : memref<128x128xf32, #tpu.memory_space<vmem>>) dst(%dma_wait3A_211 : memref<10240x128xf32, #tpu.memory_space<vmem_shared>>)
        tpu.yield
      }) : () -> ()
      %add3A_184 = arith.constant 1 : i32
      %add3A_185 = arith.addi %scan3A_110, %add3A_184 : i32
      %lt3A_186 = arith.constant 10 : i32
      %lt3A_187 = arith.cmpi slt, %add3A_185, %lt3A_186 : i32
      %convert_element_type3A_188 = arith.extui %lt3A_187 : i1 to i32
      %cond3A_189 = arith.constant 0 : i32
      %cond3A_190 = arith.cmpi ne, %convert_element_type3A_188, %cond3A_189 : i32
      scf.if %cond3A_190 {
        %add3A_191 = arith.constant 1 : i32
        %add3A_192 = arith.addi %scan3A_110, %add3A_191 : i32
        %dma_start3A_193 = arith.constant 2 : i32
        %dma_start3A_194 = arith.constant 0 : i32
        %dma_start3A_195 = arith.constant 0 : i32
        %dma_start3A_196 = tpu.memref_slice %arg6[%scan3A_61, %dma_start3A_194, %dma_start3A_195] : memref<2x128x128xf32, #tpu.memory_space<vmem>> -> memref<1x128x128xf32, #tpu.memory_space<vmem>>
        %dma_start3A_197 = tpu.memref_squeeze %dma_start3A_196 : memref<1x128x128xf32, #tpu.memory_space<vmem>> -> memref<128x128xf32, #tpu.memory_space<vmem>>
        %dma_start3A_198 = arith.constant 0 : i32
        %dma_start3A_199 = tpu.memref_slice %arg5[%add3A_192, %dma_start3A_193, %dma_start3A_198] : memref<10x8x128xi32, #tpu.memory_space<vmem>> -> memref<1x1x128xi32, #tpu.memory_space<vmem>>
        %dma_start3A_200 = tpu.memref_squeeze %dma_start3A_199 : memref<1x1x128xi32, #tpu.memory_space<vmem>> -> memref<128xi32, #tpu.memory_space<vmem>>
        %dma_start3A_201 = arith.constant 0 : i32
        %dma_start3A_202 = arith.constant 0 : i32
        %dma_start3A_203 = tpu.memref_slice %arg3[%dma_start3A_201, %dma_start3A_202] : memref<10000x128xf32, #tpu.memory_space<hbm>> -> memref<10000x128xf32, #tpu.memory_space<hbm>>
        tpu.enqueue_indirect_dma source(%dma_start3A_203 : memref<10000x128xf32, #tpu.memory_space<hbm>>) target(%dma_start3A_197 : memref<128x128xf32, #tpu.memory_space<vmem>>) offsets(%dma_start3A_200 : memref<128xi32, #tpu.memory_space<vmem>>) semaphore(%arg9 : memref<!tpu.dma_semaphore, #tpu.memory_space<semaphore_mem>>)
      } else {
      }
    }
    %scan3A_66 = arith.constant 10 : i32
    %mul3A_67 = arith.constant 20 : i32
    %mul3A_68 = arith.muli %add3A, %mul3A_67 : i32
    %add3A_69 = arith.constant 10 : i32
    %add3A_70 = arith.addi %mul3A_68, %add3A_69 : i32
    "tpu.region"() ({
      %run_scoped3A_110 = tpu.sem_alloc : memref<!tpu.dma_semaphore, #tpu.memory_space<semaphore_mem>>
      %dma_start3A_111 = arith.constant 0 : i32
      %dma_start3A_112 = arith.constant 0 : i32
      %dma_start3A_113 = tpu.memref_slice %arg2[%add3A_70, %dma_start3A_111, %dma_start3A_112] : memref<640x8x128xi32, #tpu.memory_space<hbm>> -> memref<10x8x128xi32, #tpu.memory_space<hbm>>
      %dma_start3A_114 = arith.constant 0 : i32
      %dma_start3A_115 = arith.constant 0 : i32
      %dma_start3A_116 = tpu.memref_slice %arg2[%add3A_70, %dma_start3A_114, %dma_start3A_115] : memref<640x8x128xi32, #tpu.memory_space<hbm>> -> memref<10x8x128xi32, #tpu.memory_space<hbm>>
      tpu.enqueue_dma source(%dma_start3A_116 : memref<10x8x128xi32, #tpu.memory_space<hbm>>) target(%arg5 : memref<10x8x128xi32, #tpu.memory_space<vmem>>) target_semaphore(%run_scoped3A_110 : memref<!tpu.dma_semaphore, #tpu.memory_space<semaphore_mem>>)
      %dma_wait3A = arith.constant 0 : i32
      %dma_wait3A_117 = arith.constant 0 : i32
      %dma_wait3A_118 = tpu.memref_slice %arg2[%add3A_70, %dma_wait3A, %dma_wait3A_117] : memref<640x8x128xi32, #tpu.memory_space<hbm>> -> memref<10x8x128xi32, #tpu.memory_space<hbm>>
      %dma_wait3A_119 = arith.constant 0 : i32
      %dma_wait3A_120 = arith.constant 0 : i32
      %dma_wait3A_121 = tpu.memref_slice %arg2[%add3A_70, %dma_wait3A_119, %dma_wait3A_120] : memref<640x8x128xi32, #tpu.memory_space<hbm>> -> memref<10x8x128xi32, #tpu.memory_space<hbm>>
      tpu.wait_dma2 semaphore(%run_scoped3A_110 : memref<!tpu.dma_semaphore, #tpu.memory_space<semaphore_mem>>) src(%dma_wait3A_121 : memref<10x8x128xi32, #tpu.memory_space<hbm>>) dst(%arg5 : memref<10x8x128xi32, #tpu.memory_space<vmem>>)
      tpu.yield
    }) : () -> ()
    %dma_start3A_71 = arith.constant 0 : i32
    %dma_start3A_72 = arith.constant 0 : i32
    %dma_start3A_73 = arith.constant 0 : i32
    %dma_start3A_74 = arith.constant 0 : i32
    %dma_start3A_75 = arith.constant 0 : i32
    %dma_start3A_76 = tpu.memref_slice %arg6[%dma_start3A_73, %dma_start3A_74, %dma_start3A_75] : memref<2x128x128xf32, #tpu.memory_space<vmem>> -> memref<1x128x128xf32, #tpu.memory_space<vmem>>
    %dma_start3A_77 = tpu.memref_squeeze %dma_start3A_76 : memref<1x128x128xf32, #tpu.memory_space<vmem>> -> memref<128x128xf32, #tpu.memory_space<vmem>>
    %dma_start3A_78 = arith.constant 0 : i32
    %dma_start3A_79 = tpu.memref_slice %arg5[%dma_start3A_71, %dma_start3A_72, %dma_start3A_78] : memref<10x8x128xi32, #tpu.memory_space<vmem>> -> memref<1x1x128xi32, #tpu.memory_space<vmem>>
    %dma_start3A_80 = tpu.memref_squeeze %dma_start3A_79 : memref<1x1x128xi32, #tpu.memory_space<vmem>> -> memref<128xi32, #tpu.memory_space<vmem>>
    %dma_start3A_81 = arith.constant 0 : i32
    %dma_start3A_82 = arith.constant 0 : i32
    %dma_start3A_83 = tpu.memref_slice %arg3[%dma_start3A_81, %dma_start3A_82] : memref<10000x128xf32, #tpu.memory_space<hbm>> -> memref<10000x128xf32, #tpu.memory_space<hbm>>
    tpu.enqueue_indirect_dma source(%dma_start3A_83 : memref<10000x128xf32, #tpu.memory_space<hbm>>) target(%dma_start3A_77 : memref<128x128xf32, #tpu.memory_space<vmem>>) offsets(%dma_start3A_80 : memref<128xi32, #tpu.memory_space<vmem>>) semaphore(%arg8 : memref<!tpu.dma_semaphore, #tpu.memory_space<semaphore_mem>>)
    %dma_start3A_84 = arith.constant 0 : i32
    %dma_start3A_85 = arith.constant 2 : i32
    %dma_start3A_86 = arith.constant 1 : i32
    %dma_start3A_87 = arith.constant 0 : i32
    %dma_start3A_88 = arith.constant 0 : i32
    %dma_start3A_89 = tpu.memref_slice %arg6[%dma_start3A_86, %dma_start3A_87, %dma_start3A_88] : memref<2x128x128xf32, #tpu.memory_space<vmem>> -> memref<1x128x128xf32, #tpu.memory_space<vmem>>
    %dma_start3A_90 = tpu.memref_squeeze %dma_start3A_89 : memref<1x128x128xf32, #tpu.memory_space<vmem>> -> memref<128x128xf32, #tpu.memory_space<vmem>>
    %dma_start3A_91 = arith.constant 0 : i32
    %dma_start3A_92 = tpu.memref_slice %arg5[%dma_start3A_84, %dma_start3A_85, %dma_start3A_91] : memref<10x8x128xi32, #tpu.memory_space<vmem>> -> memref<1x1x128xi32, #tpu.memory_space<vmem>>
    %dma_start3A_93 = tpu.memref_squeeze %dma_start3A_92 : memref<1x1x128xi32, #tpu.memory_space<vmem>> -> memref<128xi32, #tpu.memory_space<vmem>>
    %dma_start3A_94 = arith.constant 0 : i32
    %dma_start3A_95 = arith.constant 0 : i32
    %dma_start3A_96 = tpu.memref_slice %arg3[%dma_start3A_94, %dma_start3A_95] : memref<10000x128xf32, #tpu.memory_space<hbm>> -> memref<10000x128xf32, #tpu.memory_space<hbm>>
    tpu.enqueue_indirect_dma source(%dma_start3A_96 : memref<10000x128xf32, #tpu.memory_space<hbm>>) target(%dma_start3A_90 : memref<128x128xf32, #tpu.memory_space<vmem>>) offsets(%dma_start3A_93 : memref<128xi32, #tpu.memory_space<vmem>>) semaphore(%arg9 : memref<!tpu.dma_semaphore, #tpu.memory_space<semaphore_mem>>)
    %scan3A_97 = arith.constant 0 : i32
    %scan3A_98 = arith.constant 0 : i32
    %scan3A_99 = arith.constant 1 : i32
    %scan3A_100 = arith.constant 0 : i32
    %scan3A_101 = arith.constant 10 : i32
    %scan3A_102 = arith.addi %scan3A_100, %scan3A_101 : i32
    %scan3A_103 = arith.constant 1 : i32
    scf.for %scan3A_110 = %scan3A_100 to %scan3A_102 step %scan3A_103  : i32 {
      %dma_wait3A = arith.constant 0 : i32
      %dma_wait3A_111 = arith.constant 0 : i32
      %dma_wait3A_112 = arith.constant 0 : i32
      %dma_wait3A_113 = tpu.memref_slice %arg6[%scan3A_98, %dma_wait3A_111, %dma_wait3A_112] : memref<2x128x128xf32, #tpu.memory_space<vmem>> -> memref<1x128x128xf32, #tpu.memory_space<vmem>>
      %dma_wait3A_114 = tpu.memref_squeeze %dma_wait3A_113 : memref<1x128x128xf32, #tpu.memory_space<vmem>> -> memref<128x128xf32, #tpu.memory_space<vmem>>
      %dma_wait3A_115 = arith.constant 0 : i32
      %dma_wait3A_116 = tpu.memref_slice %arg5[%scan3A_110, %dma_wait3A, %dma_wait3A_115] : memref<10x8x128xi32, #tpu.memory_space<vmem>> -> memref<1x1x128xi32, #tpu.memory_space<vmem>>
      %dma_wait3A_117 = tpu.memref_squeeze %dma_wait3A_116 : memref<1x1x128xi32, #tpu.memory_space<vmem>> -> memref<128xi32, #tpu.memory_space<vmem>>
      %dma_wait3A_118 = arith.constant 0 : i32
      %dma_wait3A_119 = arith.constant 0 : i32
      %dma_wait3A_120 = tpu.memref_slice %arg3[%dma_wait3A_118, %dma_wait3A_119] : memref<10000x128xf32, #tpu.memory_space<hbm>> -> memref<10000x128xf32, #tpu.memory_space<hbm>>
      tpu.wait_indirect_dma semaphore(%arg8 : memref<!tpu.dma_semaphore, #tpu.memory_space<semaphore_mem>>) src(%dma_wait3A_120 : memref<10000x128xf32, #tpu.memory_space<hbm>>) dst(%dma_wait3A_114 : memref<128x128xf32, #tpu.memory_space<vmem>>)
      %run_scoped3A_121 = arith.constant 1 : i32
      "tpu.region"() ({
        %run_scoped3A_191 = tpu.sem_alloc : memref<!tpu.dma_semaphore, #tpu.memory_space<semaphore_mem>>
        %dma_start3A_192 = arith.constant 0 : i32
        %dma_start3A_193 = arith.constant 0 : i32
        %dma_start3A_194 = tpu.memref_slice %arg6[%scan3A_98, %dma_start3A_192, %dma_start3A_193] : memref<2x128x128xf32, #tpu.memory_space<vmem>> -> memref<1x128x128xf32, #tpu.memory_space<vmem>>
        %dma_start3A_195 = tpu.memref_squeeze %dma_start3A_194 : memref<1x128x128xf32, #tpu.memory_space<vmem>> -> memref<128x128xf32, #tpu.memory_space<vmem>>
        %dma_start3A_196 = arith.constant 0 : i32
        %dma_start3A_197 = tpu.memref_slice %arg5[%scan3A_110, %run_scoped3A_121, %dma_start3A_196] : memref<10x8x128xi32, #tpu.memory_space<vmem>> -> memref<1x1x128xi32, #tpu.memory_space<vmem>>
        %dma_start3A_198 = tpu.memref_squeeze %dma_start3A_197 : memref<1x1x128xi32, #tpu.memory_space<vmem>> -> memref<128xi32, #tpu.memory_space<vmem>>
        %dma_start3A_199 = arith.constant 0 : i32
        %dma_start3A_200 = arith.constant 0 : i32
        %dma_start3A_201 = tpu.memref_slice %arg7[%dma_start3A_199, %dma_start3A_200] : memref<10240x128xf32, #tpu.memory_space<vmem_shared>> -> memref<10240x128xf32, #tpu.memory_space<vmem_shared>>
        tpu.enqueue_indirect_dma source(%dma_start3A_195 : memref<128x128xf32, #tpu.memory_space<vmem>>) target(%dma_start3A_201 : memref<10240x128xf32, #tpu.memory_space<vmem_shared>>) offsets(%dma_start3A_198 : memref<128xi32, #tpu.memory_space<vmem>>) semaphore(%run_scoped3A_191 : memref<!tpu.dma_semaphore, #tpu.memory_space<semaphore_mem>>) {add = true}
        %dma_wait3A_202 = arith.constant 0 : i32
        %dma_wait3A_203 = arith.constant 0 : i32
        %dma_wait3A_204 = tpu.memref_slice %arg6[%scan3A_98, %dma_wait3A_202, %dma_wait3A_203] : memref<2x128x128xf32, #tpu.memory_space<vmem>> -> memref<1x128x128xf32, #tpu.memory_space<vmem>>
        %dma_wait3A_205 = tpu.memref_squeeze %dma_wait3A_204 : memref<1x128x128xf32, #tpu.memory_space<vmem>> -> memref<128x128xf32, #tpu.memory_space<vmem>>
        %dma_wait3A_206 = arith.constant 0 : i32
        %dma_wait3A_207 = tpu.memref_slice %arg5[%scan3A_110, %run_scoped3A_121, %dma_wait3A_206] : memref<10x8x128xi32, #tpu.memory_space<vmem>> -> memref<1x1x128xi32, #tpu.memory_space<vmem>>
        %dma_wait3A_208 = tpu.memref_squeeze %dma_wait3A_207 : memref<1x1x128xi32, #tpu.memory_space<vmem>> -> memref<128xi32, #tpu.memory_space<vmem>>
        %dma_wait3A_209 = arith.constant 0 : i32
        %dma_wait3A_210 = arith.constant 0 : i32
        %dma_wait3A_211 = tpu.memref_slice %arg7[%dma_wait3A_209, %dma_wait3A_210] : memref<10240x128xf32, #tpu.memory_space<vmem_shared>> -> memref<10240x128xf32, #tpu.memory_space<vmem_shared>>
        tpu.wait_indirect_dma semaphore(%run_scoped3A_191 : memref<!tpu.dma_semaphore, #tpu.memory_space<semaphore_mem>>) src(%dma_wait3A_205 : memref<128x128xf32, #tpu.memory_space<vmem>>) dst(%dma_wait3A_211 : memref<10240x128xf32, #tpu.memory_space<vmem_shared>>)
        tpu.yield
      }) : () -> ()
      %dma_start3A_122 = arith.constant 4 : i32
      %dma_start3A_123 = arith.constant 0 : i32
      %dma_start3A_124 = arith.constant 0 : i32
      %dma_start3A_125 = tpu.memref_slice %arg6[%scan3A_98, %dma_start3A_123, %dma_start3A_124] : memref<2x128x128xf32, #tpu.memory_space<vmem>> -> memref<1x128x128xf32, #tpu.memory_space<vmem>>
      %dma_start3A_126 = tpu.memref_squeeze %dma_start3A_125 : memref<1x128x128xf32, #tpu.memory_space<vmem>> -> memref<128x128xf32, #tpu.memory_space<vmem>>
      %dma_start3A_127 = arith.constant 0 : i32
      %dma_start3A_128 = tpu.memref_slice %arg5[%scan3A_110, %dma_start3A_122, %dma_start3A_127] : memref<10x8x128xi32, #tpu.memory_space<vmem>> -> memref<1x1x128xi32, #tpu.memory_space<vmem>>
      %dma_start3A_129 = tpu.memref_squeeze %dma_start3A_128 : memref<1x1x128xi32, #tpu.memory_space<vmem>> -> memref<128xi32, #tpu.memory_space<vmem>>
      %dma_start3A_130 = arith.constant 0 : i32
      %dma_start3A_131 = arith.constant 0 : i32
      %dma_start3A_132 = tpu.memref_slice %arg3[%dma_start3A_130, %dma_start3A_131] : memref<10000x128xf32, #tpu.memory_space<hbm>> -> memref<10000x128xf32, #tpu.memory_space<hbm>>
      tpu.enqueue_indirect_dma source(%dma_start3A_132 : memref<10000x128xf32, #tpu.memory_space<hbm>>) target(%dma_start3A_126 : memref<128x128xf32, #tpu.memory_space<vmem>>) offsets(%dma_start3A_129 : memref<128xi32, #tpu.memory_space<vmem>>) semaphore(%arg8 : memref<!tpu.dma_semaphore, #tpu.memory_space<semaphore_mem>>)
      %dma_wait3A_133 = arith.constant 2 : i32
      %dma_wait3A_134 = arith.constant 0 : i32
      %dma_wait3A_135 = arith.constant 0 : i32
      %dma_wait3A_136 = tpu.memref_slice %arg6[%scan3A_99, %dma_wait3A_134, %dma_wait3A_135] : memref<2x128x128xf32, #tpu.memory_space<vmem>> -> memref<1x128x128xf32, #tpu.memory_space<vmem>>
      %dma_wait3A_137 = tpu.memref_squeeze %dma_wait3A_136 : memref<1x128x128xf32, #tpu.memory_space<vmem>> -> memref<128x128xf32, #tpu.memory_space<vmem>>
      %dma_wait3A_138 = arith.constant 0 : i32
      %dma_wait3A_139 = tpu.memref_slice %arg5[%scan3A_110, %dma_wait3A_133, %dma_wait3A_138] : memref<10x8x128xi32, #tpu.memory_space<vmem>> -> memref<1x1x128xi32, #tpu.memory_space<vmem>>
      %dma_wait3A_140 = tpu.memref_squeeze %dma_wait3A_139 : memref<1x1x128xi32, #tpu.memory_space<vmem>> -> memref<128xi32, #tpu.memory_space<vmem>>
      %dma_wait3A_141 = arith.constant 0 : i32
      %dma_wait3A_142 = arith.constant 0 : i32
      %dma_wait3A_143 = tpu.memref_slice %arg3[%dma_wait3A_141, %dma_wait3A_142] : memref<10000x128xf32, #tpu.memory_space<hbm>> -> memref<10000x128xf32, #tpu.memory_space<hbm>>
      tpu.wait_indirect_dma semaphore(%arg9 : memref<!tpu.dma_semaphore, #tpu.memory_space<semaphore_mem>>) src(%dma_wait3A_143 : memref<10000x128xf32, #tpu.memory_space<hbm>>) dst(%dma_wait3A_137 : memref<128x128xf32, #tpu.memory_space<vmem>>)
      %run_scoped3A_144 = arith.constant 3 : i32
      "tpu.region"() ({
        %run_scoped3A_191 = tpu.sem_alloc : memref<!tpu.dma_semaphore, #tpu.memory_space<semaphore_mem>>
        %dma_start3A_192 = arith.constant 0 : i32
        %dma_start3A_193 = arith.constant 0 : i32
        %dma_start3A_194 = tpu.memref_slice %arg6[%scan3A_99, %dma_start3A_192, %dma_start3A_193] : memref<2x128x128xf32, #tpu.memory_space<vmem>> -> memref<1x128x128xf32, #tpu.memory_space<vmem>>
        %dma_start3A_195 = tpu.memref_squeeze %dma_start3A_194 : memref<1x128x128xf32, #tpu.memory_space<vmem>> -> memref<128x128xf32, #tpu.memory_space<vmem>>
        %dma_start3A_196 = arith.constant 0 : i32
        %dma_start3A_197 = tpu.memref_slice %arg5[%scan3A_110, %run_scoped3A_144, %dma_start3A_196] : memref<10x8x128xi32, #tpu.memory_space<vmem>> -> memref<1x1x128xi32, #tpu.memory_space<vmem>>
        %dma_start3A_198 = tpu.memref_squeeze %dma_start3A_197 : memref<1x1x128xi32, #tpu.memory_space<vmem>> -> memref<128xi32, #tpu.memory_space<vmem>>
        %dma_start3A_199 = arith.constant 0 : i32
        %dma_start3A_200 = arith.constant 0 : i32
        %dma_start3A_201 = tpu.memref_slice %arg7[%dma_start3A_199, %dma_start3A_200] : memref<10240x128xf32, #tpu.memory_space<vmem_shared>> -> memref<10240x128xf32, #tpu.memory_space<vmem_shared>>
        tpu.enqueue_indirect_dma source(%dma_start3A_195 : memref<128x128xf32, #tpu.memory_space<vmem>>) target(%dma_start3A_201 : memref<10240x128xf32, #tpu.memory_space<vmem_shared>>) offsets(%dma_start3A_198 : memref<128xi32, #tpu.memory_space<vmem>>) semaphore(%run_scoped3A_191 : memref<!tpu.dma_semaphore, #tpu.memory_space<semaphore_mem>>) {add = true}
        %dma_wait3A_202 = arith.constant 0 : i32
        %dma_wait3A_203 = arith.constant 0 : i32
        %dma_wait3A_204 = tpu.memref_slice %arg6[%scan3A_99, %dma_wait3A_202, %dma_wait3A_203] : memref<2x128x128xf32, #tpu.memory_space<vmem>> -> memref<1x128x128xf32, #tpu.memory_space<vmem>>
        %dma_wait3A_205 = tpu.memref_squeeze %dma_wait3A_204 : memref<1x128x128xf32, #tpu.memory_space<vmem>> -> memref<128x128xf32, #tpu.memory_space<vmem>>
        %dma_wait3A_206 = arith.constant 0 : i32
        %dma_wait3A_207 = tpu.memref_slice %arg5[%scan3A_110, %run_scoped3A_144, %dma_wait3A_206] : memref<10x8x128xi32, #tpu.memory_space<vmem>> -> memref<1x1x128xi32, #tpu.memory_space<vmem>>
        %dma_wait3A_208 = tpu.memref_squeeze %dma_wait3A_207 : memref<1x1x128xi32, #tpu.memory_space<vmem>> -> memref<128xi32, #tpu.memory_space<vmem>>
        %dma_wait3A_209 = arith.constant 0 : i32
        %dma_wait3A_210 = arith.constant 0 : i32
        %dma_wait3A_211 = tpu.memref_slice %arg7[%dma_wait3A_209, %dma_wait3A_210] : memref<10240x128xf32, #tpu.memory_space<vmem_shared>> -> memref<10240x128xf32, #tpu.memory_space<vmem_shared>>
        tpu.wait_indirect_dma semaphore(%run_scoped3A_191 : memref<!tpu.dma_semaphore, #tpu.memory_space<semaphore_mem>>) src(%dma_wait3A_205 : memref<128x128xf32, #tpu.memory_space<vmem>>) dst(%dma_wait3A_211 : memref<10240x128xf32, #tpu.memory_space<vmem_shared>>)
        tpu.yield
      }) : () -> ()
      %dma_start3A_145 = arith.constant 6 : i32
      %dma_start3A_146 = arith.constant 0 : i32
      %dma_start3A_147 = arith.constant 0 : i32
      %dma_start3A_148 = tpu.memref_slice %arg6[%scan3A_99, %dma_start3A_146, %dma_start3A_147] : memref<2x128x128xf32, #tpu.memory_space<vmem>> -> memref<1x128x128xf32, #tpu.memory_space<vmem>>
      %dma_start3A_149 = tpu.memref_squeeze %dma_start3A_148 : memref<1x128x128xf32, #tpu.memory_space<vmem>> -> memref<128x128xf32, #tpu.memory_space<vmem>>
      %dma_start3A_150 = arith.constant 0 : i32
      %dma_start3A_151 = tpu.memref_slice %arg5[%scan3A_110, %dma_start3A_145, %dma_start3A_150] : memref<10x8x128xi32, #tpu.memory_space<vmem>> -> memref<1x1x128xi32, #tpu.memory_space<vmem>>
      %dma_start3A_152 = tpu.memref_squeeze %dma_start3A_151 : memref<1x1x128xi32, #tpu.memory_space<vmem>> -> memref<128xi32, #tpu.memory_space<vmem>>
      %dma_start3A_153 = arith.constant 0 : i32
      %dma_start3A_154 = arith.constant 0 : i32
      %dma_start3A_155 = tpu.memref_slice %arg3[%dma_start3A_153, %dma_start3A_154] : memref<10000x128xf32, #tpu.memory_space<hbm>> -> memref<10000x128xf32, #tpu.memory_space<hbm>>
      tpu.enqueue_indirect_dma source(%dma_start3A_155 : memref<10000x128xf32, #tpu.memory_space<hbm>>) target(%dma_start3A_149 : memref<128x128xf32, #tpu.memory_space<vmem>>) offsets(%dma_start3A_152 : memref<128xi32, #tpu.memory_space<vmem>>) semaphore(%arg9 : memref<!tpu.dma_semaphore, #tpu.memory_space<semaphore_mem>>)
      %dma_wait3A_156 = arith.constant 4 : i32
      %dma_wait3A_157 = arith.constant 0 : i32
      %dma_wait3A_158 = arith.constant 0 : i32
      %dma_wait3A_159 = tpu.memref_slice %arg6[%scan3A_98, %dma_wait3A_157, %dma_wait3A_158] : memref<2x128x128xf32, #tpu.memory_space<vmem>> -> memref<1x128x128xf32, #tpu.memory_space<vmem>>
      %dma_wait3A_160 = tpu.memref_squeeze %dma_wait3A_159 : memref<1x128x128xf32, #tpu.memory_space<vmem>> -> memref<128x128xf32, #tpu.memory_space<vmem>>
      %dma_wait3A_161 = arith.constant 0 : i32
      %dma_wait3A_162 = tpu.memref_slice %arg5[%scan3A_110, %dma_wait3A_156, %dma_wait3A_161] : memref<10x8x128xi32, #tpu.memory_space<vmem>> -> memref<1x1x128xi32, #tpu.memory_space<vmem>>
      %dma_wait3A_163 = tpu.memref_squeeze %dma_wait3A_162 : memref<1x1x128xi32, #tpu.memory_space<vmem>> -> memref<128xi32, #tpu.memory_space<vmem>>
      %dma_wait3A_164 = arith.constant 0 : i32
      %dma_wait3A_165 = arith.constant 0 : i32
      %dma_wait3A_166 = tpu.memref_slice %arg3[%dma_wait3A_164, %dma_wait3A_165] : memref<10000x128xf32, #tpu.memory_space<hbm>> -> memref<10000x128xf32, #tpu.memory_space<hbm>>
      tpu.wait_indirect_dma semaphore(%arg8 : memref<!tpu.dma_semaphore, #tpu.memory_space<semaphore_mem>>) src(%dma_wait3A_166 : memref<10000x128xf32, #tpu.memory_space<hbm>>) dst(%dma_wait3A_160 : memref<128x128xf32, #tpu.memory_space<vmem>>)
      %run_scoped3A_167 = arith.constant 5 : i32
      "tpu.region"() ({
        %run_scoped3A_191 = tpu.sem_alloc : memref<!tpu.dma_semaphore, #tpu.memory_space<semaphore_mem>>
        %dma_start3A_192 = arith.constant 0 : i32
        %dma_start3A_193 = arith.constant 0 : i32
        %dma_start3A_194 = tpu.memref_slice %arg6[%scan3A_98, %dma_start3A_192, %dma_start3A_193] : memref<2x128x128xf32, #tpu.memory_space<vmem>> -> memref<1x128x128xf32, #tpu.memory_space<vmem>>
        %dma_start3A_195 = tpu.memref_squeeze %dma_start3A_194 : memref<1x128x128xf32, #tpu.memory_space<vmem>> -> memref<128x128xf32, #tpu.memory_space<vmem>>
        %dma_start3A_196 = arith.constant 0 : i32
        %dma_start3A_197 = tpu.memref_slice %arg5[%scan3A_110, %run_scoped3A_167, %dma_start3A_196] : memref<10x8x128xi32, #tpu.memory_space<vmem>> -> memref<1x1x128xi32, #tpu.memory_space<vmem>>
        %dma_start3A_198 = tpu.memref_squeeze %dma_start3A_197 : memref<1x1x128xi32, #tpu.memory_space<vmem>> -> memref<128xi32, #tpu.memory_space<vmem>>
        %dma_start3A_199 = arith.constant 0 : i32
        %dma_start3A_200 = arith.constant 0 : i32
        %dma_start3A_201 = tpu.memref_slice %arg7[%dma_start3A_199, %dma_start3A_200] : memref<10240x128xf32, #tpu.memory_space<vmem_shared>> -> memref<10240x128xf32, #tpu.memory_space<vmem_shared>>
        tpu.enqueue_indirect_dma source(%dma_start3A_195 : memref<128x128xf32, #tpu.memory_space<vmem>>) target(%dma_start3A_201 : memref<10240x128xf32, #tpu.memory_space<vmem_shared>>) offsets(%dma_start3A_198 : memref<128xi32, #tpu.memory_space<vmem>>) semaphore(%run_scoped3A_191 : memref<!tpu.dma_semaphore, #tpu.memory_space<semaphore_mem>>) {add = true}
        %dma_wait3A_202 = arith.constant 0 : i32
        %dma_wait3A_203 = arith.constant 0 : i32
        %dma_wait3A_204 = tpu.memref_slice %arg6[%scan3A_98, %dma_wait3A_202, %dma_wait3A_203] : memref<2x128x128xf32, #tpu.memory_space<vmem>> -> memref<1x128x128xf32, #tpu.memory_space<vmem>>
        %dma_wait3A_205 = tpu.memref_squeeze %dma_wait3A_204 : memref<1x128x128xf32, #tpu.memory_space<vmem>> -> memref<128x128xf32, #tpu.memory_space<vmem>>
        %dma_wait3A_206 = arith.constant 0 : i32
        %dma_wait3A_207 = tpu.memref_slice %arg5[%scan3A_110, %run_scoped3A_167, %dma_wait3A_206] : memref<10x8x128xi32, #tpu.memory_space<vmem>> -> memref<1x1x128xi32, #tpu.memory_space<vmem>>
        %dma_wait3A_208 = tpu.memref_squeeze %dma_wait3A_207 : memref<1x1x128xi32, #tpu.memory_space<vmem>> -> memref<128xi32, #tpu.memory_space<vmem>>
        %dma_wait3A_209 = arith.constant 0 : i32
        %dma_wait3A_210 = arith.constant 0 : i32
        %dma_wait3A_211 = tpu.memref_slice %arg7[%dma_wait3A_209, %dma_wait3A_210] : memref<10240x128xf32, #tpu.memory_space<vmem_shared>> -> memref<10240x128xf32, #tpu.memory_space<vmem_shared>>
        tpu.wait_indirect_dma semaphore(%run_scoped3A_191 : memref<!tpu.dma_semaphore, #tpu.memory_space<semaphore_mem>>) src(%dma_wait3A_205 : memref<128x128xf32, #tpu.memory_space<vmem>>) dst(%dma_wait3A_211 : memref<10240x128xf32, #tpu.memory_space<vmem_shared>>)
        tpu.yield
      }) : () -> ()
      %add3A_168 = arith.constant 1 : i32
      %add3A_169 = arith.addi %scan3A_110, %add3A_168 : i32
      %lt3A = arith.constant 10 : i32
      %lt3A_170 = arith.cmpi slt, %add3A_169, %lt3A : i32
      %convert_element_type3A = arith.extui %lt3A_170 : i1 to i32
      %cond3A = arith.constant 0 : i32
      %cond3A_171 = arith.cmpi ne, %convert_element_type3A, %cond3A : i32
      scf.if %cond3A_171 {
        %add3A_191 = arith.constant 1 : i32
        %add3A_192 = arith.addi %scan3A_110, %add3A_191 : i32
        %dma_start3A_193 = arith.constant 0 : i32
        %dma_start3A_194 = arith.constant 0 : i32
        %dma_start3A_195 = arith.constant 0 : i32
        %dma_start3A_196 = tpu.memref_slice %arg6[%scan3A_98, %dma_start3A_194, %dma_start3A_195] : memref<2x128x128xf32, #tpu.memory_space<vmem>> -> memref<1x128x128xf32, #tpu.memory_space<vmem>>
        %dma_start3A_197 = tpu.memref_squeeze %dma_start3A_196 : memref<1x128x128xf32, #tpu.memory_space<vmem>> -> memref<128x128xf32, #tpu.memory_space<vmem>>
        %dma_start3A_198 = arith.constant 0 : i32
        %dma_start3A_199 = tpu.memref_slice %arg5[%add3A_192, %dma_start3A_193, %dma_start3A_198] : memref<10x8x128xi32, #tpu.memory_space<vmem>> -> memref<1x1x128xi32, #tpu.memory_space<vmem>>
        %dma_start3A_200 = tpu.memref_squeeze %dma_start3A_199 : memref<1x1x128xi32, #tpu.memory_space<vmem>> -> memref<128xi32, #tpu.memory_space<vmem>>
        %dma_start3A_201 = arith.constant 0 : i32
        %dma_start3A_202 = arith.constant 0 : i32
        %dma_start3A_203 = tpu.memref_slice %arg3[%dma_start3A_201, %dma_start3A_202] : memref<10000x128xf32, #tpu.memory_space<hbm>> -> memref<10000x128xf32, #tpu.memory_space<hbm>>
        tpu.enqueue_indirect_dma source(%dma_start3A_203 : memref<10000x128xf32, #tpu.memory_space<hbm>>) target(%dma_start3A_197 : memref<128x128xf32, #tpu.memory_space<vmem>>) offsets(%dma_start3A_200 : memref<128xi32, #tpu.memory_space<vmem>>) semaphore(%arg8 : memref<!tpu.dma_semaphore, #tpu.memory_space<semaphore_mem>>)
      } else {
      }
      %dma_wait3A_172 = arith.constant 6 : i32
      %dma_wait3A_173 = arith.constant 0 : i32
      %dma_wait3A_174 = arith.constant 0 : i32
      %dma_wait3A_175 = tpu.memref_slice %arg6[%scan3A_99, %dma_wait3A_173, %dma_wait3A_174] : memref<2x128x128xf32, #tpu.memory_space<vmem>> -> memref<1x128x128xf32, #tpu.memory_space<vmem>>
      %dma_wait3A_176 = tpu.memref_squeeze %dma_wait3A_175 : memref<1x128x128xf32, #tpu.memory_space<vmem>> -> memref<128x128xf32, #tpu.memory_space<vmem>>
      %dma_wait3A_177 = arith.constant 0 : i32
      %dma_wait3A_178 = tpu.memref_slice %arg5[%scan3A_110, %dma_wait3A_172, %dma_wait3A_177] : memref<10x8x128xi32, #tpu.memory_space<vmem>> -> memref<1x1x128xi32, #tpu.memory_space<vmem>>
      %dma_wait3A_179 = tpu.memref_squeeze %dma_wait3A_178 : memref<1x1x128xi32, #tpu.memory_space<vmem>> -> memref<128xi32, #tpu.memory_space<vmem>>
      %dma_wait3A_180 = arith.constant 0 : i32
      %dma_wait3A_181 = arith.constant 0 : i32
      %dma_wait3A_182 = tpu.memref_slice %arg3[%dma_wait3A_180, %dma_wait3A_181] : memref<10000x128xf32, #tpu.memory_space<hbm>> -> memref<10000x128xf32, #tpu.memory_space<hbm>>
      tpu.wait_indirect_dma semaphore(%arg9 : memref<!tpu.dma_semaphore, #tpu.memory_space<semaphore_mem>>) src(%dma_wait3A_182 : memref<10000x128xf32, #tpu.memory_space<hbm>>) dst(%dma_wait3A_176 : memref<128x128xf32, #tpu.memory_space<vmem>>)
      %run_scoped3A_183 = arith.constant 7 : i32
      "tpu.region"() ({
        %run_scoped3A_191 = tpu.sem_alloc : memref<!tpu.dma_semaphore, #tpu.memory_space<semaphore_mem>>
        %dma_start3A_192 = arith.constant 0 : i32
        %dma_start3A_193 = arith.constant 0 : i32
        %dma_start3A_194 = tpu.memref_slice %arg6[%scan3A_99, %dma_start3A_192, %dma_start3A_193] : memref<2x128x128xf32, #tpu.memory_space<vmem>> -> memref<1x128x128xf32, #tpu.memory_space<vmem>>
        %dma_start3A_195 = tpu.memref_squeeze %dma_start3A_194 : memref<1x128x128xf32, #tpu.memory_space<vmem>> -> memref<128x128xf32, #tpu.memory_space<vmem>>
        %dma_start3A_196 = arith.constant 0 : i32
        %dma_start3A_197 = tpu.memref_slice %arg5[%scan3A_110, %run_scoped3A_183, %dma_start3A_196] : memref<10x8x128xi32, #tpu.memory_space<vmem>> -> memref<1x1x128xi32, #tpu.memory_space<vmem>>
        %dma_start3A_198 = tpu.memref_squeeze %dma_start3A_197 : memref<1x1x128xi32, #tpu.memory_space<vmem>> -> memref<128xi32, #tpu.memory_space<vmem>>
        %dma_start3A_199 = arith.constant 0 : i32
        %dma_start3A_200 = arith.constant 0 : i32
        %dma_start3A_201 = tpu.memref_slice %arg7[%dma_start3A_199, %dma_start3A_200] : memref<10240x128xf32, #tpu.memory_space<vmem_shared>> -> memref<10240x128xf32, #tpu.memory_space<vmem_shared>>
        tpu.enqueue_indirect_dma source(%dma_start3A_195 : memref<128x128xf32, #tpu.memory_space<vmem>>) target(%dma_start3A_201 : memref<10240x128xf32, #tpu.memory_space<vmem_shared>>) offsets(%dma_start3A_198 : memref<128xi32, #tpu.memory_space<vmem>>) semaphore(%run_scoped3A_191 : memref<!tpu.dma_semaphore, #tpu.memory_space<semaphore_mem>>) {add = true}
        %dma_wait3A_202 = arith.constant 0 : i32
        %dma_wait3A_203 = arith.constant 0 : i32
        %dma_wait3A_204 = tpu.memref_slice %arg6[%scan3A_99, %dma_wait3A_202, %dma_wait3A_203] : memref<2x128x128xf32, #tpu.memory_space<vmem>> -> memref<1x128x128xf32, #tpu.memory_space<vmem>>
        %dma_wait3A_205 = tpu.memref_squeeze %dma_wait3A_204 : memref<1x128x128xf32, #tpu.memory_space<vmem>> -> memref<128x128xf32, #tpu.memory_space<vmem>>
        %dma_wait3A_206 = arith.constant 0 : i32
        %dma_wait3A_207 = tpu.memref_slice %arg5[%scan3A_110, %run_scoped3A_183, %dma_wait3A_206] : memref<10x8x128xi32, #tpu.memory_space<vmem>> -> memref<1x1x128xi32, #tpu.memory_space<vmem>>
        %dma_wait3A_208 = tpu.memref_squeeze %dma_wait3A_207 : memref<1x1x128xi32, #tpu.memory_space<vmem>> -> memref<128xi32, #tpu.memory_space<vmem>>
        %dma_wait3A_209 = arith.constant 0 : i32
        %dma_wait3A_210 = arith.constant 0 : i32
        %dma_wait3A_211 = tpu.memref_slice %arg7[%dma_wait3A_209, %dma_wait3A_210] : memref<10240x128xf32, #tpu.memory_space<vmem_shared>> -> memref<10240x128xf32, #tpu.memory_space<vmem_shared>>
        tpu.wait_indirect_dma semaphore(%run_scoped3A_191 : memref<!tpu.dma_semaphore, #tpu.memory_space<semaphore_mem>>) src(%dma_wait3A_205 : memref<128x128xf32, #tpu.memory_space<vmem>>) dst(%dma_wait3A_211 : memref<10240x128xf32, #tpu.memory_space<vmem_shared>>)
        tpu.yield
      }) : () -> ()
      %add3A_184 = arith.constant 1 : i32
      %add3A_185 = arith.addi %scan3A_110, %add3A_184 : i32
      %lt3A_186 = arith.constant 10 : i32
      %lt3A_187 = arith.cmpi slt, %add3A_185, %lt3A_186 : i32
      %convert_element_type3A_188 = arith.extui %lt3A_187 : i1 to i32
      %cond3A_189 = arith.constant 0 : i32
      %cond3A_190 = arith.cmpi ne, %convert_element_type3A_188, %cond3A_189 : i32
      scf.if %cond3A_190 {
        %add3A_191 = arith.constant 1 : i32
        %add3A_192 = arith.addi %scan3A_110, %add3A_191 : i32
        %dma_start3A_193 = arith.constant 2 : i32
        %dma_start3A_194 = arith.constant 0 : i32
        %dma_start3A_195 = arith.constant 0 : i32
        %dma_start3A_196 = tpu.memref_slice %arg6[%scan3A_99, %dma_start3A_194, %dma_start3A_195] : memref<2x128x128xf32, #tpu.memory_space<vmem>> -> memref<1x128x128xf32, #tpu.memory_space<vmem>>
        %dma_start3A_197 = tpu.memref_squeeze %dma_start3A_196 : memref<1x128x128xf32, #tpu.memory_space<vmem>> -> memref<128x128xf32, #tpu.memory_space<vmem>>
        %dma_start3A_198 = arith.constant 0 : i32
        %dma_start3A_199 = tpu.memref_slice %arg5[%add3A_192, %dma_start3A_193, %dma_start3A_198] : memref<10x8x128xi32, #tpu.memory_space<vmem>> -> memref<1x1x128xi32, #tpu.memory_space<vmem>>
        %dma_start3A_200 = tpu.memref_squeeze %dma_start3A_199 : memref<1x1x128xi32, #tpu.memory_space<vmem>> -> memref<128xi32, #tpu.memory_space<vmem>>
        %dma_start3A_201 = arith.constant 0 : i32
        %dma_start3A_202 = arith.constant 0 : i32
        %dma_start3A_203 = tpu.memref_slice %arg3[%dma_start3A_201, %dma_start3A_202] : memref<10000x128xf32, #tpu.memory_space<hbm>> -> memref<10000x128xf32, #tpu.memory_space<hbm>>
        tpu.enqueue_indirect_dma source(%dma_start3A_203 : memref<10000x128xf32, #tpu.memory_space<hbm>>) target(%dma_start3A_197 : memref<128x128xf32, #tpu.memory_space<vmem>>) offsets(%dma_start3A_200 : memref<128xi32, #tpu.memory_space<vmem>>) semaphore(%arg9 : memref<!tpu.dma_semaphore, #tpu.memory_space<semaphore_mem>>)
      } else {
      }
    }
    %scan3A_104 = arith.constant 10 : i32
    %barrier3A_105 = arith.constant 0 : index
    tpu.barrier barrier_id(%barrier3A_105)
    %mul3A_106 = arith.constant 640 : i32
    %mul3A_107 = arith.muli %arg1, %mul3A_106 : i32
    %mul3A_108 = arith.constant 640 : i32
    %mul3A_109 = arith.muli %arg1, %mul3A_108 : i32
    "tpu.region"() ({
      %run_scoped3A_110 = tpu.sem_alloc : memref<!tpu.dma_semaphore, #tpu.memory_space<semaphore_mem>>
      %dma_start3A_111 = arith.constant 0 : i32
      %dma_start3A_112 = tpu.memref_slice %arg4[%arg0, %mul3A_109, %dma_start3A_111] : memref<2x10240x128xf32, #tpu.memory_space<hbm>> -> memref<1x640x128xf32, #tpu.memory_space<hbm>>
      %dma_start3A_113 = tpu.memref_squeeze %dma_start3A_112 : memref<1x640x128xf32, #tpu.memory_space<hbm>> -> memref<640x128xf32, #tpu.memory_space<hbm>>
      %dma_start3A_114 = arith.constant 0 : i32
      %dma_start3A_115 = tpu.memref_slice %arg7[%mul3A_107, %dma_start3A_114] : memref<10240x128xf32, #tpu.memory_space<vmem_shared>> -> memref<640x128xf32, #tpu.memory_space<vmem_shared>>
      tpu.enqueue_dma source(%dma_start3A_115 : memref<640x128xf32, #tpu.memory_space<vmem_shared>>) target(%dma_start3A_113 : memref<640x128xf32, #tpu.memory_space<hbm>>) target_semaphore(%run_scoped3A_110 : memref<!tpu.dma_semaphore, #tpu.memory_space<semaphore_mem>>)
      %dma_wait3A = arith.constant 0 : i32
      %dma_wait3A_116 = tpu.memref_slice %arg4[%arg0, %mul3A_109, %dma_wait3A] : memref<2x10240x128xf32, #tpu.memory_space<hbm>> -> memref<1x640x128xf32, #tpu.memory_space<hbm>>
      %dma_wait3A_117 = tpu.memref_squeeze %dma_wait3A_116 : memref<1x640x128xf32, #tpu.memory_space<hbm>> -> memref<640x128xf32, #tpu.memory_space<hbm>>
      %dma_wait3A_118 = arith.constant 0 : i32
      %dma_wait3A_119 = tpu.memref_slice %arg7[%mul3A_107, %dma_wait3A_118] : memref<10240x128xf32, #tpu.memory_space<vmem_shared>> -> memref<640x128xf32, #tpu.memory_space<vmem_shared>>
      tpu.wait_dma2 semaphore(%run_scoped3A_110 : memref<!tpu.dma_semaphore, #tpu.memory_space<semaphore_mem>>) src(%dma_wait3A_119 : memref<640x128xf32, #tpu.memory_space<vmem_shared>>) dst(%dma_wait3A_117 : memref<640x128xf32, #tpu.memory_space<hbm>>)
      tpu.yield
    }) : () -> ()
    return
  }
}

module attributes {stable_mosaic.version = 14 : i64} {
  func.func @body(%arg0: i32, %arg1: memref<2000x128xf32, #tpu.memory_space<vmem>>, %arg2: memref<128x128xf32, #tpu.memory_space<vmem>>, %arg3: memref<2000x128xf32, #tpu.memory_space<vmem>>) attributes {dimension_semantics = [#tpu.dimension_semantics<arbitrary>], iteration_bounds = array<i64: 5>, scalar_prefetch = 0 : i64, scratch_operands = 0 : i64, tpu.core_type = #tpu.core_type<tc>, window_params = [{transform_indices = @transform_0, window_bounds = array<i64: 2000, 128>}, {pipeline_mode = #tpu.pipeline_mode<synchronous>, transform_indices = @transform_1, window_bounds = array<i64: 128, 128>}, {transform_indices = @transform_2, window_bounds = array<i64: 2000, 128>}]} {
    %get3A = arith.constant 0 : index
    %get3A_0 = arith.constant 0 : index
    %get3A_1 = vector.load %arg1[%get3A, %get3A_0] : memref<2000x128xf32, #tpu.memory_space<vmem>>, vector<2000x128xf32>
    %get3A_2 = arith.constant 0 : index
    %get3A_3 = arith.constant 0 : index
    %get3A_4 = vector.load %arg2[%get3A_2, %get3A_3] : memref<128x128xf32, #tpu.memory_space<vmem>>, vector<128x128xf32>
    %dot_general3A = arith.constant dense<0.000000e+00> : vector<2000x128xf32>
    %dot_general3A_5 = tpu.matmul %get3A_1, %get3A_4, %dot_general3A {dimension_numbers = #tpu.dot_dimension_numbers<[1], [0], [0], [1], [0, 0, 1, 1], [], []>, transpose_lhs_hint = false} : vector<2000x128xf32>, vector<128x128xf32>, vector<2000x128xf32> -> vector<2000x128xf32>
    %swap3A = arith.constant 0 : index
    %swap3A_6 = arith.constant 0 : index
    %swap3A_7 = vector.load %arg3[%swap3A, %swap3A_6] : memref<2000x128xf32, #tpu.memory_space<vmem>>, vector<2000x128xf32>
    tpu.vector_store %arg3[%swap3A, %swap3A_6], %dot_general3A_5 {strides = array<i32>} : memref<2000x128xf32, #tpu.memory_space<vmem>>, vector<2000x128xf32>,
    return
  }
  func.func @transform_0(%arg0: i32) -> (i32, i32) {
    %c0_i32 = arith.constant 0 : i32
    %c0_i32_0 = arith.constant 0 : i32
    return %arg0, %c0_i32 : i32, i32
  }
  func.func @transform_1(%arg0: i32) -> (i32, i32) {
    %c0_i32 = arith.constant 0 : i32
    %c0_i32_0 = arith.constant 0 : i32
    %c0_i32_1 = arith.constant 0 : i32
    return %c0_i32, %c0_i32_0 : i32, i32
  }
  func.func @transform_2(%arg0: i32) -> (i32, i32) {
    %c0_i32 = arith.constant 0 : i32
    %c0_i32_0 = arith.constant 0 : i32
    return %arg0, %c0_i32 : i32, i32
  }
}

module attributes {stable_mosaic.version = 14 : i64} {
  func.func @body(%arg0: i32, %arg1: memref<2000x128xf32, #tpu.memory_space<vmem>>, %arg2: memref<2000x2xf32, #tpu.memory_space<vmem>>, %arg3: memref<2000x128xf32, #tpu.memory_space<vmem>>) attributes {dimension_semantics = [#tpu.dimension_semantics<arbitrary>], iteration_bounds = array<i64: 5>, scalar_prefetch = 0 : i64, scratch_operands = 0 : i64, tpu.core_type = #tpu.core_type<tc>, window_params = [{transform_indices = @transform_0, window_bounds = array<i64: 2000, 128>}, {transform_indices = @transform_1, window_bounds = array<i64: 2000, 2>}, {transform_indices = @transform_2, window_bounds = array<i64: 2000, 128>}]} {
    %get3A = arith.constant 0 : index
    %get3A_0 = arith.constant 0 : index
    %get3A_1 = vector.load %arg2[%get3A, %get3A_0] : memref<2000x2xf32, #tpu.memory_space<vmem>>, vector<2000x1xf32>
    %get3A_2 = arith.constant 0 : index
    %get3A_3 = arith.constant 1 : index
    %get3A_4 = vector.load %arg2[%get3A_2, %get3A_3] : memref<2000x2xf32, #tpu.memory_space<vmem>>, vector<2000x1xf32>
    %add3A = arith.addf %get3A_1, %get3A_4 : vector<2000x1xf32>
    %rsqrt3A = math.rsqrt %add3A : vector<2000x1xf32>
    %get3A_5 = arith.constant 0 : index
    %get3A_6 = arith.constant 0 : index
    %get3A_7 = vector.load %arg1[%get3A_5, %get3A_6] : memref<2000x128xf32, #tpu.memory_space<vmem>>, vector<2000x128xf32>
    %mul3A = vector.broadcast %rsqrt3A : vector<2000x1xf32> to vector<2000x128xf32>
    %mul3A_8 = arith.mulf %get3A_7, %mul3A : vector<2000x128xf32>
    %swap3A = arith.constant 0 : index
    %swap3A_9 = arith.constant 0 : index
    %swap3A_10 = vector.load %arg3[%swap3A, %swap3A_9] : memref<2000x128xf32, #tpu.memory_space<vmem>>, vector<2000x128xf32>
    tpu.vector_store %arg3[%swap3A, %swap3A_9], %mul3A_8 {strides = array<i32>} : memref<2000x128xf32, #tpu.memory_space<vmem>>, vector<2000x128xf32>,
    return
  }
  func.func @transform_0(%arg0: i32) -> (i32, i32) {
    %c0_i32 = arith.constant 0 : i32
    %c0_i32_0 = arith.constant 0 : i32
    return %arg0, %c0_i32 : i32, i32
  }
  func.func @transform_1(%arg0: i32) -> (i32, i32) {
    %c0_i32 = arith.constant 0 : i32
    %c0_i32_0 = arith.constant 0 : i32
    return %arg0, %c0_i32 : i32, i32
  }
  func.func @transform_2(%arg0: i32) -> (i32, i32) {
    %c0_i32 = arith.constant 0 : i32
    %c0_i32_0 = arith.constant 0 : i32
    return %arg0, %c0_i32 : i32, i32
  }
}

module attributes {stable_mosaic.version = 14 : i64} {
  func.func @body(%arg0: i32, %arg1: memref<2x2000x128xf32, #tpu.memory_space<vmem>>, %arg2: memref<2000x128xf32, #tpu.memory_space<vmem>>, %arg3: memref<2000x2xf32, #tpu.memory_space<vmem>>, %arg4: memref<1x128xf32, #tpu.memory_space<vmem>>, %arg5: memref<128x128xf32, #tpu.memory_space<vmem>>, %arg6: memref<2000x128xf32, #tpu.memory_space<vmem>>) attributes {dimension_semantics = [#tpu.dimension_semantics<arbitrary>], iteration_bounds = array<i64: 5>, scalar_prefetch = 0 : i64, scratch_operands = 0 : i64, tpu.core_type = #tpu.core_type<tc>, window_params = [{transform_indices = @transform_0, window_bounds = array<i64: 2, 2000, 128>}, {transform_indices = @transform_1, window_bounds = array<i64: 2000, 128>}, {transform_indices = @transform_2, window_bounds = array<i64: 2000, 2>}, {pipeline_mode = #tpu.pipeline_mode<synchronous>, transform_indices = @transform_3, window_bounds = array<i64: 1, 128>}, {pipeline_mode = #tpu.pipeline_mode<synchronous>, transform_indices = @transform_4, window_bounds = array<i64: 128, 128>}, {transform_indices = @transform_5, window_bounds = array<i64: 2000, 128>}]} {
    %get3A = arith.constant 0 : index
    %get3A_0 = arith.constant 0 : index
    %get3A_1 = vector.load %arg3[%get3A, %get3A_0] : memref<2000x2xf32, #tpu.memory_space<vmem>>, vector<2000x1xf32>
    %get3A_2 = arith.constant 0 : index
    %get3A_3 = arith.constant 1 : index
    %get3A_4 = vector.load %arg3[%get3A_2, %get3A_3] : memref<2000x2xf32, #tpu.memory_space<vmem>>, vector<2000x1xf32>
    %add3A = arith.addf %get3A_1, %get3A_4 : vector<2000x1xf32>
    %rsqrt3A = math.rsqrt %add3A : vector<2000x1xf32>
    %get3A_5 = arith.constant 0 : index
    %get3A_6 = arith.constant 0 : index
    %get3A_7 = arith.constant 0 : index
    %get3A_8 = vector.load %arg1[%get3A_5, %get3A_6, %get3A_7] : memref<2x2000x128xf32, #tpu.memory_space<vmem>>, vector<1x2000x128xf32>
    %get3A_9 = vector.shape_cast %get3A_8 : vector<1x2000x128xf32> to vector<2000x128xf32>
    %get3A_10 = arith.constant 1 : index
    %get3A_11 = arith.constant 0 : index
    %get3A_12 = arith.constant 0 : index
    %get3A_13 = vector.load %arg1[%get3A_10, %get3A_11, %get3A_12] : memref<2x2000x128xf32, #tpu.memory_space<vmem>>, vector<1x2000x128xf32>
    %get3A_14 = vector.shape_cast %get3A_13 : vector<1x2000x128xf32> to vector<2000x128xf32>
    %add3A_15 = arith.addf %get3A_9, %get3A_14 : vector<2000x128xf32>
    %get3A_16 = arith.constant 0 : index
    %get3A_17 = arith.constant 0 : index
    %get3A_18 = vector.load %arg2[%get3A_16, %get3A_17] : memref<2000x128xf32, #tpu.memory_space<vmem>>, vector<2000x128xf32>
    %add3A_19 = arith.addf %add3A_15, %get3A_18 : vector<2000x128xf32>
    %mul3A = vector.broadcast %rsqrt3A : vector<2000x1xf32> to vector<2000x128xf32>
    %mul3A_20 = arith.mulf %add3A_19, %mul3A : vector<2000x128xf32>
    %get3A_21 = arith.constant 0 : index
    %get3A_22 = arith.constant 0 : index
    %get3A_23 = vector.load %arg4[%get3A_21, %get3A_22] : memref<1x128xf32, #tpu.memory_space<vmem>>, vector<1x128xf32>
    %add3A_24 = vector.broadcast %get3A_23 : vector<1x128xf32> to vector<2000x128xf32>
    %add3A_25 = arith.addf %mul3A_20, %add3A_24 : vector<2000x128xf32>
    %max3A = arith.constant 0.000000e+00 : f32
    %max3A_26 = vector.broadcast %max3A : f32 to vector<2000x128xf32>
    %max3A_27 = arith.maximumf %add3A_25, %max3A_26 : vector<2000x128xf32>
    %get3A_28 = arith.constant 0 : index
    %get3A_29 = arith.constant 0 : index
    %get3A_30 = vector.load %arg5[%get3A_28, %get3A_29] : memref<128x128xf32, #tpu.memory_space<vmem>>, vector<128x128xf32>
    %dot_general3A = arith.constant dense<0.000000e+00> : vector<2000x128xf32>
    %dot_general3A_31 = tpu.matmul %max3A_27, %get3A_30, %dot_general3A {dimension_numbers = #tpu.dot_dimension_numbers<[1], [0], [0], [1], [0, 0, 1, 1], [], []>, transpose_lhs_hint = false} : vector<2000x128xf32>, vector<128x128xf32>, vector<2000x128xf32> -> vector<2000x128xf32>
    %mul3A_32 = vector.broadcast %rsqrt3A : vector<2000x1xf32> to vector<2000x128xf32>
    %mul3A_33 = arith.mulf %dot_general3A_31, %mul3A_32 : vector<2000x128xf32>
    %swap3A = arith.constant 0 : index
    %swap3A_34 = arith.constant 0 : index
    %swap3A_35 = vector.load %arg6[%swap3A, %swap3A_34] : memref<2000x128xf32, #tpu.memory_space<vmem>>, vector<2000x128xf32>
    tpu.vector_store %arg6[%swap3A, %swap3A_34], %mul3A_33 {strides = array<i32>} : memref<2000x128xf32, #tpu.memory_space<vmem>>, vector<2000x128xf32>,
    return
  }
  func.func @transform_0(%arg0: i32) -> (i32, i32, i32) {
    %c0_i32 = arith.constant 0 : i32
    %c0_i32_0 = arith.constant 0 : i32
    %c0_i32_1 = arith.constant 0 : i32
    return %c0_i32, %arg0, %c0_i32_0 : i32, i32, i32
  }
  func.func @transform_1(%arg0: i32) -> (i32, i32) {
    %c0_i32 = arith.constant 0 : i32
    %c0_i32_0 = arith.constant 0 : i32
    return %arg0, %c0_i32 : i32, i32
  }
  func.func @transform_2(%arg0: i32) -> (i32, i32) {
    %c0_i32 = arith.constant 0 : i32
    %c0_i32_0 = arith.constant 0 : i32
    return %arg0, %c0_i32 : i32, i32
  }
  func.func @transform_3(%arg0: i32) -> (i32, i32) {
    %c0_i32 = arith.constant 0 : i32
    %c0_i32_0 = arith.constant 0 : i32
    %c0_i32_1 = arith.constant 0 : i32
    return %c0_i32, %c0_i32_0 : i32, i32
  }
  func.func @transform_4(%arg0: i32) -> (i32, i32) {
    %c0_i32 = arith.constant 0 : i32
    %c0_i32_0 = arith.constant 0 : i32
    %c0_i32_1 = arith.constant 0 : i32
    return %c0_i32, %c0_i32_0 : i32, i32
  }
  func.func @transform_5(%arg0: i32) -> (i32, i32) {
    %c0_i32 = arith.constant 0 : i32
    %c0_i32_0 = arith.constant 0 : i32
    return %arg0, %c0_i32 : i32, i32
  }
}

module attributes {stable_mosaic.version = 14 : i64} {
  func.func @body(%arg0: i32, %arg1: memref<2x2000x128xf32, #tpu.memory_space<vmem>>, %arg2: memref<2000x128xf32, #tpu.memory_space<vmem>>, %arg3: memref<2000x2xf32, #tpu.memory_space<vmem>>, %arg4: memref<1x128xf32, #tpu.memory_space<vmem>>, %arg5: memref<2000x128xf32, #tpu.memory_space<vmem>>) attributes {dimension_semantics = [#tpu.dimension_semantics<arbitrary>], iteration_bounds = array<i64: 5>, scalar_prefetch = 0 : i64, scratch_operands = 0 : i64, tpu.core_type = #tpu.core_type<tc>, window_params = [{transform_indices = @transform_0, window_bounds = array<i64: 2, 2000, 128>}, {transform_indices = @transform_1, window_bounds = array<i64: 2000, 128>}, {transform_indices = @transform_2, window_bounds = array<i64: 2000, 2>}, {pipeline_mode = #tpu.pipeline_mode<synchronous>, transform_indices = @transform_3, window_bounds = array<i64: 1, 128>}, {transform_indices = @transform_4, window_bounds = array<i64: 2000, 128>}]} {
    %get3A = arith.constant 0 : index
    %get3A_0 = arith.constant 0 : index
    %get3A_1 = vector.load %arg3[%get3A, %get3A_0] : memref<2000x2xf32, #tpu.memory_space<vmem>>, vector<2000x1xf32>
    %get3A_2 = arith.constant 0 : index
    %get3A_3 = arith.constant 1 : index
    %get3A_4 = vector.load %arg3[%get3A_2, %get3A_3] : memref<2000x2xf32, #tpu.memory_space<vmem>>, vector<2000x1xf32>
    %add3A = arith.addf %get3A_1, %get3A_4 : vector<2000x1xf32>
    %rsqrt3A = math.rsqrt %add3A : vector<2000x1xf32>
    %get3A_5 = arith.constant 0 : index
    %get3A_6 = arith.constant 0 : index
    %get3A_7 = arith.constant 0 : index
    %get3A_8 = vector.load %arg1[%get3A_5, %get3A_6, %get3A_7] : memref<2x2000x128xf32, #tpu.memory_space<vmem>>, vector<1x2000x128xf32>
    %get3A_9 = vector.shape_cast %get3A_8 : vector<1x2000x128xf32> to vector<2000x128xf32>
    %get3A_10 = arith.constant 1 : index
    %get3A_11 = arith.constant 0 : index
    %get3A_12 = arith.constant 0 : index
    %get3A_13 = vector.load %arg1[%get3A_10, %get3A_11, %get3A_12] : memref<2x2000x128xf32, #tpu.memory_space<vmem>>, vector<1x2000x128xf32>
    %get3A_14 = vector.shape_cast %get3A_13 : vector<1x2000x128xf32> to vector<2000x128xf32>
    %add3A_15 = arith.addf %get3A_9, %get3A_14 : vector<2000x128xf32>
    %get3A_16 = arith.constant 0 : index
    %get3A_17 = arith.constant 0 : index
    %get3A_18 = vector.load %arg2[%get3A_16, %get3A_17] : memref<2000x128xf32, #tpu.memory_space<vmem>>, vector<2000x128xf32>
    %add3A_19 = arith.addf %add3A_15, %get3A_18 : vector<2000x128xf32>
    %mul3A = vector.broadcast %rsqrt3A : vector<2000x1xf32> to vector<2000x128xf32>
    %mul3A_20 = arith.mulf %add3A_19, %mul3A : vector<2000x128xf32>
    %get3A_21 = arith.constant 0 : index
    %get3A_22 = arith.constant 0 : index
    %get3A_23 = vector.load %arg4[%get3A_21, %get3A_22] : memref<1x128xf32, #tpu.memory_space<vmem>>, vector<1x128xf32>
    %add3A_24 = vector.broadcast %get3A_23 : vector<1x128xf32> to vector<2000x128xf32>
    %add3A_25 = arith.addf %mul3A_20, %add3A_24 : vector<2000x128xf32>
    %max3A = arith.constant 0.000000e+00 : f32
    %max3A_26 = vector.broadcast %max3A : f32 to vector<2000x128xf32>
    %max3A_27 = arith.maximumf %add3A_25, %max3A_26 : vector<2000x128xf32>
    %swap3A = arith.constant 0 : index
    %swap3A_28 = arith.constant 0 : index
    %swap3A_29 = vector.load %arg5[%swap3A, %swap3A_28] : memref<2000x128xf32, #tpu.memory_space<vmem>>, vector<2000x128xf32>
    tpu.vector_store %arg5[%swap3A, %swap3A_28], %max3A_27 {strides = array<i32>} : memref<2000x128xf32, #tpu.memory_space<vmem>>, vector<2000x128xf32>,
    return
  }
  func.func @transform_0(%arg0: i32) -> (i32, i32, i32) {
    %c0_i32 = arith.constant 0 : i32
    %c0_i32_0 = arith.constant 0 : i32
    %c0_i32_1 = arith.constant 0 : i32
    return %c0_i32, %arg0, %c0_i32_0 : i32, i32, i32
  }
  func.func @transform_1(%arg0: i32) -> (i32, i32) {
    %c0_i32 = arith.constant 0 : i32
    %c0_i32_0 = arith.constant 0 : i32
    return %arg0, %c0_i32 : i32, i32
  }
  func.func @transform_2(%arg0: i32) -> (i32, i32) {
    %c0_i32 = arith.constant 0 : i32
    %c0_i32_0 = arith.constant 0 : i32
    return %arg0, %c0_i32 : i32, i32
  }
  func.func @transform_3(%arg0: i32) -> (i32, i32) {
    %c0_i32 = arith.constant 0 : i32
    %c0_i32_0 = arith.constant 0 : i32
    %c0_i32_1 = arith.constant 0 : i32
    return %c0_i32, %c0_i32_0 : i32, i32
  }
  func.func @transform_4(%arg0: i32) -> (i32, i32) {
    %c0_i32 = arith.constant 0 : i32
    %c0_i32_0 = arith.constant 0 : i32
    return %arg0, %c0_i32 : i32, i32
  }
}

</mosaic_0001>

<sc_bundles>
// kernel: kernel.12.cloned.1.call-start
scs
__scs_entry_jumppad:
0x0: {  	(pc) =	sbr.rel $0x88, $3  }
0x1: {  	(tag) =	ssettag $0x0;
	lr =	simm.s32 $0x1  }
0x2: {  	[smem:$0x3F9B] =	sst lr;
	_ =	strace $0xD0000000  }
0x3: {  	_ = 	snop  }
0x4: {  	_ = 	snop  }
0x5: {  	_ = 	snop  }
0x6: {  	_ = 	snop  }
0x7: {  	_ = 	snop  }
__scs_overlays_trampoline_lowered:
0x8: {  	[smem:$0x3FAA] =	sst s0  }
0x9: {  	[smem:$0x3FAB] =	sst s1  }
0xa: {  	[smem:$0x3FAC] =	sst s2  }
0xb: {  	[smem:$0x3FAD] =	sst s3  }
0xc: {  	[smem:$0x3FAE] =	sst s4  }
0xd: {  	[smem:$0x3FAF] =	sst s5  }
0xe: {  	[smem:$0x3FB0] =	sst s6  }
0xf: {  	[smem:$0x3FB1] =	sst s7  }
0x10: {  	[smem:$0x3FB2] =	sst s8  }
0x11: {  	[smem:$0x3FB3] =	sst s9;
	s0 =	simm.s32 @!p0 $0x0  }
0x12: {  	s1 =	sld [smem:$0x3F99];
	s0 =	simm.s32 @p0 $0x1  }
0x13: {  	[smem:$0x3FB4] =	sst s0;
	s0 =	simm.s32 @!p1 $0x0  }
0x14: {  	s2 =	sld [smem:$0x3F98];
	s0 =	simm.s32 @p1 $0x1  }
0x15: {  	[smem:$0x3FB5] =	sst s0;
	s0 =	simm.s32 @!p2 $0x0  }
0x16: {  	s3 =	sld [smem:$0x3FDB];
	s0 =	simm.s32 @p2 $0x1  }
0x17: {  	s4 =	simm.s32 $0x1BF5;
	[smem:$0x3FB7] =	sst s0  }
0x18: {  	s0 =	sld [smem:$0x3F9A];
	_ =	swait.ge [sflag:s4], $0x0  }
0x19: {  	s7 =	sld [smem:$0x3F9B]  }
0x1a: {  	s8 =	sadd.s32 $0xFFFFE003, lr  }
0x1b: {  	s9 =	sadd.s32 $0xFFFFFEF7, lr;
	s5 =	simm.s32 $0xFFFFFFFF;
	p2 =	slt.u32 s8, $0xFFFFF086  }
0x1c: {  	p1 =	slt.u32 s9, $0xF7A;
	s5 =	simm.s32 @!p2 $0x0  }
0x1d: {  	s5 =	simm.s32 @p1 $0x1;
	p0 =	seq.s32 s7, s2  }
0x1e: {  	s7 =	smul.u32 @!p0 $0xF7A, s2;
	p2 =	seq.s32 @!p0 s5, $0x0  }
0x1f: {  	s9 =	smul.u32 $0xF7A, s1;
	s8 =	simm.s32 @!p0 $0x1BF5;
	p2 =	por !p2, p0  }
0x20: {  	[sflag:s8] =	ssyncset.s32 @!p0 $0xFFFFF086;
	s6 =	sadd.s32 @!p0 s3, s7;
	s7 =	simm.s32 @!p0 $0x108  }
0x21: {  	s3 =	sadd.s32 s3, s9;
	s6 =	sadd.s32 @!p0 $0x88, s6;
	s7 =	simm.s32 @p2 $0x1082  }
0x22: {  	[simem:s7], [sflag:s8] =	dma.local @!p0 [hbm:s6], $0xF7A  }
0x23: {  	s9 =	sor.u32 $0xD0000000, s2;
	s6 =	simm.s32 $0x108;
	_ =	swait.ge @!p0 [sflag:s8], $0x0  }
0x24: {  	s3 =	sadd.s32 $0x88, s3;
	s6 =	simm.s32 @!p1 $0x1082;
	[sflag:s4] =	ssyncset.s32 $0xFFFFF086  }
0x25: {  	[simem:s6], [sflag:s4] =	dma.local [hbm:s3], $0xF7A  }
0x26: {  	[smem:$0x3F9B] =	sst s1;
	(tag) =	ssettag s2;
	_ =	strace s9  }
0x27: {  	s1 =	sld [smem:$0x3FAB]  }
0x28: {  	s2 =	sld [smem:$0x3FAC]  }
0x29: {  	s4 =	sld [smem:$0x3FAE]  }
0x2a: {  	p0 =	seq.s32 s5, $0x0;
	s5 =	sld [smem:$0x3FAF]  }
0x2b: {  	s6 =	sld [smem:$0x3FB0]  }
0x2c: {  	s7 =	sld [smem:$0x3FB1]  }
0x2d: {  	s3 =	simm.s32 $0x108;
	s8 =	sld [smem:$0x3FB2]  }
0x2e: {  	s3 =	simm.s32 @!p0 $0x1082;
	s9 =	sld [smem:$0x3FB3]  }
0x2f: {  	lr =	sadd.s32 s0, s3;
	s0 =	sld [smem:$0x3FAA]  }
0x30: {  	s3 =	sld [smem:$0x3FAD]  }
0x31: {  	[smem:$0x3FB6] =	sst s10  }
0x32: {  	s10 =	sld [smem:$0x3FB4];
	_ =	sdelay $0x3  }
0x33: {  	p0 =	seq.s32 s10, $0x1;
	s10 =	sld [smem:$0x3FB6];
	_ =	sdelay $0x3  }
0x34: {  	[smem:$0x3FB6] =	sst s10  }
0x35: {  	s10 =	sld [smem:$0x3FB5];
	_ =	sdelay $0x3  }
0x36: {  	p1 =	seq.s32 s10, $0x1;
	s10 =	sld [smem:$0x3FB6];
	_ =	sdelay $0x3  }
0x37: {  	[smem:$0x3FB6] =	sst s10  }
0x38: {  	s10 =	sld [smem:$0x3FB7]  }
0x39: {  	_ = 	snop;
	(pc) =	sbr.ind lr, $3  }
0x3a: {  	_ = 	snop  }
0x3b: {  	_ = 	snop  }
0x3c: {  	p2 =	seq.s32 s10, $0x1;
	s10 =	sld [smem:$0x3FB6]  }
0x3d: {  	_ =	shalt  }
0x3e: {  	_ =	shalt  }
0x3f: {  	_ =	shalt  }
0x40: {  	_ =	shalt  }
0x41: {  	_ =	shalt  }
0x42: {  	_ =	shalt  }
0x43: {  	_ =	shalt  }
0x44: {  	_ =	shalt  }
0x45: {  	_ =	shalt  }
0x46: {  	_ =	shalt  }
0x47: {  	_ =	shalt  }
0x48: {  	_ =	shalt  }
0x49: {  	_ =	shalt  }
0x4a: {  	_ =	shalt  }
0x4b: {  	_ =	shalt  }
0x4c: {  	_ =	shalt  }
0x4d: {  	_ =	shalt  }
0x4e: {  	_ =	shalt  }
0x4f: {  	_ =	shalt  }
0x50: {  	_ =	shalt  }
0x51: {  	_ =	shalt  }
0x52: {  	_ =	shalt  }
0x53: {  	_ =	shalt  }
0x54: {  	_ =	shalt  }
0x55: {  	_ =	shalt  }
0x56: {  	_ =	shalt  }
0x57: {  	_ =	shalt  }
0x58: {  	_ =	shalt  }
0x59: {  	_ =	shalt  }
0x5a: {  	_ =	shalt  }
0x5b: {  	_ =	shalt  }
0x5c: {  	_ =	shalt  }
0x5d: {  	_ =	shalt  }
0x5e: {  	_ =	shalt  }
0x5f: {  	_ =	shalt  }
0x60: {  	_ =	shalt  }
0x61: {  	_ =	shalt  }
0x62: {  	_ =	shalt  }
0x63: {  	_ =	shalt  }
0x64: {  	_ =	shalt  }
0x65: {  	_ =	shalt  }
0x66: {  	_ =	shalt  }
0x67: {  	_ =	shalt  }
0x68: {  	_ =	shalt  }
0x69: {  	_ =	shalt  }
0x6a: {  	_ =	shalt  }
0x6b: {  	_ =	shalt  }
0x6c: {  	_ =	shalt  }
0x6d: {  	_ =	shalt  }
0x6e: {  	_ =	shalt  }
0x6f: {  	_ =	shalt  }
0x70: {  	_ =	shalt  }
0x71: {  	_ =	shalt  }
0x72: {  	_ =	shalt  }
0x73: {  	_ =	shalt  }
0x74: {  	_ =	shalt  }
0x75: {  	_ =	shalt  }
0x76: {  	_ =	shalt  }
0x77: {  	_ =	shalt  }
0x78: {  	_ =	shalt  }
0x79: {  	_ =	shalt  }
0x7a: {  	_ =	shalt  }
0x7b: {  	_ =	shalt  }
0x7c: {  	_ =	shalt  }
0x7d: {  	_ =	shalt  }
0x7e: {  	_ =	shalt  }
0x7f: {  	_ =	shalt  }
0x80: {  	_ =	shalt  }
0x81: {  	_ =	shalt  }
0x82: {  	_ =	shalt  }
0x83: {  	_ =	shalt  }
0x84: {  	_ =	shalt  }
0x85: {  	_ =	shalt  }
0x86: {  	_ =	shalt  }
0x87: {  	_ =	shalt  }
.Lfunc_end0:
.L_simem_size_0:
called_computation.1_lowered:
.L_overlay_start_0:
0x88: {  	s2 =	sld [smem:$0x3FD9]  }
0x89: {  	s3 =	sld [smem:$0x3FFE];
	_ =	sdelay $0x1  }
0x8a: {  	s1 =	srdreg.scid  }
0x8b: {  	s0 =	sand.u32 $0x1, s1  }
0x8c: {  	s17 =	sshll.u32 s0, $0xA;
	s2 =	sadd.s32 s3, s2  }
0x8d: {  	s2 =	sadd.s32 s2, s17  }
0x8e: {  	[smem:$0x3FC2] =	sst s2  }
0x8f: {  	_ = 	snop  }
0x90: {  	s2 =	sld [smem:$0x3FD0];
	(tm) =	ssettm $0x1  }
0x91: {  	s18 =	sld [smem:$0x3FFB];
	_ =	sdelay $0x3  }
0x92: {  	_ =	strace s18  }
0x93: {  	s3 =	sld [smem:$0x3FFC];
	_ =	sdelay $0x3  }
0x94: {  	_ =	strace s3  }
0x95: {  	s3 =	sld [smem:$0x3FFD];
	_ =	sdelay $0x3  }
0x96: {  	_ =	strace s3  }
0x97: {  	_ =	strace $0x8FFFFFFF  }
0x98: {  	s19 =	sld [smem:$0x3FDB];
	_ =	sdelay $0x1  }
0x99: {  	s4 =	simm.s32 $_scs_section_size  }
0x9a: {  	s5 =	simm.s32 $_size__tile_overlayer_lowered;
	s6 =	simm.s32 $_tile_overlayer_lowered  }
0x9b: {  	s22 =	simm.s32 $0x1BFF;
	s21 =	sshll.u32 s6, $0x1;
	s3 =	sadd.s32 s4, s19  }
0x9c: {  	s7 =	simm.s32 $0x0;
	s20 =	sshll.u32 s5, $0x1;
	s5 =	sadd.s32 s21, s3  }
0x9d: {  	[timem:s7], [sflag:s22] =	dma.local [hbm:s5], s20  }
0x9e: {  	_ =	swait.ge [sflag:s22], s20  }
0x9f: {  	s4 =	ssub.s32 $0x0, s20;
	[sflag:s22] =	ssyncset.done $0x0  }
0xa0: {  	[sflag:s22] =	ssyncadd.s32 s4;
	_ =	sdelay $0x1  }
0xa1: {  	s23 =	simm.s32 $0x1B8B  }
0xa2: {  	_ =	swait.ge [sflag:s23], $0x1  }
0xa3: {  	[sflag:s23] =	ssyncset.done $0x0  }
0xa4: {  	s25 =	simm.s32 $0x1B8E;
	s24 =	sld [smem:$0x3FFE];
	[sflag:s23] =	ssyncadd.s32 $0xFFFFFFFF  }
0xa5: {  	s26 =	simm.s32 $execute0_lowered;
	[smem:$0x3FD2] =	sst s25  }
0xa6: {  	s5 =	sshll.u32 s26, $0x1;
	_ =	strace $0x80000049;
	[dreg:$0x1] =	wrdreg $0xFFFFFFFF  }
0xa7: {  	s28 =	simm.s32 $_size_execute0_lowered;
	s3 =	sadd.s32 s3, s5;
	[dreg:$0x0] =	wrdreg $0x0  }
0xa8: {  	s5 =	sshll.u32 s28, $0x1;
	[dreg:$0x2] =	wrdreg s3  }
0xa9: {  	[dreg:$0x3] =	wrdreg s5  }
0xaa: {  	[dreg:$0x4] =	wrdreg $0xC0  }
0xab: {  	_ =	task [dreg:s7], $0x5FFFF  }
0xac: {  	[dreg:$0x1] =	wrdreg $0xFFFFFFFF  }
0xad: {  	[dreg:$0x0] =	wrdreg $0x60  }
0xae: {  	[dreg:$0x2] =	wrdreg s24  }
0xaf: {  	[dreg:$0x3] =	wrdreg s2  }
0xb0: {  	[dreg:$0x4] =	wrdreg $0xA8000  }
0xb1: {  	[dreg:$0x5] =	wrdreg $0x9  }
0xb2: {  	_ =	task.clear_ibuf [dreg:s7], $0x6FFFF;
	_ =	strace $0x90000049  }
0xb3: {  	s29 =	simm.s32 $0x9;
	_ =	strace $0x8000004B  }
0xb4: {  	_ =	swait.ge [sflag:s29], $0x1  }
0xb5: {  	[sflag:s29] =	ssyncadd.s32 $0xFFFFFFFF  }
0xb6: {  	_ =	strace $0x9000004B  }
0xb7: {  	_ =	sfence  }
0xb8: {  	s30 =	sld [smem:$0x0];
	_ =	sdelay $0x2  }
0xb9: {  	s31 =	sshll.u32 s1, $0xD;
	s1 =	sshrl.u32 s1, $0x2  }
0xba: {  	s3 =	sand.u32 $0x4000, s31;
	s1 =	sadd.s32 s1, s30  }
0xbb: {  	s0 =	sor.u32 s3, s0;
	s1 =	sshll.u32 s1, $0x11  }
0xbc: {  	s0 =	sor.u32 s1, s0  }
0xbd: {  	s0 =	sadd.s32 $0x8F2B, s0  }
0xbe: {  	[sflag:s0] =	ssyncadd.remote.s32 $0x1  }
0xbf: {  	_ =	sfence.sel $0xFFFF  }
0xc0: {  	[dreg:$0x0] =	wrdreg $0xFFFFFFFF;
	(pc) =	sbr.abs _section_cstart, $3  }
0xc1: {  	[dreg:$0x1] =	wrdreg $0xFFFFFFFF  }
0xc2: {  	_ =	task.clear_ibuf [dreg:s7], $0x2FFFF;
	_ =	strace $0x9FFFFFFF  }
0xc3: {  	(tm) =	ssettm $0x7FFFFFFF  }
tec
execute0_lowered:
.L_overlay_start_1:
0x0: {  	(tag) =	ssettag $0x1  }
0x1: {  	s5 =	rddreg [dreg:$0x0]  }
0x2: {  	s1 =	rddreg [dreg:$0x1]  }
0x3: {  	s2 =	rddreg [dreg:$0x2];
	s3 =	srdreg.scid  }
0x4: {  	s0 =	rddreg [dreg:$0x3];
	s4 =	simm.s32 $0x0;
	s15 =	simm.s32 $0x3  }
0x5: {  	s16 =	simm.s32 $0x80;
	s17 =	simm.s32 $0x100;
	s18 =	simm.s32 $0x6800  }
0x6: {  	s19 =	simm.s32 $0x1;
	s20 =	simm.s32 $0x2;
	s21 =	simm.s32 $0x2480  }
0x7: {  	s22 =	simm.s32 $0x2600;
	s23 =	simm.s32 $0x2580;
	s24 =	simm.s32 $0x2700  }
0x8: {  	s25 =	simm.s32 $0x2680;
	s6 =	sand.u32 $0x1, s3;
	s3 =	stileid.u32  }
0x9: {  	s26 =	simm.s32 $0x2780;
	[smem:$0x7FF] =	sst s4;
	s7 =	smul.u32 $0x140000, s6  }
0xa: {  	s10 =	sadd.s32 $0x2A00, s5;
	s8 =	smul.u32 $0x14000, s3;
	_ =	strace $0x8000004A  }
0xb: {  	s28 =	sshll.u32 s3, $0x1;
	s9 =	smul.u32 $0x50000, s3;
	s11 =	ssub.s32 $0x2, s6  }
0xc: {  	s29 =	sshrl.u32 s11, $0x1;
	s7 =	sadd.s32 s8, s7;
	s8 =	sor.u32 s6, s28  }
0xd: {  	s9 =	sshrl.u32 s9, $0x2;
	s7 =	sshrl.u32 s7, $0x3;
	s12 =	smul.u32 $0x5000, s8  }
0xe: {  	s14 =	ssub.s32 s11, s29;
	s13 =	sadd.s32 s7, s5;
	s5 =	sadd.s32 s9, s2  }
0xf: {  	s30 =	smul.u32 $0xA00, s8;
	s6 =	sadd.s32 $0x4000, s5;
	s31 =	sshrl.u32 s12, $0x3  }
0x10: {  	s7 =	sadd.s32 $0x8000, s5;
	s8 =	sadd.s32 $0xC000, s5;
	s12 =	sadd.s32 s10, s31  }
0x11: {  	s9 =	sadd.s32 $0x10000, s5;
	s10 =	sadd.s32 s10, s30;
	s11 =	sadd.s32 $0x500, s12  }
0x12: {  	v0 =	vimm.f32 $0.0e+00;
	s12 =	sadd.s32 $0x16A00, s13;
	s13 =	smax.u32 s14, $0x1;
	s14 =	simm.s32 $0x2800  }
.LBB2_1:
0x13: {  	s28 =	simm.s32 $0x0;
	s29 =	simm.s32 $0x200  }
.LBB2_2:
0x14: {  	p0 =	sne.s32 s29, $0xFE00;
	[tilespmem:s28+$0x2870] =	vst v0  }
0x15: {  	[tilespmem:s28+$0x2800] =	vst v0  }
0x16: {  	[tilespmem:s28+$0x2810] =	vst v0  }
.Ltmp0:
0x17: {  	[tilespmem:s28+$0x2820] =	vst v0;
	(pc) =	sbr.rel @p0 .LBB2_2-.Ltmp0, $4  }
0x18: {  	[tilespmem:s28+$0x2830] =	vst v0  }
0x19: {  	[tilespmem:s28+$0x2840] =	vst v0  }
0x1a: {  	[tilespmem:s28+$0x2850] =	vst v0  }
0x1b: {  	[tilespmem:s28+$0x2860] =	vst v0;
	s28 =	sshra.s32 s29, $0x2;
	s29 =	sadd.s32 $0x200, s29  }
0x1c: {  	[tilespmem:s28+$0x2870] =	vst v0  }
0x1d: {  	[tilespmem:s28+$0x2800] =	vst v0  }
0x1e: {  	[tilespmem:s28+$0x2810] =	vst v0  }
0x1f: {  	[tilespmem:s28+$0x2820] =	vst v0  }
0x20: {  	[tilespmem:s28+$0x2830] =	vst v0  }
0x21: {  	[tilespmem:s28+$0x2840] =	vst v0  }
0x22: {  	[tilespmem:s28+$0x2850] =	vst v0  }
0x23: {  	[tilespmem:s28+$0x2860] =	vst v0  }
0x24: {  	[spmem:s5] =	stream.linear.scatter [tilespmem:s14], [sflag:$0x3], $0x4000, $0x38;
	[tilespmem:$0x1E800] =	vst v63  }
0x25: {  	_ =	swait.ge [sflag:s15], $0x4000  }
0x26: {  	[sflag:s15] =	ssyncset.done $0x0  }
0x27: {  	[sflag:s15] =	ssyncadd.s32 $0xFFFFC000  }
0x28: {  	[spmem:s6] =	stream.linear.scatter [tilespmem:s14], [sflag:$0x3], $0x4000, $0x38;
	[tilespmem:$0x1E800] =	vst v63  }
0x29: {  	_ =	swait.ge [sflag:s15], $0x4000  }
0x2a: {  	[sflag:s15] =	ssyncset.done $0x0  }
0x2b: {  	[sflag:s15] =	ssyncadd.s32 $0xFFFFC000  }
0x2c: {  	[spmem:s7] =	stream.linear.scatter [tilespmem:s14], [sflag:$0x3], $0x4000, $0x38;
	[tilespmem:$0x1E800] =	vst v63  }
0x2d: {  	_ =	swait.ge [sflag:s15], $0x4000  }
0x2e: {  	[sflag:s15] =	ssyncset.done $0x0  }
0x2f: {  	[sflag:s15] =	ssyncadd.s32 $0xFFFFC000  }
0x30: {  	[spmem:s8] =	stream.linear.scatter [tilespmem:s14], [sflag:$0x3], $0x4000, $0x38;
	[tilespmem:$0x1E800] =	vst v63  }
0x31: {  	_ =	swait.ge [sflag:s15], $0x4000  }
0x32: {  	[sflag:s15] =	ssyncset.done $0x0  }
0x33: {  	[sflag:s15] =	ssyncadd.s32 $0xFFFFC000  }
0x34: {  	[spmem:s9] =	stream.linear.scatter [tilespmem:s14], [sflag:$0x3], $0x4000, $0x38;
	[tilespmem:$0x1E800] =	vst v63  }
0x35: {  	_ =	swait.ge [sflag:s15], $0x4000  }
0x36: {  	[sflag:s15] =	ssyncset.done $0x0  }
0x37: {  	[sflag:s15] =	ssyncadd.s32 $0xFFFFC000  }
0x38: {  	s28 =	simm.s32 $0x0;
	[bflag:$0x0] =	sbarrier.arrive $0xFFFF  }
0x39: {  	[tilespmem:s28], [sflag:$0x3] =	stream.linear.gather [hbm4b:s10+s28], $0x2800, $0x38;
	[tilespmem:$0x1E800] =	vst v63  }
0x3a: {  	_ =	swait.ge [sflag:s15], $0x2800  }
0x3b: {  	[sflag:s15] =	ssyncset.done $0x0  }
0x3c: {  	[sflag:s15] =	ssyncadd.s32 $0xFFFFD800  }
0x3d: {  	[tilespmem:s14], [sflag:$0x1] =	stream.indirect.gather [hbm4b:s1+s16], $0x80, s28, s16, $0xb8;
	[tilespmem:$0x1E800] =	vst v63  }
0x3e: {  	_ = 	snop  }
0x3f: {  	[tilespmem:s18], [sflag:$0x2] =	stream.indirect.gather [hbm4b:s1+s16], $0x80, s17, s16, $0xb8;
	[tilespmem:$0x1E800] =	vst v63  }
0x40: {  	_ =	swait.ge [sflag:s19], $0x4000  }
0x41: {  	[sflag:s19] =	ssyncset.done $0x0  }
0x42: {  	s28 =	simm.s32 $0x80;
	[sflag:s19] =	ssyncadd.s32 $0xFFFFC000  }
0x43: {  	[spmem:s2] =	stream.indirect.scatter.add.f32 [tilespmem:s14], [sflag:$0x3], $0x80, s28, s16, $0xb8;
	[tilespmem:$0x1E800] =	vst v63  }
0x44: {  	_ =	swait.ge [sflag:s15], $0x4000  }
0x45: {  	[sflag:s15] =	ssyncset.done $0x0  }
0x46: {  	s28 =	simm.s32 $0x200;
	[sflag:s15] =	ssyncadd.s32 $0xFFFFC000  }
0x47: {  	[tilespmem:s14], [sflag:$0x1] =	stream.indirect.gather [hbm4b:s1+s16], $0x80, s28, s16, $0xb8;
	[tilespmem:$0x1E800] =	vst v63  }
0x48: {  	_ =	swait.ge [sflag:s20], $0x4000  }
0x49: {  	[sflag:s20] =	ssyncset.done $0x0  }
0x4a: {  	s28 =	simm.s32 $0x180;
	[sflag:s20] =	ssyncadd.s32 $0xFFFFC000  }
0x4b: {  	[spmem:s2] =	stream.indirect.scatter.add.f32 [tilespmem:s18], [sflag:$0x3], $0x80, s28, s16, $0xb8;
	[tilespmem:$0x1E800] =	vst v63  }
0x4c: {  	_ =	swait.ge [sflag:s15], $0x4000  }
0x4d: {  	[sflag:s15] =	ssyncset.done $0x0  }
0x4e: {  	s28 =	simm.s32 $0x300;
	[sflag:s15] =	ssyncadd.s32 $0xFFFFC000  }
0x4f: {  	[tilespmem:s18], [sflag:$0x2] =	stream.indirect.gather [hbm4b:s1+s16], $0x80, s28, s16, $0xb8;
	[tilespmem:$0x1E800] =	vst v63  }
0x50: {  	_ =	swait.ge [sflag:s19], $0x4000  }
0x51: {  	[sflag:s19] =	ssyncset.done $0x0  }
0x52: {  	s28 =	simm.s32 $0x280;
	[sflag:s19] =	ssyncadd.s32 $0xFFFFC000  }
0x53: {  	[spmem:s2] =	stream.indirect.scatter.add.f32 [tilespmem:s14], [sflag:$0x3], $0x80, s28, s16, $0xb8;
	[tilespmem:$0x1E800] =	vst v63  }
0x54: {  	_ =	swait.ge [sflag:s15], $0x4000  }
0x55: {  	[sflag:s15] =	ssyncset.done $0x0  }
0x56: {  	s28 =	simm.s32 $0x400;
	[sflag:s15] =	ssyncadd.s32 $0xFFFFC000  }
0x57: {  	[tilespmem:s14], [sflag:$0x1] =	stream.indirect.gather [hbm4b:s1+s16], $0x80, s28, s16, $0xb8;
	[tilespmem:$0x1E800] =	vst v63  }
0x58: {  	_ =	swait.ge [sflag:s20], $0x4000  }
0x59: {  	[sflag:s20] =	ssyncset.done $0x0  }
0x5a: {  	s28 =	simm.s32 $0x380;
	[sflag:s20] =	ssyncadd.s32 $0xFFFFC000  }
0x5b: {  	[spmem:s2] =	stream.indirect.scatter.add.f32 [tilespmem:s18], [sflag:$0x3], $0x80, s28, s16, $0xb8;
	[tilespmem:$0x1E800] =	vst v63  }
0x5c: {  	_ =	swait.ge [sflag:s15], $0x4000  }
0x5d: {  	[sflag:s15] =	ssyncset.done $0x0  }
0x5e: {  	s29 =	simm.s32 $0x500;
	s28 =	simm.s32 $0x1000;
	[sflag:s15] =	ssyncadd.s32 $0xFFFFC000  }
.LBB2_4:
0x5f: {  	[tilespmem:s18], [sflag:$0x2] =	stream.indirect.gather [hbm4b:s1+s16], $0x80, s29, s16, $0xb8;
	[tilespmem:$0x1E800] =	vst v63  }
0x60: {  	s29 =	smov.u32 s28  }
0x61: {  	p0 =	sne.s32 s28, $0x8000;
	s28 =	sadd.s32 $0x1000, s28;
	_ =	swait.ge [sflag:s19], $0x4000  }
0x62: {  	s29 =	sshra.s32 s29, $0x2;
	[sflag:s19] =	ssyncset.done $0x0  }
0x63: {  	s30 =	sadd.s32 $0x80, s29;
	[sflag:s19] =	ssyncadd.s32 $0xFFFFC000  }
0x64: {  	[spmem:s2] =	stream.indirect.scatter.add.f32 [tilespmem:s14], [sflag:$0x3], $0x80, s30, s16, $0xb8;
	[tilespmem:$0x1E800] =	vst v63  }
0x65: {  	_ =	swait.ge [sflag:s15], $0x4000  }
0x66: {  	[sflag:s15] =	ssyncset.done $0x0  }
0x67: {  	s30 =	sadd.s32 $0x200, s29;
	[sflag:s15] =	ssyncadd.s32 $0xFFFFC000  }
0x68: {  	[tilespmem:s14], [sflag:$0x1] =	stream.indirect.gather [hbm4b:s1+s16], $0x80, s30, s16, $0xb8;
	[tilespmem:$0x1E800] =	vst v63  }
0x69: {  	_ =	swait.ge [sflag:s20], $0x4000  }
0x6a: {  	[sflag:s20] =	ssyncset.done $0x0  }
0x6b: {  	s30 =	sadd.s32 $0x180, s29;
	[sflag:s20] =	ssyncadd.s32 $0xFFFFC000  }
0x6c: {  	[spmem:s2] =	stream.indirect.scatter.add.f32 [tilespmem:s18], [sflag:$0x3], $0x80, s30, s16, $0xb8;
	[tilespmem:$0x1E800] =	vst v63  }
0x6d: {  	_ =	swait.ge [sflag:s15], $0x4000  }
0x6e: {  	[sflag:s15] =	ssyncset.done $0x0  }
0x6f: {  	s30 =	sadd.s32 $0x300, s29;
	[sflag:s15] =	ssyncadd.s32 $0xFFFFC000  }
0x70: {  	[tilespmem:s18], [sflag:$0x2] =	stream.indirect.gather [hbm4b:s1+s16], $0x80, s30, s16, $0xb8;
	[tilespmem:$0x1E800] =	vst v63  }
0x71: {  	_ =	swait.ge [sflag:s19], $0x4000  }
0x72: {  	[sflag:s19] =	ssyncset.done $0x0  }
0x73: {  	s30 =	sadd.s32 $0x280, s29;
	[sflag:s19] =	ssyncadd.s32 $0xFFFFC000  }
0x74: {  	[spmem:s2] =	stream.indirect.scatter.add.f32 [tilespmem:s14], [sflag:$0x3], $0x80, s30, s16, $0xb8;
	[tilespmem:$0x1E800] =	vst v63  }
0x75: {  	_ =	swait.ge [sflag:s15], $0x4000  }
0x76: {  	[sflag:s15] =	ssyncset.done $0x0  }
0x77: {  	s30 =	sadd.s32 $0x400, s29;
	[sflag:s15] =	ssyncadd.s32 $0xFFFFC000  }
0x78: {  	[tilespmem:s14], [sflag:$0x1] =	stream.indirect.gather [hbm4b:s1+s16], $0x80, s30, s16, $0xb8;
	[tilespmem:$0x1E800] =	vst v63  }
0x79: {  	_ =	swait.ge [sflag:s20], $0x4000  }
0x7a: {  	[sflag:s20] =	ssyncset.done $0x0  }
.Ltmp1:
0x7b: {  	s30 =	sadd.s32 $0x380, s29;
	[sflag:s20] =	ssyncadd.s32 $0xFFFFC000;
	(pc) =	sbr.rel @p0 .LBB2_4-.Ltmp1, $4  }
0x7c: {  	[spmem:s2] =	stream.indirect.scatter.add.f32 [tilespmem:s18], [sflag:$0x3], $0x80, s30, s16, $0xb8;
	[tilespmem:$0x1E800] =	vst v63  }
0x7d: {  	_ =	swait.ge [sflag:s15], $0x4000  }
0x7e: {  	[sflag:s15] =	ssyncset.done $0x0  }
0x7f: {  	s29 =	sadd.s32 $0x500, s29;
	[sflag:s15] =	ssyncadd.s32 $0xFFFFC000  }
0x80: {  	[tilespmem:s18], [sflag:$0x2] =	stream.indirect.gather [hbm4b:s1+s16], $0x80, s29, s16, $0xb8;
	[tilespmem:$0x1E800] =	vst v63  }
0x81: {  	_ =	swait.ge [sflag:s19], $0x4000  }
0x82: {  	[sflag:s19] =	ssyncset.done $0x0  }
0x83: {  	[sflag:s19] =	ssyncadd.s32 $0xFFFFC000  }
0x84: {  	[spmem:s2] =	stream.indirect.scatter.add.f32 [tilespmem:s14], [sflag:$0x3], $0x80, s21, s16, $0xb8;
	[tilespmem:$0x1E800] =	vst v63  }
0x85: {  	_ =	swait.ge [sflag:s15], $0x4000  }
0x86: {  	[sflag:s15] =	ssyncset.done $0x0  }
0x87: {  	[sflag:s15] =	ssyncadd.s32 $0xFFFFC000  }
0x88: {  	[tilespmem:s14], [sflag:$0x1] =	stream.indirect.gather [hbm4b:s1+s16], $0x80, s22, s16, $0xb8;
	[tilespmem:$0x1E800] =	vst v63  }
0x89: {  	_ =	swait.ge [sflag:s20], $0x4000  }
0x8a: {  	[sflag:s20] =	ssyncset.done $0x0  }
0x8b: {  	[sflag:s20] =	ssyncadd.s32 $0xFFFFC000  }
0x8c: {  	[spmem:s2] =	stream.indirect.scatter.add.f32 [tilespmem:s18], [sflag:$0x3], $0x80, s23, s16, $0xb8;
	[tilespmem:$0x1E800] =	vst v63  }
0x8d: {  	_ =	swait.ge [sflag:s15], $0x4000  }
0x8e: {  	[sflag:s15] =	ssyncset.done $0x0  }
0x8f: {  	[sflag:s15] =	ssyncadd.s32 $0xFFFFC000  }
0x90: {  	[tilespmem:s18], [sflag:$0x2] =	stream.indirect.gather [hbm4b:s1+s16], $0x80, s24, s16, $0xb8;
	[tilespmem:$0x1E800] =	vst v63  }
0x91: {  	_ =	swait.ge [sflag:s19], $0x4000  }
0x92: {  	[sflag:s19] =	ssyncset.done $0x0  }
0x93: {  	[sflag:s19] =	ssyncadd.s32 $0xFFFFC000  }
0x94: {  	[spmem:s2] =	stream.indirect.scatter.add.f32 [tilespmem:s14], [sflag:$0x3], $0x80, s25, s16, $0xb8;
	[tilespmem:$0x1E800] =	vst v63  }
0x95: {  	_ =	swait.ge [sflag:s15], $0x4000  }
0x96: {  	[sflag:s15] =	ssyncset.done $0x0  }
0x97: {  	[sflag:s15] =	ssyncadd.s32 $0xFFFFC000  }
0x98: {  	_ =	swait.ge [sflag:s20], $0x4000  }
0x99: {  	[sflag:s20] =	ssyncset.done $0x0  }
0x9a: {  	[sflag:s20] =	ssyncadd.s32 $0xFFFFC000  }
0x9b: {  	[spmem:s2] =	stream.indirect.scatter.add.f32 [tilespmem:s18], [sflag:$0x3], $0x80, s26, s16, $0xb8;
	[tilespmem:$0x1E800] =	vst v63  }
0x9c: {  	_ =	swait.ge [sflag:s15], $0x4000  }
0x9d: {  	[sflag:s15] =	ssyncset.done $0x0  }
0x9e: {  	s28 =	simm.s32 $0x0;
	[sflag:s15] =	ssyncadd.s32 $0xFFFFC000  }
0x9f: {  	[tilespmem:s28], [sflag:$0x3] =	stream.linear.gather [hbm4b:s11+s28], $0x2800, $0x38;
	[tilespmem:$0x1E800] =	vst v63  }
0xa0: {  	_ =	swait.ge [sflag:s15], $0x2800  }
0xa1: {  	[sflag:s15] =	ssyncset.done $0x0  }
0xa2: {  	[sflag:s15] =	ssyncadd.s32 $0xFFFFD800  }
0xa3: {  	[tilespmem:s14], [sflag:$0x1] =	stream.indirect.gather [hbm4b:s1+s16], $0x80, s28, s16, $0xb8;
	[tilespmem:$0x1E800] =	vst v63  }
0xa4: {  	_ = 	snop  }
0xa5: {  	[tilespmem:s18], [sflag:$0x2] =	stream.indirect.gather [hbm4b:s1+s16], $0x80, s17, s16, $0xb8;
	[tilespmem:$0x1E800] =	vst v63  }
0xa6: {  	_ =	swait.ge [sflag:s19], $0x4000  }
0xa7: {  	[sflag:s19] =	ssyncset.done $0x0  }
0xa8: {  	s28 =	simm.s32 $0x80;
	[sflag:s19] =	ssyncadd.s32 $0xFFFFC000  }
0xa9: {  	[spmem:s2] =	stream.indirect.scatter.add.f32 [tilespmem:s14], [sflag:$0x3], $0x80, s28, s16, $0xb8;
	[tilespmem:$0x1E800] =	vst v63  }
0xaa: {  	_ =	swait.ge [sflag:s15], $0x4000  }
0xab: {  	[sflag:s15] =	ssyncset.done $0x0  }
0xac: {  	s28 =	simm.s32 $0x200;
	[sflag:s15] =	ssyncadd.s32 $0xFFFFC000  }
0xad: {  	[tilespmem:s14], [sflag:$0x1] =	stream.indirect.gather [hbm4b:s1+s16], $0x80, s28, s16, $0xb8;
	[tilespmem:$0x1E800] =	vst v63  }
0xae: {  	_ =	swait.ge [sflag:s20], $0x4000  }
0xaf: {  	[sflag:s20] =	ssyncset.done $0x0  }
0xb0: {  	s28 =	simm.s32 $0x180;
	[sflag:s20] =	ssyncadd.s32 $0xFFFFC000  }
0xb1: {  	[spmem:s2] =	stream.indirect.scatter.add.f32 [tilespmem:s18], [sflag:$0x3], $0x80, s28, s16, $0xb8;
	[tilespmem:$0x1E800] =	vst v63  }
0xb2: {  	_ =	swait.ge [sflag:s15], $0x4000  }
0xb3: {  	[sflag:s15] =	ssyncset.done $0x0  }
0xb4: {  	s28 =	simm.s32 $0x300;
	[sflag:s15] =	ssyncadd.s32 $0xFFFFC000  }
0xb5: {  	[tilespmem:s18], [sflag:$0x2] =	stream.indirect.gather [hbm4b:s1+s16], $0x80, s28, s16, $0xb8;
	[tilespmem:$0x1E800] =	vst v63  }
0xb6: {  	_ =	swait.ge [sflag:s19], $0x4000  }
0xb7: {  	[sflag:s19] =	ssyncset.done $0x0  }
0xb8: {  	s28 =	simm.s32 $0x280;
	[sflag:s19] =	ssyncadd.s32 $0xFFFFC000  }
0xb9: {  	[spmem:s2] =	stream.indirect.scatter.add.f32 [tilespmem:s14], [sflag:$0x3], $0x80, s28, s16, $0xb8;
	[tilespmem:$0x1E800] =	vst v63  }
0xba: {  	_ =	swait.ge [sflag:s15], $0x4000  }
0xbb: {  	[sflag:s15] =	ssyncset.done $0x0  }
0xbc: {  	s28 =	simm.s32 $0x400;
	[sflag:s15] =	ssyncadd.s32 $0xFFFFC000  }
0xbd: {  	[tilespmem:s14], [sflag:$0x1] =	stream.indirect.gather [hbm4b:s1+s16], $0x80, s28, s16, $0xb8;
	[tilespmem:$0x1E800] =	vst v63  }
0xbe: {  	_ =	swait.ge [sflag:s20], $0x4000  }
0xbf: {  	[sflag:s20] =	ssyncset.done $0x0  }
0xc0: {  	s28 =	simm.s32 $0x380;
	[sflag:s20] =	ssyncadd.s32 $0xFFFFC000  }
0xc1: {  	[spmem:s2] =	stream.indirect.scatter.add.f32 [tilespmem:s18], [sflag:$0x3], $0x80, s28, s16, $0xb8;
	[tilespmem:$0x1E800] =	vst v63  }
0xc2: {  	_ =	swait.ge [sflag:s15], $0x4000  }
0xc3: {  	[sflag:s15] =	ssyncset.done $0x0  }
0xc4: {  	s29 =	simm.s32 $0x500;
	s28 =	simm.s32 $0x1000;
	[sflag:s15] =	ssyncadd.s32 $0xFFFFC000  }
.LBB2_6:
0xc5: {  	[tilespmem:s18], [sflag:$0x2] =	stream.indirect.gather [hbm4b:s1+s16], $0x80, s29, s16, $0xb8;
	[tilespmem:$0x1E800] =	vst v63  }
0xc6: {  	s29 =	smov.u32 s28  }
0xc7: {  	p0 =	sne.s32 s28, $0x8000;
	s28 =	sadd.s32 $0x1000, s28;
	_ =	swait.ge [sflag:s19], $0x4000  }
0xc8: {  	s29 =	sshra.s32 s29, $0x2;
	[sflag:s19] =	ssyncset.done $0x0  }
0xc9: {  	s30 =	sadd.s32 $0x80, s29;
	[sflag:s19] =	ssyncadd.s32 $0xFFFFC000  }
0xca: {  	[spmem:s2] =	stream.indirect.scatter.add.f32 [tilespmem:s14], [sflag:$0x3], $0x80, s30, s16, $0xb8;
	[tilespmem:$0x1E800] =	vst v63  }
0xcb: {  	_ =	swait.ge [sflag:s15], $0x4000  }
0xcc: {  	[sflag:s15] =	ssyncset.done $0x0  }
0xcd: {  	s30 =	sadd.s32 $0x200, s29;
	[sflag:s15] =	ssyncadd.s32 $0xFFFFC000  }
0xce: {  	[tilespmem:s14], [sflag:$0x1] =	stream.indirect.gather [hbm4b:s1+s16], $0x80, s30, s16, $0xb8;
	[tilespmem:$0x1E800] =	vst v63  }
0xcf: {  	_ =	swait.ge [sflag:s20], $0x4000  }
0xd0: {  	[sflag:s20] =	ssyncset.done $0x0  }
0xd1: {  	s30 =	sadd.s32 $0x180, s29;
	[sflag:s20] =	ssyncadd.s32 $0xFFFFC000  }
0xd2: {  	[spmem:s2] =	stream.indirect.scatter.add.f32 [tilespmem:s18], [sflag:$0x3], $0x80, s30, s16, $0xb8;
	[tilespmem:$0x1E800] =	vst v63  }
0xd3: {  	_ =	swait.ge [sflag:s15], $0x4000  }
0xd4: {  	[sflag:s15] =	ssyncset.done $0x0  }
0xd5: {  	s30 =	sadd.s32 $0x300, s29;
	[sflag:s15] =	ssyncadd.s32 $0xFFFFC000  }
0xd6: {  	[tilespmem:s18], [sflag:$0x2] =	stream.indirect.gather [hbm4b:s1+s16], $0x80, s30, s16, $0xb8;
	[tilespmem:$0x1E800] =	vst v63  }
0xd7: {  	_ =	swait.ge [sflag:s19], $0x4000  }
0xd8: {  	[sflag:s19] =	ssyncset.done $0x0  }
0xd9: {  	s30 =	sadd.s32 $0x280, s29;
	[sflag:s19] =	ssyncadd.s32 $0xFFFFC000  }
0xda: {  	[spmem:s2] =	stream.indirect.scatter.add.f32 [tilespmem:s14], [sflag:$0x3], $0x80, s30, s16, $0xb8;
	[tilespmem:$0x1E800] =	vst v63  }
0xdb: {  	_ =	swait.ge [sflag:s15], $0x4000  }
0xdc: {  	[sflag:s15] =	ssyncset.done $0x0  }
0xdd: {  	s30 =	sadd.s32 $0x400, s29;
	[sflag:s15] =	ssyncadd.s32 $0xFFFFC000  }
0xde: {  	[tilespmem:s14], [sflag:$0x1] =	stream.indirect.gather [hbm4b:s1+s16], $0x80, s30, s16, $0xb8;
	[tilespmem:$0x1E800] =	vst v63  }
0xdf: {  	_ =	swait.ge [sflag:s20], $0x4000  }
0xe0: {  	[sflag:s20] =	ssyncset.done $0x0  }
.Ltmp2:
0xe1: {  	s30 =	sadd.s32 $0x380, s29;
	[sflag:s20] =	ssyncadd.s32 $0xFFFFC000;
	(pc) =	sbr.rel @p0 .LBB2_6-.Ltmp2, $4  }
0xe2: {  	[spmem:s2] =	stream.indirect.scatter.add.f32 [tilespmem:s18], [sflag:$0x3], $0x80, s30, s16, $0xb8;
	[tilespmem:$0x1E800] =	vst v63  }
0xe3: {  	_ =	swait.ge [sflag:s15], $0x4000  }
0xe4: {  	[sflag:s15] =	ssyncset.done $0x0  }
0xe5: {  	s29 =	sadd.s32 $0x500, s29;
	[sflag:s15] =	ssyncadd.s32 $0xFFFFC000  }
0xe6: {  	[tilespmem:s18], [sflag:$0x2] =	stream.indirect.gather [hbm4b:s1+s16], $0x80, s29, s16, $0xb8;
	[tilespmem:$0x1E800] =	vst v63  }
0xe7: {  	_ =	swait.ge [sflag:s19], $0x4000  }
0xe8: {  	[sflag:s19] =	ssyncset.done $0x0  }
0xe9: {  	[sflag:s19] =	ssyncadd.s32 $0xFFFFC000  }
0xea: {  	[spmem:s2] =	stream.indirect.scatter.add.f32 [tilespmem:s14], [sflag:$0x3], $0x80, s21, s16, $0xb8;
	[tilespmem:$0x1E800] =	vst v63  }
0xeb: {  	_ =	swait.ge [sflag:s15], $0x4000  }
0xec: {  	[sflag:s15] =	ssyncset.done $0x0  }
0xed: {  	[sflag:s15] =	ssyncadd.s32 $0xFFFFC000  }
0xee: {  	[tilespmem:s14], [sflag:$0x1] =	stream.indirect.gather [hbm4b:s1+s16], $0x80, s22, s16, $0xb8;
	[tilespmem:$0x1E800] =	vst v63  }
0xef: {  	_ =	swait.ge [sflag:s20], $0x4000  }
0xf0: {  	[sflag:s20] =	ssyncset.done $0x0  }
0xf1: {  	[sflag:s20] =	ssyncadd.s32 $0xFFFFC000  }
0xf2: {  	[spmem:s2] =	stream.indirect.scatter.add.f32 [tilespmem:s18], [sflag:$0x3], $0x80, s23, s16, $0xb8;
	[tilespmem:$0x1E800] =	vst v63  }
0xf3: {  	_ =	swait.ge [sflag:s15], $0x4000  }
0xf4: {  	[sflag:s15] =	ssyncset.done $0x0  }
0xf5: {  	[sflag:s15] =	ssyncadd.s32 $0xFFFFC000  }
0xf6: {  	[tilespmem:s18], [sflag:$0x2] =	stream.indirect.gather [hbm4b:s1+s16], $0x80, s24, s16, $0xb8;
	[tilespmem:$0x1E800] =	vst v63  }
0xf7: {  	_ =	swait.ge [sflag:s19], $0x4000  }
0xf8: {  	[sflag:s19] =	ssyncset.done $0x0  }
0xf9: {  	[sflag:s19] =	ssyncadd.s32 $0xFFFFC000  }
0xfa: {  	[spmem:s2] =	stream.indirect.scatter.add.f32 [tilespmem:s14], [sflag:$0x3], $0x80, s25, s16, $0xb8;
	[tilespmem:$0x1E800] =	vst v63  }
0xfb: {  	_ =	swait.ge [sflag:s15], $0x4000  }
0xfc: {  	[sflag:s15] =	ssyncset.done $0x0  }
0xfd: {  	[sflag:s15] =	ssyncadd.s32 $0xFFFFC000  }
0xfe: {  	_ =	swait.ge [sflag:s20], $0x4000  }
0xff: {  	[sflag:s20] =	ssyncset.done $0x0  }
0x100: {  	[sflag:s20] =	ssyncadd.s32 $0xFFFFC000  }
0x101: {  	[spmem:s2] =	stream.indirect.scatter.add.f32 [tilespmem:s18], [sflag:$0x3], $0x80, s26, s16, $0xb8;
	[tilespmem:$0x1E800] =	vst v63  }
0x102: {  	_ =	swait.ge [sflag:s15], $0x4000  }
0x103: {  	s28 =	sshll.u32 s3, $0x6;
	s4 =	sadd.s32 $0x1, s4;
	[sflag:s15] =	ssyncset.done $0x0  }
0x104: {  	s31 =	sshrl.u32 s5, $0x3;
	p0 =	sne.s32 s4, s13;
	[sflag:s15] =	ssyncadd.s32 $0xFFFFC000  }
.Ltmp3:
0x105: {  	s28 =	sor.u32 $0x1C03, s28;
	[bflag:$0x0] =	sbarrier.arrive $0xFFFF;
	(pc) =	sbr.rel @p0 .LBB2_1-.Ltmp3, $4  }
0x106: {  	[hbm:s12], [sflag:s28] =	dma.local [spmem:s31], $0x2800  }
0x107: {  	_ =	swait.ge [sflag:s15], $0x2800  }
0x108: {  	[sflag:s15] =	ssyncset.done $0x0  }
0x109: {  	[sflag:s15] =	ssyncadd.s32 $0xFFFFD800  }
0x10a: {  	_ =	sfence.sel $0x180000  }
0x10b: {  	[bflag:$0x0] =	sbarrier.arrive $0xFFFF  }
0x10c: {  	p0 =	sne.s32 s3, $0x0;
	_ =	strace $0x9000004A  }
0x10d: {  	s0 =	sadd.s32 @!p0 $0x100000, s0;
	[bflag:$0x2] =	sbarrier.arrive $0xFFFF  }
0x10e: {  	[sflag:s0] =	ssyncadd.tile.s32 @!p0 $0x1;
	_ =	shalt  }
.Lfunc_end2:
_tile_overlayer_lowered:
.L_overlay_start_2:
0x10f: {  	(tag) =	ssettag $0x2  }
0x110: {  	s0 =	rddreg [dreg:$0x0];
	s2 =	stileid.u32  }
0x111: {  	s1 =	rddreg [dreg:$0x1];
	p0 =	sne.s32 s2, $0x0  }
0x112: {  	s3 =	rddreg [dreg:$0x2];
	[bflag:$0x3] =	sbarrier.arrive $0xFFFF;
	s2 =	simm.s32 @!p0 $0x1C03  }
0x113: {  	[timem:s3], [sflag:s2] =	dma.local @!p0 [hbm:s0], s1  }
0x114: {  	s0 =	simm.s32 @!p0 $0x3  }
0x115: {  	_ =	swait.ge @!p0 [sflag:s0], s1  }
0x116: {  	s1 =	ssub.s32 @!p0 $0x0, s1;
	[sflag:s0] =	ssyncset.done @!p0 $0x0  }
0x117: {  	[sflag:s0] =	ssyncadd.s32 @!p0 s1  }
0x118: {  	[bflag:$0x3] =	sbarrier.arrive $0xFFFF  }
0x119: {  	_ =	shalt  }

// kernel: kernel.15.cloned.1.call-start
scs
__scs_entry_jumppad:
0x0: {  	(pc) =	sbr.rel $0x88, $3  }
0x1: {  	(tag) =	ssettag $0x0;
	lr =	simm.s32 $0x1  }
0x2: {  	[smem:$0x3F9B] =	sst lr;
	_ =	strace $0xD0000000  }
0x3: {  	_ = 	snop  }
0x4: {  	_ = 	snop  }
0x5: {  	_ = 	snop  }
0x6: {  	_ = 	snop  }
0x7: {  	_ = 	snop  }
__scs_overlays_trampoline_lowered:
0x8: {  	[smem:$0x3FAA] =	sst s0  }
0x9: {  	[smem:$0x3FAB] =	sst s1  }
0xa: {  	[smem:$0x3FAC] =	sst s2  }
0xb: {  	[smem:$0x3FAD] =	sst s3  }
0xc: {  	[smem:$0x3FAE] =	sst s4  }
0xd: {  	[smem:$0x3FAF] =	sst s5  }
0xe: {  	[smem:$0x3FB0] =	sst s6  }
0xf: {  	[smem:$0x3FB1] =	sst s7  }
0x10: {  	[smem:$0x3FB2] =	sst s8  }
0x11: {  	[smem:$0x3FB3] =	sst s9;
	s0 =	simm.s32 @!p0 $0x0  }
0x12: {  	s1 =	sld [smem:$0x3F99];
	s0 =	simm.s32 @p0 $0x1  }
0x13: {  	[smem:$0x3FB4] =	sst s0;
	s0 =	simm.s32 @!p1 $0x0  }
0x14: {  	s2 =	sld [smem:$0x3F98];
	s0 =	simm.s32 @p1 $0x1  }
0x15: {  	[smem:$0x3FB5] =	sst s0;
	s0 =	simm.s32 @!p2 $0x0  }
0x16: {  	s3 =	sld [smem:$0x3FDB];
	s0 =	simm.s32 @p2 $0x1  }
0x17: {  	s4 =	simm.s32 $0x1BF5;
	[smem:$0x3FB7] =	sst s0  }
0x18: {  	s0 =	sld [smem:$0x3F9A];
	_ =	swait.ge [sflag:s4], $0x0  }
0x19: {  	s7 =	sld [smem:$0x3F9B]  }
0x1a: {  	s8 =	sadd.s32 $0xFFFFE003, lr  }
0x1b: {  	s9 =	sadd.s32 $0xFFFFFEF7, lr;
	s5 =	simm.s32 $0xFFFFFFFF;
	p2 =	slt.u32 s8, $0xFFFFF086  }
0x1c: {  	p1 =	slt.u32 s9, $0xF7A;
	s5 =	simm.s32 @!p2 $0x0  }
0x1d: {  	s5 =	simm.s32 @p1 $0x1;
	p0 =	seq.s32 s7, s2  }
0x1e: {  	s7 =	smul.u32 @!p0 $0xF7A, s2;
	p2 =	seq.s32 @!p0 s5, $0x0  }
0x1f: {  	s9 =	smul.u32 $0xF7A, s1;
	s8 =	simm.s32 @!p0 $0x1BF5;
	p2 =	por !p2, p0  }
0x20: {  	[sflag:s8] =	ssyncset.s32 @!p0 $0xFFFFF086;
	s6 =	sadd.s32 @!p0 s3, s7;
	s7 =	simm.s32 @!p0 $0x108  }
0x21: {  	s3 =	sadd.s32 s3, s9;
	s6 =	sadd.s32 @!p0 $0x88, s6;
	s7 =	simm.s32 @p2 $0x1082  }
0x22: {  	[simem:s7], [sflag:s8] =	dma.local @!p0 [hbm:s6], $0xF7A  }
0x23: {  	s9 =	sor.u32 $0xD0000000, s2;
	s6 =	simm.s32 $0x108;
	_ =	swait.ge @!p0 [sflag:s8], $0x0  }
0x24: {  	s3 =	sadd.s32 $0x88, s3;
	s6 =	simm.s32 @!p1 $0x1082;
	[sflag:s4] =	ssyncset.s32 $0xFFFFF086  }
0x25: {  	[simem:s6], [sflag:s4] =	dma.local [hbm:s3], $0xF7A  }
0x26: {  	[smem:$0x3F9B] =	sst s1;
	(tag) =	ssettag s2;
	_ =	strace s9  }
0x27: {  	s1 =	sld [smem:$0x3FAB]  }
0x28: {  	s2 =	sld [smem:$0x3FAC]  }
0x29: {  	s4 =	sld [smem:$0x3FAE]  }
0x2a: {  	p0 =	seq.s32 s5, $0x0;
	s5 =	sld [smem:$0x3FAF]  }
0x2b: {  	s6 =	sld [smem:$0x3FB0]  }
0x2c: {  	s7 =	sld [smem:$0x3FB1]  }
0x2d: {  	s3 =	simm.s32 $0x108;
	s8 =	sld [smem:$0x3FB2]  }
0x2e: {  	s3 =	simm.s32 @!p0 $0x1082;
	s9 =	sld [smem:$0x3FB3]  }
0x2f: {  	lr =	sadd.s32 s0, s3;
	s0 =	sld [smem:$0x3FAA]  }
0x30: {  	s3 =	sld [smem:$0x3FAD]  }
0x31: {  	[smem:$0x3FB6] =	sst s10  }
0x32: {  	s10 =	sld [smem:$0x3FB4];
	_ =	sdelay $0x3  }
0x33: {  	p0 =	seq.s32 s10, $0x1;
	s10 =	sld [smem:$0x3FB6];
	_ =	sdelay $0x3  }
0x34: {  	[smem:$0x3FB6] =	sst s10  }
0x35: {  	s10 =	sld [smem:$0x3FB5];
	_ =	sdelay $0x3  }
0x36: {  	p1 =	seq.s32 s10, $0x1;
	s10 =	sld [smem:$0x3FB6];
	_ =	sdelay $0x3  }
0x37: {  	[smem:$0x3FB6] =	sst s10  }
0x38: {  	s10 =	sld [smem:$0x3FB7]  }
0x39: {  	_ = 	snop;
	(pc) =	sbr.ind lr, $3  }
0x3a: {  	_ = 	snop  }
0x3b: {  	_ = 	snop  }
0x3c: {  	p2 =	seq.s32 s10, $0x1;
	s10 =	sld [smem:$0x3FB6]  }
0x3d: {  	_ =	shalt  }
0x3e: {  	_ =	shalt  }
0x3f: {  	_ =	shalt  }
0x40: {  	_ =	shalt  }
0x41: {  	_ =	shalt  }
0x42: {  	_ =	shalt  }
0x43: {  	_ =	shalt  }
0x44: {  	_ =	shalt  }
0x45: {  	_ =	shalt  }
0x46: {  	_ =	shalt  }
0x47: {  	_ =	shalt  }
0x48: {  	_ =	shalt  }
0x49: {  	_ =	shalt  }
0x4a: {  	_ =	shalt  }
0x4b: {  	_ =	shalt  }
0x4c: {  	_ =	shalt  }
0x4d: {  	_ =	shalt  }
0x4e: {  	_ =	shalt  }
0x4f: {  	_ =	shalt  }
0x50: {  	_ =	shalt  }
0x51: {  	_ =	shalt  }
0x52: {  	_ =	shalt  }
0x53: {  	_ =	shalt  }
0x54: {  	_ =	shalt  }
0x55: {  	_ =	shalt  }
0x56: {  	_ =	shalt  }
0x57: {  	_ =	shalt  }
0x58: {  	_ =	shalt  }
0x59: {  	_ =	shalt  }
0x5a: {  	_ =	shalt  }
0x5b: {  	_ =	shalt  }
0x5c: {  	_ =	shalt  }
0x5d: {  	_ =	shalt  }
0x5e: {  	_ =	shalt  }
0x5f: {  	_ =	shalt  }
0x60: {  	_ =	shalt  }
0x61: {  	_ =	shalt  }
0x62: {  	_ =	shalt  }
0x63: {  	_ =	shalt  }
0x64: {  	_ =	shalt  }
0x65: {  	_ =	shalt  }
0x66: {  	_ =	shalt  }
0x67: {  	_ =	shalt  }
0x68: {  	_ =	shalt  }
0x69: {  	_ =	shalt  }
0x6a: {  	_ =	shalt  }
0x6b: {  	_ =	shalt  }
0x6c: {  	_ =	shalt  }
0x6d: {  	_ =	shalt  }
0x6e: {  	_ =	shalt  }
0x6f: {  	_ =	shalt  }
0x70: {  	_ =	shalt  }
0x71: {  	_ =	shalt  }
0x72: {  	_ =	shalt  }
0x73: {  	_ =	shalt  }
0x74: {  	_ =	shalt  }
0x75: {  	_ =	shalt  }
0x76: {  	_ =	shalt  }
0x77: {  	_ =	shalt  }
0x78: {  	_ =	shalt  }
0x79: {  	_ =	shalt  }
0x7a: {  	_ =	shalt  }
0x7b: {  	_ =	shalt  }
0x7c: {  	_ =	shalt  }
0x7d: {  	_ =	shalt  }
0x7e: {  	_ =	shalt  }
0x7f: {  	_ =	shalt  }
0x80: {  	_ =	shalt  }
0x81: {  	_ =	shalt  }
0x82: {  	_ =	shalt  }
0x83: {  	_ =	shalt  }
0x84: {  	_ =	shalt  }
0x85: {  	_ =	shalt  }
0x86: {  	_ =	shalt  }
0x87: {  	_ =	shalt  }
.Lfunc_end0:
.L_simem_size_0:
called_computation.2_lowered:
.L_overlay_start_0:
0x88: {  	s2 =	sld [smem:$0x3FD9]  }
0x89: {  	s3 =	sld [smem:$0x3FFE];
	_ =	sdelay $0x1  }
0x8a: {  	s1 =	srdreg.scid  }
0x8b: {  	s0 =	sand.u32 $0x1, s1  }
0x8c: {  	s17 =	sshll.u32 s0, $0xA;
	s2 =	sadd.s32 s3, s2  }
0x8d: {  	s2 =	sadd.s32 s2, s17  }
0x8e: {  	[smem:$0x3FC2] =	sst s2  }
0x8f: {  	_ = 	snop  }
0x90: {  	s2 =	sld [smem:$0x3FD0];
	(tm) =	ssettm $0x1  }
0x91: {  	s18 =	sld [smem:$0x3FFB];
	_ =	sdelay $0x3  }
0x92: {  	_ =	strace s18  }
0x93: {  	s3 =	sld [smem:$0x3FFC];
	_ =	sdelay $0x3  }
0x94: {  	_ =	strace s3  }
0x95: {  	s3 =	sld [smem:$0x3FFD];
	_ =	sdelay $0x3  }
0x96: {  	_ =	strace s3  }
0x97: {  	_ =	strace $0x8FFFFFFF  }
0x98: {  	s19 =	sld [smem:$0x3FDB];
	_ =	sdelay $0x1  }
0x99: {  	s4 =	simm.s32 $_scs_section_size  }
0x9a: {  	s5 =	simm.s32 $_size__tile_overlayer_lowered;
	s6 =	simm.s32 $_tile_overlayer_lowered  }
0x9b: {  	s22 =	simm.s32 $0x1BFF;
	s21 =	sshll.u32 s6, $0x1;
	s3 =	sadd.s32 s4, s19  }
0x9c: {  	s7 =	simm.s32 $0x0;
	s20 =	sshll.u32 s5, $0x1;
	s5 =	sadd.s32 s21, s3  }
0x9d: {  	[timem:s7], [sflag:s22] =	dma.local [hbm:s5], s20  }
0x9e: {  	_ =	swait.ge [sflag:s22], s20  }
0x9f: {  	s4 =	ssub.s32 $0x0, s20;
	[sflag:s22] =	ssyncset.done $0x0  }
0xa0: {  	[sflag:s22] =	ssyncadd.s32 s4;
	_ =	sdelay $0x1  }
0xa1: {  	s23 =	simm.s32 $0x1B8B  }
0xa2: {  	_ =	swait.ge [sflag:s23], $0x1  }
0xa3: {  	[sflag:s23] =	ssyncset.done $0x0  }
0xa4: {  	s25 =	simm.s32 $0x1B8E;
	s24 =	sld [smem:$0x3FFE];
	[sflag:s23] =	ssyncadd.s32 $0xFFFFFFFF  }
0xa5: {  	s26 =	simm.s32 $execute0_lowered;
	[smem:$0x3FD2] =	sst s25  }
0xa6: {  	s5 =	sshll.u32 s26, $0x1;
	_ =	strace $0x8000004C;
	[dreg:$0x1] =	wrdreg $0xFFFFFFFF  }
0xa7: {  	s28 =	simm.s32 $_size_execute0_lowered;
	s3 =	sadd.s32 s3, s5;
	[dreg:$0x0] =	wrdreg $0x0  }
0xa8: {  	s5 =	sshll.u32 s28, $0x1;
	[dreg:$0x2] =	wrdreg s3  }
0xa9: {  	[dreg:$0x3] =	wrdreg s5  }
0xaa: {  	[dreg:$0x4] =	wrdreg $0xC0  }
0xab: {  	_ =	task [dreg:s7], $0x5FFFF  }
0xac: {  	[dreg:$0x1] =	wrdreg $0xFFFFFFFF  }
0xad: {  	[dreg:$0x0] =	wrdreg $0x60  }
0xae: {  	[dreg:$0x2] =	wrdreg s24  }
0xaf: {  	[dreg:$0x3] =	wrdreg s2  }
0xb0: {  	[dreg:$0x4] =	wrdreg $0xA8000  }
0xb1: {  	[dreg:$0x5] =	wrdreg $0x9  }
0xb2: {  	_ =	task.clear_ibuf [dreg:s7], $0x6FFFF;
	_ =	strace $0x9000004C  }
0xb3: {  	s29 =	simm.s32 $0x9;
	_ =	strace $0x8000004E  }
0xb4: {  	_ =	swait.ge [sflag:s29], $0x1  }
0xb5: {  	[sflag:s29] =	ssyncadd.s32 $0xFFFFFFFF  }
0xb6: {  	_ =	strace $0x9000004E  }
0xb7: {  	_ =	sfence  }
0xb8: {  	s30 =	sld [smem:$0x0];
	_ =	sdelay $0x2  }
0xb9: {  	s31 =	sshll.u32 s1, $0xD;
	s1 =	sshrl.u32 s1, $0x2  }
0xba: {  	s3 =	sand.u32 $0x4000, s31;
	s1 =	sadd.s32 s1, s30  }
0xbb: {  	s0 =	sor.u32 s3, s0;
	s1 =	sshll.u32 s1, $0x11  }
0xbc: {  	s0 =	sor.u32 s1, s0  }
0xbd: {  	s0 =	sadd.s32 $0x8F2B, s0  }
0xbe: {  	[sflag:s0] =	ssyncadd.remote.s32 $0x1  }
0xbf: {  	_ =	sfence.sel $0xFFFF  }
0xc0: {  	[dreg:$0x0] =	wrdreg $0xFFFFFFFF;
	(pc) =	sbr.abs _section_cstart, $3  }
0xc1: {  	[dreg:$0x1] =	wrdreg $0xFFFFFFFF  }
0xc2: {  	_ =	task.clear_ibuf [dreg:s7], $0x2FFFF;
	_ =	strace $0x9FFFFFFF  }
0xc3: {  	(tm) =	ssettm $0x7FFFFFFF  }
tec
execute0_lowered:
.L_overlay_start_1:
0x0: {  	(tag) =	ssettag $0x1  }
0x1: {  	s5 =	rddreg [dreg:$0x0]  }
0x2: {  	s1 =	rddreg [dreg:$0x1]  }
0x3: {  	s2 =	rddreg [dreg:$0x2];
	s3 =	srdreg.scid  }
0x4: {  	s0 =	rddreg [dreg:$0x3];
	s4 =	simm.s32 $0x0;
	s15 =	simm.s32 $0x3  }
0x5: {  	s16 =	simm.s32 $0x80;
	s17 =	simm.s32 $0x100;
	s18 =	simm.s32 $0x6800  }
0x6: {  	s19 =	simm.s32 $0x1;
	s20 =	simm.s32 $0x2;
	s21 =	simm.s32 $0x2480  }
0x7: {  	s22 =	simm.s32 $0x2600;
	s23 =	simm.s32 $0x2580;
	s24 =	simm.s32 $0x2700  }
0x8: {  	s25 =	simm.s32 $0x2680;
	s6 =	sand.u32 $0x1, s3;
	s3 =	stileid.u32  }
0x9: {  	s26 =	simm.s32 $0x2780;
	[smem:$0x7FF] =	sst s4;
	s7 =	smul.u32 $0x140000, s6  }
0xa: {  	s10 =	sadd.s32 $0x2A00, s5;
	s8 =	smul.u32 $0x14000, s3;
	_ =	strace $0x8000004D  }
0xb: {  	s28 =	sshll.u32 s3, $0x1;
	s9 =	smul.u32 $0x50000, s3;
	s11 =	ssub.s32 $0x2, s6  }
0xc: {  	s29 =	sshrl.u32 s11, $0x1;
	s7 =	sadd.s32 s8, s7;
	s8 =	sor.u32 s6, s28  }
0xd: {  	s9 =	sshrl.u32 s9, $0x2;
	s7 =	sshrl.u32 s7, $0x3;
	s12 =	smul.u32 $0x5000, s8  }
0xe: {  	s14 =	ssub.s32 s11, s29;
	s13 =	sadd.s32 s7, s5;
	s5 =	sadd.s32 s9, s2  }
0xf: {  	s30 =	smul.u32 $0xA00, s8;
	s6 =	sadd.s32 $0x4000, s5;
	s31 =	sshrl.u32 s12, $0x3  }
0x10: {  	s7 =	sadd.s32 $0x8000, s5;
	s8 =	sadd.s32 $0xC000, s5;
	s12 =	sadd.s32 s10, s31  }
0x11: {  	s9 =	sadd.s32 $0x10000, s5;
	s10 =	sadd.s32 s10, s30;
	s11 =	sadd.s32 $0x500, s12  }
0x12: {  	v0 =	vimm.f32 $0.0e+00;
	s12 =	sadd.s32 $0x16A00, s13;
	s13 =	smax.u32 s14, $0x1;
	s14 =	simm.s32 $0x2800  }
.LBB2_1:
0x13: {  	s28 =	simm.s32 $0x0;
	s29 =	simm.s32 $0x200  }
.LBB2_2:
0x14: {  	p0 =	sne.s32 s29, $0xFE00;
	[tilespmem:s28+$0x2870] =	vst v0  }
0x15: {  	[tilespmem:s28+$0x2800] =	vst v0  }
0x16: {  	[tilespmem:s28+$0x2810] =	vst v0  }
.Ltmp0:
0x17: {  	[tilespmem:s28+$0x2820] =	vst v0;
	(pc) =	sbr.rel @p0 .LBB2_2-.Ltmp0, $4  }
0x18: {  	[tilespmem:s28+$0x2830] =	vst v0  }
0x19: {  	[tilespmem:s28+$0x2840] =	vst v0  }
0x1a: {  	[tilespmem:s28+$0x2850] =	vst v0  }
0x1b: {  	[tilespmem:s28+$0x2860] =	vst v0;
	s28 =	sshra.s32 s29, $0x2;
	s29 =	sadd.s32 $0x200, s29  }
0x1c: {  	[tilespmem:s28+$0x2870] =	vst v0  }
0x1d: {  	[tilespmem:s28+$0x2800] =	vst v0  }
0x1e: {  	[tilespmem:s28+$0x2810] =	vst v0  }
0x1f: {  	[tilespmem:s28+$0x2820] =	vst v0  }
0x20: {  	[tilespmem:s28+$0x2830] =	vst v0  }
0x21: {  	[tilespmem:s28+$0x2840] =	vst v0  }
0x22: {  	[tilespmem:s28+$0x2850] =	vst v0  }
0x23: {  	[tilespmem:s28+$0x2860] =	vst v0  }
0x24: {  	[spmem:s5] =	stream.linear.scatter [tilespmem:s14], [sflag:$0x3], $0x4000, $0x38;
	[tilespmem:$0x1E800] =	vst v63  }
0x25: {  	_ =	swait.ge [sflag:s15], $0x4000  }
0x26: {  	[sflag:s15] =	ssyncset.done $0x0  }
0x27: {  	[sflag:s15] =	ssyncadd.s32 $0xFFFFC000  }
0x28: {  	[spmem:s6] =	stream.linear.scatter [tilespmem:s14], [sflag:$0x3], $0x4000, $0x38;
	[tilespmem:$0x1E800] =	vst v63  }
0x29: {  	_ =	swait.ge [sflag:s15], $0x4000  }
0x2a: {  	[sflag:s15] =	ssyncset.done $0x0  }
0x2b: {  	[sflag:s15] =	ssyncadd.s32 $0xFFFFC000  }
0x2c: {  	[spmem:s7] =	stream.linear.scatter [tilespmem:s14], [sflag:$0x3], $0x4000, $0x38;
	[tilespmem:$0x1E800] =	vst v63  }
0x2d: {  	_ =	swait.ge [sflag:s15], $0x4000  }
0x2e: {  	[sflag:s15] =	ssyncset.done $0x0  }
0x2f: {  	[sflag:s15] =	ssyncadd.s32 $0xFFFFC000  }
0x30: {  	[spmem:s8] =	stream.linear.scatter [tilespmem:s14], [sflag:$0x3], $0x4000, $0x38;
	[tilespmem:$0x1E800] =	vst v63  }
0x31: {  	_ =	swait.ge [sflag:s15], $0x4000  }
0x32: {  	[sflag:s15] =	ssyncset.done $0x0  }
0x33: {  	[sflag:s15] =	ssyncadd.s32 $0xFFFFC000  }
0x34: {  	[spmem:s9] =	stream.linear.scatter [tilespmem:s14], [sflag:$0x3], $0x4000, $0x38;
	[tilespmem:$0x1E800] =	vst v63  }
0x35: {  	_ =	swait.ge [sflag:s15], $0x4000  }
0x36: {  	[sflag:s15] =	ssyncset.done $0x0  }
0x37: {  	[sflag:s15] =	ssyncadd.s32 $0xFFFFC000  }
0x38: {  	s28 =	simm.s32 $0x0;
	[bflag:$0x0] =	sbarrier.arrive $0xFFFF  }
0x39: {  	[tilespmem:s28], [sflag:$0x3] =	stream.linear.gather [hbm4b:s10+s28], $0x2800, $0x38;
	[tilespmem:$0x1E800] =	vst v63  }
0x3a: {  	_ =	swait.ge [sflag:s15], $0x2800  }
0x3b: {  	[sflag:s15] =	ssyncset.done $0x0  }
0x3c: {  	[sflag:s15] =	ssyncadd.s32 $0xFFFFD800  }
0x3d: {  	[tilespmem:s14], [sflag:$0x1] =	stream.indirect.gather [hbm4b:s1+s16], $0x80, s28, s16, $0xb8;
	[tilespmem:$0x1E800] =	vst v63  }
0x3e: {  	_ = 	snop  }
0x3f: {  	[tilespmem:s18], [sflag:$0x2] =	stream.indirect.gather [hbm4b:s1+s16], $0x80, s17, s16, $0xb8;
	[tilespmem:$0x1E800] =	vst v63  }
0x40: {  	_ =	swait.ge [sflag:s19], $0x4000  }
0x41: {  	[sflag:s19] =	ssyncset.done $0x0  }
0x42: {  	s28 =	simm.s32 $0x80;
	[sflag:s19] =	ssyncadd.s32 $0xFFFFC000  }
0x43: {  	[spmem:s2] =	stream.indirect.scatter.add.f32 [tilespmem:s14], [sflag:$0x3], $0x80, s28, s16, $0xb8;
	[tilespmem:$0x1E800] =	vst v63  }
0x44: {  	_ =	swait.ge [sflag:s15], $0x4000  }
0x45: {  	[sflag:s15] =	ssyncset.done $0x0  }
0x46: {  	s28 =	simm.s32 $0x200;
	[sflag:s15] =	ssyncadd.s32 $0xFFFFC000  }
0x47: {  	[tilespmem:s14], [sflag:$0x1] =	stream.indirect.gather [hbm4b:s1+s16], $0x80, s28, s16, $0xb8;
	[tilespmem:$0x1E800] =	vst v63  }
0x48: {  	_ =	swait.ge [sflag:s20], $0x4000  }
0x49: {  	[sflag:s20] =	ssyncset.done $0x0  }
0x4a: {  	s28 =	simm.s32 $0x180;
	[sflag:s20] =	ssyncadd.s32 $0xFFFFC000  }
0x4b: {  	[spmem:s2] =	stream.indirect.scatter.add.f32 [tilespmem:s18], [sflag:$0x3], $0x80, s28, s16, $0xb8;
	[tilespmem:$0x1E800] =	vst v63  }
0x4c: {  	_ =	swait.ge [sflag:s15], $0x4000  }
0x4d: {  	[sflag:s15] =	ssyncset.done $0x0  }
0x4e: {  	s28 =	simm.s32 $0x300;
	[sflag:s15] =	ssyncadd.s32 $0xFFFFC000  }
0x4f: {  	[tilespmem:s18], [sflag:$0x2] =	stream.indirect.gather [hbm4b:s1+s16], $0x80, s28, s16, $0xb8;
	[tilespmem:$0x1E800] =	vst v63  }
0x50: {  	_ =	swait.ge [sflag:s19], $0x4000  }
0x51: {  	[sflag:s19] =	ssyncset.done $0x0  }
0x52: {  	s28 =	simm.s32 $0x280;
	[sflag:s19] =	ssyncadd.s32 $0xFFFFC000  }
0x53: {  	[spmem:s2] =	stream.indirect.scatter.add.f32 [tilespmem:s14], [sflag:$0x3], $0x80, s28, s16, $0xb8;
	[tilespmem:$0x1E800] =	vst v63  }
0x54: {  	_ =	swait.ge [sflag:s15], $0x4000  }
0x55: {  	[sflag:s15] =	ssyncset.done $0x0  }
0x56: {  	s28 =	simm.s32 $0x400;
	[sflag:s15] =	ssyncadd.s32 $0xFFFFC000  }
0x57: {  	[tilespmem:s14], [sflag:$0x1] =	stream.indirect.gather [hbm4b:s1+s16], $0x80, s28, s16, $0xb8;
	[tilespmem:$0x1E800] =	vst v63  }
0x58: {  	_ =	swait.ge [sflag:s20], $0x4000  }
0x59: {  	[sflag:s20] =	ssyncset.done $0x0  }
0x5a: {  	s28 =	simm.s32 $0x380;
	[sflag:s20] =	ssyncadd.s32 $0xFFFFC000  }
0x5b: {  	[spmem:s2] =	stream.indirect.scatter.add.f32 [tilespmem:s18], [sflag:$0x3], $0x80, s28, s16, $0xb8;
	[tilespmem:$0x1E800] =	vst v63  }
0x5c: {  	_ =	swait.ge [sflag:s15], $0x4000  }
0x5d: {  	[sflag:s15] =	ssyncset.done $0x0  }
0x5e: {  	s29 =	simm.s32 $0x500;
	s28 =	simm.s32 $0x1000;
	[sflag:s15] =	ssyncadd.s32 $0xFFFFC000  }
.LBB2_4:
0x5f: {  	[tilespmem:s18], [sflag:$0x2] =	stream.indirect.gather [hbm4b:s1+s16], $0x80, s29, s16, $0xb8;
	[tilespmem:$0x1E800] =	vst v63  }
0x60: {  	s29 =	smov.u32 s28  }
0x61: {  	p0 =	sne.s32 s28, $0x8000;
	s28 =	sadd.s32 $0x1000, s28;
	_ =	swait.ge [sflag:s19], $0x4000  }
0x62: {  	s29 =	sshra.s32 s29, $0x2;
	[sflag:s19] =	ssyncset.done $0x0  }
0x63: {  	s30 =	sadd.s32 $0x80, s29;
	[sflag:s19] =	ssyncadd.s32 $0xFFFFC000  }
0x64: {  	[spmem:s2] =	stream.indirect.scatter.add.f32 [tilespmem:s14], [sflag:$0x3], $0x80, s30, s16, $0xb8;
	[tilespmem:$0x1E800] =	vst v63  }
0x65: {  	_ =	swait.ge [sflag:s15], $0x4000  }
0x66: {  	[sflag:s15] =	ssyncset.done $0x0  }
0x67: {  	s30 =	sadd.s32 $0x200, s29;
	[sflag:s15] =	ssyncadd.s32 $0xFFFFC000  }
0x68: {  	[tilespmem:s14], [sflag:$0x1] =	stream.indirect.gather [hbm4b:s1+s16], $0x80, s30, s16, $0xb8;
	[tilespmem:$0x1E800] =	vst v63  }
0x69: {  	_ =	swait.ge [sflag:s20], $0x4000  }
0x6a: {  	[sflag:s20] =	ssyncset.done $0x0  }
0x6b: {  	s30 =	sadd.s32 $0x180, s29;
	[sflag:s20] =	ssyncadd.s32 $0xFFFFC000  }
0x6c: {  	[spmem:s2] =	stream.indirect.scatter.add.f32 [tilespmem:s18], [sflag:$0x3], $0x80, s30, s16, $0xb8;
	[tilespmem:$0x1E800] =	vst v63  }
0x6d: {  	_ =	swait.ge [sflag:s15], $0x4000  }
0x6e: {  	[sflag:s15] =	ssyncset.done $0x0  }
0x6f: {  	s30 =	sadd.s32 $0x300, s29;
	[sflag:s15] =	ssyncadd.s32 $0xFFFFC000  }
0x70: {  	[tilespmem:s18], [sflag:$0x2] =	stream.indirect.gather [hbm4b:s1+s16], $0x80, s30, s16, $0xb8;
	[tilespmem:$0x1E800] =	vst v63  }
0x71: {  	_ =	swait.ge [sflag:s19], $0x4000  }
0x72: {  	[sflag:s19] =	ssyncset.done $0x0  }
0x73: {  	s30 =	sadd.s32 $0x280, s29;
	[sflag:s19] =	ssyncadd.s32 $0xFFFFC000  }
0x74: {  	[spmem:s2] =	stream.indirect.scatter.add.f32 [tilespmem:s14], [sflag:$0x3], $0x80, s30, s16, $0xb8;
	[tilespmem:$0x1E800] =	vst v63  }
0x75: {  	_ =	swait.ge [sflag:s15], $0x4000  }
0x76: {  	[sflag:s15] =	ssyncset.done $0x0  }
0x77: {  	s30 =	sadd.s32 $0x400, s29;
	[sflag:s15] =	ssyncadd.s32 $0xFFFFC000  }
0x78: {  	[tilespmem:s14], [sflag:$0x1] =	stream.indirect.gather [hbm4b:s1+s16], $0x80, s30, s16, $0xb8;
	[tilespmem:$0x1E800] =	vst v63  }
0x79: {  	_ =	swait.ge [sflag:s20], $0x4000  }
0x7a: {  	[sflag:s20] =	ssyncset.done $0x0  }
.Ltmp1:
0x7b: {  	s30 =	sadd.s32 $0x380, s29;
	[sflag:s20] =	ssyncadd.s32 $0xFFFFC000;
	(pc) =	sbr.rel @p0 .LBB2_4-.Ltmp1, $4  }
0x7c: {  	[spmem:s2] =	stream.indirect.scatter.add.f32 [tilespmem:s18], [sflag:$0x3], $0x80, s30, s16, $0xb8;
	[tilespmem:$0x1E800] =	vst v63  }
0x7d: {  	_ =	swait.ge [sflag:s15], $0x4000  }
0x7e: {  	[sflag:s15] =	ssyncset.done $0x0  }
0x7f: {  	s29 =	sadd.s32 $0x500, s29;
	[sflag:s15] =	ssyncadd.s32 $0xFFFFC000  }
0x80: {  	[tilespmem:s18], [sflag:$0x2] =	stream.indirect.gather [hbm4b:s1+s16], $0x80, s29, s16, $0xb8;
	[tilespmem:$0x1E800] =	vst v63  }
0x81: {  	_ =	swait.ge [sflag:s19], $0x4000  }
0x82: {  	[sflag:s19] =	ssyncset.done $0x0  }
0x83: {  	[sflag:s19] =	ssyncadd.s32 $0xFFFFC000  }
0x84: {  	[spmem:s2] =	stream.indirect.scatter.add.f32 [tilespmem:s14], [sflag:$0x3], $0x80, s21, s16, $0xb8;
	[tilespmem:$0x1E800] =	vst v63  }
0x85: {  	_ =	swait.ge [sflag:s15], $0x4000  }
0x86: {  	[sflag:s15] =	ssyncset.done $0x0  }
0x87: {  	[sflag:s15] =	ssyncadd.s32 $0xFFFFC000  }
0x88: {  	[tilespmem:s14], [sflag:$0x1] =	stream.indirect.gather [hbm4b:s1+s16], $0x80, s22, s16, $0xb8;
	[tilespmem:$0x1E800] =	vst v63  }
0x89: {  	_ =	swait.ge [sflag:s20], $0x4000  }
0x8a: {  	[sflag:s20] =	ssyncset.done $0x0  }
0x8b: {  	[sflag:s20] =	ssyncadd.s32 $0xFFFFC000  }
0x8c: {  	[spmem:s2] =	stream.indirect.scatter.add.f32 [tilespmem:s18], [sflag:$0x3], $0x80, s23, s16, $0xb8;
	[tilespmem:$0x1E800] =	vst v63  }
0x8d: {  	_ =	swait.ge [sflag:s15], $0x4000  }
0x8e: {  	[sflag:s15] =	ssyncset.done $0x0  }
0x8f: {  	[sflag:s15] =	ssyncadd.s32 $0xFFFFC000  }
0x90: {  	[tilespmem:s18], [sflag:$0x2] =	stream.indirect.gather [hbm4b:s1+s16], $0x80, s24, s16, $0xb8;
	[tilespmem:$0x1E800] =	vst v63  }
0x91: {  	_ =	swait.ge [sflag:s19], $0x4000  }
0x92: {  	[sflag:s19] =	ssyncset.done $0x0  }
0x93: {  	[sflag:s19] =	ssyncadd.s32 $0xFFFFC000  }
0x94: {  	[spmem:s2] =	stream.indirect.scatter.add.f32 [tilespmem:s14], [sflag:$0x3], $0x80, s25, s16, $0xb8;
	[tilespmem:$0x1E800] =	vst v63  }
0x95: {  	_ =	swait.ge [sflag:s15], $0x4000  }
0x96: {  	[sflag:s15] =	ssyncset.done $0x0  }
0x97: {  	[sflag:s15] =	ssyncadd.s32 $0xFFFFC000  }
0x98: {  	_ =	swait.ge [sflag:s20], $0x4000  }
0x99: {  	[sflag:s20] =	ssyncset.done $0x0  }
0x9a: {  	[sflag:s20] =	ssyncadd.s32 $0xFFFFC000  }
0x9b: {  	[spmem:s2] =	stream.indirect.scatter.add.f32 [tilespmem:s18], [sflag:$0x3], $0x80, s26, s16, $0xb8;
	[tilespmem:$0x1E800] =	vst v63  }
0x9c: {  	_ =	swait.ge [sflag:s15], $0x4000  }
0x9d: {  	[sflag:s15] =	ssyncset.done $0x0  }
0x9e: {  	s28 =	simm.s32 $0x0;
	[sflag:s15] =	ssyncadd.s32 $0xFFFFC000  }
0x9f: {  	[tilespmem:s28], [sflag:$0x3] =	stream.linear.gather [hbm4b:s11+s28], $0x2800, $0x38;
	[tilespmem:$0x1E800] =	vst v63  }
0xa0: {  	_ =	swait.ge [sflag:s15], $0x2800  }
0xa1: {  	[sflag:s15] =	ssyncset.done $0x0  }
0xa2: {  	[sflag:s15] =	ssyncadd.s32 $0xFFFFD800  }
0xa3: {  	[tilespmem:s14], [sflag:$0x1] =	stream.indirect.gather [hbm4b:s1+s16], $0x80, s28, s16, $0xb8;
	[tilespmem:$0x1E800] =	vst v63  }
0xa4: {  	_ = 	snop  }
0xa5: {  	[tilespmem:s18], [sflag:$0x2] =	stream.indirect.gather [hbm4b:s1+s16], $0x80, s17, s16, $0xb8;
	[tilespmem:$0x1E800] =	vst v63  }
0xa6: {  	_ =	swait.ge [sflag:s19], $0x4000  }
0xa7: {  	[sflag:s19] =	ssyncset.done $0x0  }
0xa8: {  	s28 =	simm.s32 $0x80;
	[sflag:s19] =	ssyncadd.s32 $0xFFFFC000  }
0xa9: {  	[spmem:s2] =	stream.indirect.scatter.add.f32 [tilespmem:s14], [sflag:$0x3], $0x80, s28, s16, $0xb8;
	[tilespmem:$0x1E800] =	vst v63  }
0xaa: {  	_ =	swait.ge [sflag:s15], $0x4000  }
0xab: {  	[sflag:s15] =	ssyncset.done $0x0  }
0xac: {  	s28 =	simm.s32 $0x200;
	[sflag:s15] =	ssyncadd.s32 $0xFFFFC000  }
0xad: {  	[tilespmem:s14], [sflag:$0x1] =	stream.indirect.gather [hbm4b:s1+s16], $0x80, s28, s16, $0xb8;
	[tilespmem:$0x1E800] =	vst v63  }
0xae: {  	_ =	swait.ge [sflag:s20], $0x4000  }
0xaf: {  	[sflag:s20] =	ssyncset.done $0x0  }
0xb0: {  	s28 =	simm.s32 $0x180;
	[sflag:s20] =	ssyncadd.s32 $0xFFFFC000  }
0xb1: {  	[spmem:s2] =	stream.indirect.scatter.add.f32 [tilespmem:s18], [sflag:$0x3], $0x80, s28, s16, $0xb8;
	[tilespmem:$0x1E800] =	vst v63  }
0xb2: {  	_ =	swait.ge [sflag:s15], $0x4000  }
0xb3: {  	[sflag:s15] =	ssyncset.done $0x0  }
0xb4: {  	s28 =	simm.s32 $0x300;
	[sflag:s15] =	ssyncadd.s32 $0xFFFFC000  }
0xb5: {  	[tilespmem:s18], [sflag:$0x2] =	stream.indirect.gather [hbm4b:s1+s16], $0x80, s28, s16, $0xb8;
	[tilespmem:$0x1E800] =	vst v63  }
0xb6: {  	_ =	swait.ge [sflag:s19], $0x4000  }
0xb7: {  	[sflag:s19] =	ssyncset.done $0x0  }
0xb8: {  	s28 =	simm.s32 $0x280;
	[sflag:s19] =	ssyncadd.s32 $0xFFFFC000  }
0xb9: {  	[spmem:s2] =	stream.indirect.scatter.add.f32 [tilespmem:s14], [sflag:$0x3], $0x80, s28, s16, $0xb8;
	[tilespmem:$0x1E800] =	vst v63  }
0xba: {  	_ =	swait.ge [sflag:s15], $0x4000  }
0xbb: {  	[sflag:s15] =	ssyncset.done $0x0  }
0xbc: {  	s28 =	simm.s32 $0x400;
	[sflag:s15] =	ssyncadd.s32 $0xFFFFC000  }
0xbd: {  	[tilespmem:s14], [sflag:$0x1] =	stream.indirect.gather [hbm4b:s1+s16], $0x80, s28, s16, $0xb8;
	[tilespmem:$0x1E800] =	vst v63  }
0xbe: {  	_ =	swait.ge [sflag:s20], $0x4000  }
0xbf: {  	[sflag:s20] =	ssyncset.done $0x0  }
0xc0: {  	s28 =	simm.s32 $0x380;
	[sflag:s20] =	ssyncadd.s32 $0xFFFFC000  }
0xc1: {  	[spmem:s2] =	stream.indirect.scatter.add.f32 [tilespmem:s18], [sflag:$0x3], $0x80, s28, s16, $0xb8;
	[tilespmem:$0x1E800] =	vst v63  }
0xc2: {  	_ =	swait.ge [sflag:s15], $0x4000  }
0xc3: {  	[sflag:s15] =	ssyncset.done $0x0  }
0xc4: {  	s29 =	simm.s32 $0x500;
	s28 =	simm.s32 $0x1000;
	[sflag:s15] =	ssyncadd.s32 $0xFFFFC000  }
.LBB2_6:
0xc5: {  	[tilespmem:s18], [sflag:$0x2] =	stream.indirect.gather [hbm4b:s1+s16], $0x80, s29, s16, $0xb8;
	[tilespmem:$0x1E800] =	vst v63  }
0xc6: {  	s29 =	smov.u32 s28  }
0xc7: {  	p0 =	sne.s32 s28, $0x8000;
	s28 =	sadd.s32 $0x1000, s28;
	_ =	swait.ge [sflag:s19], $0x4000  }
0xc8: {  	s29 =	sshra.s32 s29, $0x2;
	[sflag:s19] =	ssyncset.done $0x0  }
0xc9: {  	s30 =	sadd.s32 $0x80, s29;
	[sflag:s19] =	ssyncadd.s32 $0xFFFFC000  }
0xca: {  	[spmem:s2] =	stream.indirect.scatter.add.f32 [tilespmem:s14], [sflag:$0x3], $0x80, s30, s16, $0xb8;
	[tilespmem:$0x1E800] =	vst v63  }
0xcb: {  	_ =	swait.ge [sflag:s15], $0x4000  }
0xcc: {  	[sflag:s15] =	ssyncset.done $0x0  }
0xcd: {  	s30 =	sadd.s32 $0x200, s29;
	[sflag:s15] =	ssyncadd.s32 $0xFFFFC000  }
0xce: {  	[tilespmem:s14], [sflag:$0x1] =	stream.indirect.gather [hbm4b:s1+s16], $0x80, s30, s16, $0xb8;
	[tilespmem:$0x1E800] =	vst v63  }
0xcf: {  	_ =	swait.ge [sflag:s20], $0x4000  }
0xd0: {  	[sflag:s20] =	ssyncset.done $0x0  }
0xd1: {  	s30 =	sadd.s32 $0x180, s29;
	[sflag:s20] =	ssyncadd.s32 $0xFFFFC000  }
0xd2: {  	[spmem:s2] =	stream.indirect.scatter.add.f32 [tilespmem:s18], [sflag:$0x3], $0x80, s30, s16, $0xb8;
	[tilespmem:$0x1E800] =	vst v63  }
0xd3: {  	_ =	swait.ge [sflag:s15], $0x4000  }
0xd4: {  	[sflag:s15] =	ssyncset.done $0x0  }
0xd5: {  	s30 =	sadd.s32 $0x300, s29;
	[sflag:s15] =	ssyncadd.s32 $0xFFFFC000  }
0xd6: {  	[tilespmem:s18], [sflag:$0x2] =	stream.indirect.gather [hbm4b:s1+s16], $0x80, s30, s16, $0xb8;
	[tilespmem:$0x1E800] =	vst v63  }
0xd7: {  	_ =	swait.ge [sflag:s19], $0x4000  }
0xd8: {  	[sflag:s19] =	ssyncset.done $0x0  }
0xd9: {  	s30 =	sadd.s32 $0x280, s29;
	[sflag:s19] =	ssyncadd.s32 $0xFFFFC000  }
0xda: {  	[spmem:s2] =	stream.indirect.scatter.add.f32 [tilespmem:s14], [sflag:$0x3], $0x80, s30, s16, $0xb8;
	[tilespmem:$0x1E800] =	vst v63  }
0xdb: {  	_ =	swait.ge [sflag:s15], $0x4000  }
0xdc: {  	[sflag:s15] =	ssyncset.done $0x0  }
0xdd: {  	s30 =	sadd.s32 $0x400, s29;
	[sflag:s15] =	ssyncadd.s32 $0xFFFFC000  }
0xde: {  	[tilespmem:s14], [sflag:$0x1] =	stream.indirect.gather [hbm4b:s1+s16], $0x80, s30, s16, $0xb8;
	[tilespmem:$0x1E800] =	vst v63  }
0xdf: {  	_ =	swait.ge [sflag:s20], $0x4000  }
0xe0: {  	[sflag:s20] =	ssyncset.done $0x0  }
.Ltmp2:
0xe1: {  	s30 =	sadd.s32 $0x380, s29;
	[sflag:s20] =	ssyncadd.s32 $0xFFFFC000;
	(pc) =	sbr.rel @p0 .LBB2_6-.Ltmp2, $4  }
0xe2: {  	[spmem:s2] =	stream.indirect.scatter.add.f32 [tilespmem:s18], [sflag:$0x3], $0x80, s30, s16, $0xb8;
	[tilespmem:$0x1E800] =	vst v63  }
0xe3: {  	_ =	swait.ge [sflag:s15], $0x4000  }
0xe4: {  	[sflag:s15] =	ssyncset.done $0x0  }
0xe5: {  	s29 =	sadd.s32 $0x500, s29;
	[sflag:s15] =	ssyncadd.s32 $0xFFFFC000  }
0xe6: {  	[tilespmem:s18], [sflag:$0x2] =	stream.indirect.gather [hbm4b:s1+s16], $0x80, s29, s16, $0xb8;
	[tilespmem:$0x1E800] =	vst v63  }
0xe7: {  	_ =	swait.ge [sflag:s19], $0x4000  }
0xe8: {  	[sflag:s19] =	ssyncset.done $0x0  }
0xe9: {  	[sflag:s19] =	ssyncadd.s32 $0xFFFFC000  }
0xea: {  	[spmem:s2] =	stream.indirect.scatter.add.f32 [tilespmem:s14], [sflag:$0x3], $0x80, s21, s16, $0xb8;
	[tilespmem:$0x1E800] =	vst v63  }
0xeb: {  	_ =	swait.ge [sflag:s15], $0x4000  }
0xec: {  	[sflag:s15] =	ssyncset.done $0x0  }
0xed: {  	[sflag:s15] =	ssyncadd.s32 $0xFFFFC000  }
0xee: {  	[tilespmem:s14], [sflag:$0x1] =	stream.indirect.gather [hbm4b:s1+s16], $0x80, s22, s16, $0xb8;
	[tilespmem:$0x1E800] =	vst v63  }
0xef: {  	_ =	swait.ge [sflag:s20], $0x4000  }
0xf0: {  	[sflag:s20] =	ssyncset.done $0x0  }
0xf1: {  	[sflag:s20] =	ssyncadd.s32 $0xFFFFC000  }
0xf2: {  	[spmem:s2] =	stream.indirect.scatter.add.f32 [tilespmem:s18], [sflag:$0x3], $0x80, s23, s16, $0xb8;
	[tilespmem:$0x1E800] =	vst v63  }
0xf3: {  	_ =	swait.ge [sflag:s15], $0x4000  }
0xf4: {  	[sflag:s15] =	ssyncset.done $0x0  }
0xf5: {  	[sflag:s15] =	ssyncadd.s32 $0xFFFFC000  }
0xf6: {  	[tilespmem:s18], [sflag:$0x2] =	stream.indirect.gather [hbm4b:s1+s16], $0x80, s24, s16, $0xb8;
	[tilespmem:$0x1E800] =	vst v63  }
0xf7: {  	_ =	swait.ge [sflag:s19], $0x4000  }
0xf8: {  	[sflag:s19] =	ssyncset.done $0x0  }
0xf9: {  	[sflag:s19] =	ssyncadd.s32 $0xFFFFC000  }
0xfa: {  	[spmem:s2] =	stream.indirect.scatter.add.f32 [tilespmem:s14], [sflag:$0x3], $0x80, s25, s16, $0xb8;
	[tilespmem:$0x1E800] =	vst v63  }
0xfb: {  	_ =	swait.ge [sflag:s15], $0x4000  }
0xfc: {  	[sflag:s15] =	ssyncset.done $0x0  }
0xfd: {  	[sflag:s15] =	ssyncadd.s32 $0xFFFFC000  }
0xfe: {  	_ =	swait.ge [sflag:s20], $0x4000  }
0xff: {  	[sflag:s20] =	ssyncset.done $0x0  }
0x100: {  	[sflag:s20] =	ssyncadd.s32 $0xFFFFC000  }
0x101: {  	[spmem:s2] =	stream.indirect.scatter.add.f32 [tilespmem:s18], [sflag:$0x3], $0x80, s26, s16, $0xb8;
	[tilespmem:$0x1E800] =	vst v63  }
0x102: {  	_ =	swait.ge [sflag:s15], $0x4000  }
0x103: {  	s28 =	sshll.u32 s3, $0x6;
	s4 =	sadd.s32 $0x1, s4;
	[sflag:s15] =	ssyncset.done $0x0  }
0x104: {  	s31 =	sshrl.u32 s5, $0x3;
	p0 =	sne.s32 s4, s13;
	[sflag:s15] =	ssyncadd.s32 $0xFFFFC000  }
.Ltmp3:
0x105: {  	s28 =	sor.u32 $0x1C03, s28;
	[bflag:$0x0] =	sbarrier.arrive $0xFFFF;
	(pc) =	sbr.rel @p0 .LBB2_1-.Ltmp3, $4  }
0x106: {  	[hbm:s12], [sflag:s28] =	dma.local [spmem:s31], $0x2800  }
0x107: {  	_ =	swait.ge [sflag:s15], $0x2800  }
0x108: {  	[sflag:s15] =	ssyncset.done $0x0  }
0x109: {  	[sflag:s15] =	ssyncadd.s32 $0xFFFFD800  }
0x10a: {  	_ =	sfence.sel $0x180000  }
0x10b: {  	[bflag:$0x0] =	sbarrier.arrive $0xFFFF  }
0x10c: {  	p0 =	sne.s32 s3, $0x0;
	_ =	strace $0x9000004D  }
0x10d: {  	s0 =	sadd.s32 @!p0 $0x100000, s0;
	[bflag:$0x2] =	sbarrier.arrive $0xFFFF  }
0x10e: {  	[sflag:s0] =	ssyncadd.tile.s32 @!p0 $0x1;
	_ =	shalt  }
.Lfunc_end2:
_tile_overlayer_lowered:
.L_overlay_start_2:
0x10f: {  	(tag) =	ssettag $0x2  }
0x110: {  	s0 =	rddreg [dreg:$0x0];
	s2 =	stileid.u32  }
0x111: {  	s1 =	rddreg [dreg:$0x1];
	p0 =	sne.s32 s2, $0x0  }
0x112: {  	s3 =	rddreg [dreg:$0x2];
	[bflag:$0x3] =	sbarrier.arrive $0xFFFF;
	s2 =	simm.s32 @!p0 $0x1C03  }
0x113: {  	[timem:s3], [sflag:s2] =	dma.local @!p0 [hbm:s0], s1  }
0x114: {  	s0 =	simm.s32 @!p0 $0x3  }
0x115: {  	_ =	swait.ge @!p0 [sflag:s0], s1  }
0x116: {  	s1 =	ssub.s32 @!p0 $0x0, s1;
	[sflag:s0] =	ssyncset.done @!p0 $0x0  }
0x117: {  	[sflag:s0] =	ssyncadd.s32 @!p0 s1  }
0x118: {  	[bflag:$0x3] =	sbarrier.arrive $0xFFFF  }
0x119: {  	_ =	shalt  }

// kernel: kernel.9.cloned.1.call-start
scs
__scs_entry_jumppad:
0x0: {  	(pc) =	sbr.rel $0x88, $3  }
0x1: {  	(tag) =	ssettag $0x0;
	lr =	simm.s32 $0x1  }
0x2: {  	[smem:$0x3F9B] =	sst lr;
	_ =	strace $0xD0000000  }
0x3: {  	_ = 	snop  }
0x4: {  	_ = 	snop  }
0x5: {  	_ = 	snop  }
0x6: {  	_ = 	snop  }
0x7: {  	_ = 	snop  }
__scs_overlays_trampoline_lowered:
0x8: {  	[smem:$0x3FAA] =	sst s0  }
0x9: {  	[smem:$0x3FAB] =	sst s1  }
0xa: {  	[smem:$0x3FAC] =	sst s2  }
0xb: {  	[smem:$0x3FAD] =	sst s3  }
0xc: {  	[smem:$0x3FAE] =	sst s4  }
0xd: {  	[smem:$0x3FAF] =	sst s5  }
0xe: {  	[smem:$0x3FB0] =	sst s6  }
0xf: {  	[smem:$0x3FB1] =	sst s7  }
0x10: {  	[smem:$0x3FB2] =	sst s8  }
0x11: {  	[smem:$0x3FB3] =	sst s9;
	s0 =	simm.s32 @!p0 $0x0  }
0x12: {  	s1 =	sld [smem:$0x3F99];
	s0 =	simm.s32 @p0 $0x1  }
0x13: {  	[smem:$0x3FB4] =	sst s0;
	s0 =	simm.s32 @!p1 $0x0  }
0x14: {  	s2 =	sld [smem:$0x3F98];
	s0 =	simm.s32 @p1 $0x1  }
0x15: {  	[smem:$0x3FB5] =	sst s0;
	s0 =	simm.s32 @!p2 $0x0  }
0x16: {  	s3 =	sld [smem:$0x3FDB];
	s0 =	simm.s32 @p2 $0x1  }
0x17: {  	s4 =	simm.s32 $0x1BF5;
	[smem:$0x3FB7] =	sst s0  }
0x18: {  	s0 =	sld [smem:$0x3F9A];
	_ =	swait.ge [sflag:s4], $0x0  }
0x19: {  	s7 =	sld [smem:$0x3F9B]  }
0x1a: {  	s8 =	sadd.s32 $0xFFFFE003, lr  }
0x1b: {  	s9 =	sadd.s32 $0xFFFFFEF7, lr;
	s5 =	simm.s32 $0xFFFFFFFF;
	p2 =	slt.u32 s8, $0xFFFFF086  }
0x1c: {  	p1 =	slt.u32 s9, $0xF7A;
	s5 =	simm.s32 @!p2 $0x0  }
0x1d: {  	s5 =	simm.s32 @p1 $0x1;
	p0 =	seq.s32 s7, s2  }
0x1e: {  	s7 =	smul.u32 @!p0 $0xF7A, s2;
	p2 =	seq.s32 @!p0 s5, $0x0  }
0x1f: {  	s9 =	smul.u32 $0xF7A, s1;
	s8 =	simm.s32 @!p0 $0x1BF5;
	p2 =	por !p2, p0  }
0x20: {  	[sflag:s8] =	ssyncset.s32 @!p0 $0xFFFFF086;
	s6 =	sadd.s32 @!p0 s3, s7;
	s7 =	simm.s32 @!p0 $0x108  }
0x21: {  	s3 =	sadd.s32 s3, s9;
	s6 =	sadd.s32 @!p0 $0x88, s6;
	s7 =	simm.s32 @p2 $0x1082  }
0x22: {  	[simem:s7], [sflag:s8] =	dma.local @!p0 [hbm:s6], $0xF7A  }
0x23: {  	s9 =	sor.u32 $0xD0000000, s2;
	s6 =	simm.s32 $0x108;
	_ =	swait.ge @!p0 [sflag:s8], $0x0  }
0x24: {  	s3 =	sadd.s32 $0x88, s3;
	s6 =	simm.s32 @!p1 $0x1082;
	[sflag:s4] =	ssyncset.s32 $0xFFFFF086  }
0x25: {  	[simem:s6], [sflag:s4] =	dma.local [hbm:s3], $0xF7A  }
0x26: {  	[smem:$0x3F9B] =	sst s1;
	(tag) =	ssettag s2;
	_ =	strace s9  }
0x27: {  	s1 =	sld [smem:$0x3FAB]  }
0x28: {  	s2 =	sld [smem:$0x3FAC]  }
0x29: {  	s4 =	sld [smem:$0x3FAE]  }
0x2a: {  	p0 =	seq.s32 s5, $0x0;
	s5 =	sld [smem:$0x3FAF]  }
0x2b: {  	s6 =	sld [smem:$0x3FB0]  }
0x2c: {  	s7 =	sld [smem:$0x3FB1]  }
0x2d: {  	s3 =	simm.s32 $0x108;
	s8 =	sld [smem:$0x3FB2]  }
0x2e: {  	s3 =	simm.s32 @!p0 $0x1082;
	s9 =	sld [smem:$0x3FB3]  }
0x2f: {  	lr =	sadd.s32 s0, s3;
	s0 =	sld [smem:$0x3FAA]  }
0x30: {  	s3 =	sld [smem:$0x3FAD]  }
0x31: {  	[smem:$0x3FB6] =	sst s10  }
0x32: {  	s10 =	sld [smem:$0x3FB4];
	_ =	sdelay $0x3  }
0x33: {  	p0 =	seq.s32 s10, $0x1;
	s10 =	sld [smem:$0x3FB6];
	_ =	sdelay $0x3  }
0x34: {  	[smem:$0x3FB6] =	sst s10  }
0x35: {  	s10 =	sld [smem:$0x3FB5];
	_ =	sdelay $0x3  }
0x36: {  	p1 =	seq.s32 s10, $0x1;
	s10 =	sld [smem:$0x3FB6];
	_ =	sdelay $0x3  }
0x37: {  	[smem:$0x3FB6] =	sst s10  }
0x38: {  	s10 =	sld [smem:$0x3FB7]  }
0x39: {  	_ = 	snop;
	(pc) =	sbr.ind lr, $3  }
0x3a: {  	_ = 	snop  }
0x3b: {  	_ = 	snop  }
0x3c: {  	p2 =	seq.s32 s10, $0x1;
	s10 =	sld [smem:$0x3FB6]  }
0x3d: {  	_ =	shalt  }
0x3e: {  	_ =	shalt  }
0x3f: {  	_ =	shalt  }
0x40: {  	_ =	shalt  }
0x41: {  	_ =	shalt  }
0x42: {  	_ =	shalt  }
0x43: {  	_ =	shalt  }
0x44: {  	_ =	shalt  }
0x45: {  	_ =	shalt  }
0x46: {  	_ =	shalt  }
0x47: {  	_ =	shalt  }
0x48: {  	_ =	shalt  }
0x49: {  	_ =	shalt  }
0x4a: {  	_ =	shalt  }
0x4b: {  	_ =	shalt  }
0x4c: {  	_ =	shalt  }
0x4d: {  	_ =	shalt  }
0x4e: {  	_ =	shalt  }
0x4f: {  	_ =	shalt  }
0x50: {  	_ =	shalt  }
0x51: {  	_ =	shalt  }
0x52: {  	_ =	shalt  }
0x53: {  	_ =	shalt  }
0x54: {  	_ =	shalt  }
0x55: {  	_ =	shalt  }
0x56: {  	_ =	shalt  }
0x57: {  	_ =	shalt  }
0x58: {  	_ =	shalt  }
0x59: {  	_ =	shalt  }
0x5a: {  	_ =	shalt  }
0x5b: {  	_ =	shalt  }
0x5c: {  	_ =	shalt  }
0x5d: {  	_ =	shalt  }
0x5e: {  	_ =	shalt  }
0x5f: {  	_ =	shalt  }
0x60: {  	_ =	shalt  }
0x61: {  	_ =	shalt  }
0x62: {  	_ =	shalt  }
0x63: {  	_ =	shalt  }
0x64: {  	_ =	shalt  }
0x65: {  	_ =	shalt  }
0x66: {  	_ =	shalt  }
0x67: {  	_ =	shalt  }
0x68: {  	_ =	shalt  }
0x69: {  	_ =	shalt  }
0x6a: {  	_ =	shalt  }
0x6b: {  	_ =	shalt  }
0x6c: {  	_ =	shalt  }
0x6d: {  	_ =	shalt  }
0x6e: {  	_ =	shalt  }
0x6f: {  	_ =	shalt  }
0x70: {  	_ =	shalt  }
0x71: {  	_ =	shalt  }
0x72: {  	_ =	shalt  }
0x73: {  	_ =	shalt  }
0x74: {  	_ =	shalt  }
0x75: {  	_ =	shalt  }
0x76: {  	_ =	shalt  }
0x77: {  	_ =	shalt  }
0x78: {  	_ =	shalt  }
0x79: {  	_ =	shalt  }
0x7a: {  	_ =	shalt  }
0x7b: {  	_ =	shalt  }
0x7c: {  	_ =	shalt  }
0x7d: {  	_ =	shalt  }
0x7e: {  	_ =	shalt  }
0x7f: {  	_ =	shalt  }
0x80: {  	_ =	shalt  }
0x81: {  	_ =	shalt  }
0x82: {  	_ =	shalt  }
0x83: {  	_ =	shalt  }
0x84: {  	_ =	shalt  }
0x85: {  	_ =	shalt  }
0x86: {  	_ =	shalt  }
0x87: {  	_ =	shalt  }
.Lfunc_end0:
.L_simem_size_0:
called_computation_lowered:
.L_overlay_start_0:
0x88: {  	s2 =	sld [smem:$0x3FD9]  }
0x89: {  	s3 =	sld [smem:$0x3FFE];
	_ =	sdelay $0x1  }
0x8a: {  	s1 =	srdreg.scid  }
0x8b: {  	s0 =	sand.u32 $0x1, s1  }
0x8c: {  	s17 =	sshll.u32 s0, $0xA;
	s2 =	sadd.s32 s3, s2  }
0x8d: {  	s2 =	sadd.s32 s2, s17  }
0x8e: {  	[smem:$0x3FC2] =	sst s2  }
0x8f: {  	_ = 	snop  }
0x90: {  	s2 =	sld [smem:$0x3FD0];
	(tm) =	ssettm $0x1  }
0x91: {  	s18 =	sld [smem:$0x3FFB];
	_ =	sdelay $0x3  }
0x92: {  	_ =	strace s18  }
0x93: {  	s3 =	sld [smem:$0x3FFC];
	_ =	sdelay $0x3  }
0x94: {  	_ =	strace s3  }
0x95: {  	s3 =	sld [smem:$0x3FFD];
	_ =	sdelay $0x3  }
0x96: {  	_ =	strace s3  }
0x97: {  	_ =	strace $0x8FFFFFFF  }
0x98: {  	s19 =	sld [smem:$0x3FDB];
	_ =	sdelay $0x1  }
0x99: {  	s4 =	simm.s32 $_scs_section_size  }
0x9a: {  	s5 =	simm.s32 $_size__tile_overlayer_lowered;
	s6 =	simm.s32 $_tile_overlayer_lowered  }
0x9b: {  	s22 =	simm.s32 $0x1BFF;
	s21 =	sshll.u32 s6, $0x1;
	s3 =	sadd.s32 s4, s19  }
0x9c: {  	s7 =	simm.s32 $0x0;
	s20 =	sshll.u32 s5, $0x1;
	s5 =	sadd.s32 s21, s3  }
0x9d: {  	[timem:s7], [sflag:s22] =	dma.local [hbm:s5], s20  }
0x9e: {  	_ =	swait.ge [sflag:s22], s20  }
0x9f: {  	s4 =	ssub.s32 $0x0, s20;
	[sflag:s22] =	ssyncset.done $0x0  }
0xa0: {  	[sflag:s22] =	ssyncadd.s32 s4;
	_ =	sdelay $0x1  }
0xa1: {  	s23 =	simm.s32 $0x1B8B  }
0xa2: {  	_ =	swait.ge [sflag:s23], $0x1  }
0xa3: {  	[sflag:s23] =	ssyncset.done $0x0  }
0xa4: {  	s25 =	simm.s32 $0x1B8E;
	s24 =	sld [smem:$0x3FFE];
	[sflag:s23] =	ssyncadd.s32 $0xFFFFFFFF  }
0xa5: {  	s26 =	simm.s32 $execute0_lowered;
	[smem:$0x3FD2] =	sst s25  }
0xa6: {  	s5 =	sshll.u32 s26, $0x1;
	_ =	strace $0x80000046;
	[dreg:$0x1] =	wrdreg $0xFFFFFFFF  }
0xa7: {  	s28 =	simm.s32 $_size_execute0_lowered;
	s3 =	sadd.s32 s3, s5;
	[dreg:$0x0] =	wrdreg $0x0  }
0xa8: {  	s5 =	sshll.u32 s28, $0x1;
	[dreg:$0x2] =	wrdreg s3  }
0xa9: {  	[dreg:$0x3] =	wrdreg s5  }
0xaa: {  	[dreg:$0x4] =	wrdreg $0xC0  }
0xab: {  	_ =	task [dreg:s7], $0x5FFFF  }
0xac: {  	[dreg:$0x1] =	wrdreg $0xFFFFFFFF  }
0xad: {  	[dreg:$0x0] =	wrdreg $0x60  }
0xae: {  	[dreg:$0x2] =	wrdreg s24  }
0xaf: {  	[dreg:$0x3] =	wrdreg s2  }
0xb0: {  	[dreg:$0x4] =	wrdreg $0x64800  }
0xb1: {  	[dreg:$0x5] =	wrdreg $0x9  }
0xb2: {  	_ =	task.clear_ibuf [dreg:s7], $0x6FFFF;
	_ =	strace $0x90000046  }
0xb3: {  	s29 =	simm.s32 $0x9;
	_ =	strace $0x80000048  }
0xb4: {  	_ =	swait.ge [sflag:s29], $0x1  }
0xb5: {  	[sflag:s29] =	ssyncadd.s32 $0xFFFFFFFF  }
0xb6: {  	_ =	strace $0x90000048  }
0xb7: {  	_ =	sfence  }
0xb8: {  	s30 =	sld [smem:$0x0];
	_ =	sdelay $0x2  }
0xb9: {  	s31 =	sshll.u32 s1, $0xD;
	s1 =	sshrl.u32 s1, $0x2  }
0xba: {  	s3 =	sand.u32 $0x4000, s31;
	s1 =	sadd.s32 s1, s30  }
0xbb: {  	s0 =	sor.u32 s3, s0;
	s1 =	sshll.u32 s1, $0x11  }
0xbc: {  	s0 =	sor.u32 s1, s0  }
0xbd: {  	s0 =	sadd.s32 $0x8F2B, s0  }
0xbe: {  	[sflag:s0] =	ssyncadd.remote.s32 $0x1  }
0xbf: {  	_ =	sfence.sel $0xFFFF  }
0xc0: {  	[dreg:$0x0] =	wrdreg $0xFFFFFFFF;
	(pc) =	sbr.abs _section_cstart, $3  }
0xc1: {  	[dreg:$0x1] =	wrdreg $0xFFFFFFFF  }
0xc2: {  	_ =	task.clear_ibuf [dreg:s7], $0x2FFFF;
	_ =	strace $0x9FFFFFFF  }
0xc3: {  	(tm) =	ssettm $0x7FFFFFFF  }
tec
execute0_lowered:
.L_overlay_start_1:
0x0: {  	(tag) =	ssettag $0x1  }
0x1: {  	s5 =	rddreg [dreg:$0x0]  }
0x2: {  	s2 =	rddreg [dreg:$0x1];
	s1 =	srdreg.scid  }
0x3: {  	s0 =	stileid.u32;
	s3 =	rddreg [dreg:$0x2]  }
0x4: {  	s4 =	simm.s32 $0x0;
	s11 =	simm.s32 $0x6400;
	s15 =	simm.s32 $0x0  }
0x5: {  	s7 =	sand.u32 $0x1, s1;
	s6 =	sshll.u32 s0, $0x1;
	s1 =	rddreg [dreg:$0x3]  }
0x6: {  	[smem:$0x7FF] =	sst s4;
	p1 =	seq.s32 s0, $0x0;
	p2 =	sgt.u32 s0, $0x1  }
0x7: {  	s6 =	sor.u32 s7, s6;
	_ =	strace $0x80000047;
	s8 =	ssub.s32 $0x2, s7  }
0x8: {  	p0 =	seq.s32 s7, $0x1;
	s6 =	smul.u32 $0xA00, s6;
	s9 =	sshrl.u32 s8, $0x1  }
0x9: {  	s10 =	sor.u32 s7, s0;
	p0 =	por !p1, !p0;
	s8 =	ssub.s32 s8, s9  }
0xa: {  	s9 =	simm.s32 $0x0;
	p0 =	por !p0, !p0;
	s6 =	sadd.s32 s6, s5  }
0xb: {  	s5 =	sadd.s32 $0x16A00, s5;
	s9 =	simm.s32 @!p1 $0x1400;
	s7 =	smax.u32 s8, $0x1  }
0xc: {  	p1 =	sne.s32 s10, $0x0;
	s10 =	simm.s32 $0x80;
	s14 =	sshrl.u32 @p0 s3, $0x3  }
0xd: {  	s6 =	sadd.s32 $0x2A00, s6;
	s8 =	sadd.s32 s9, s3;
	s12 =	sshll.u32 @!p1 s0, $0x6  }
0xe: {  	v0 =	vimm.f32 $5.000000000e-01;
	v1 =	vimm.f32 $1.000000000e+00;
	s9 =	simm.s32 $0x1;
	s13 =	sshrl.u32 @!p1 s3, $0x3;
	s12 =	sor.u32 @!p1 $0x1C01, s12  }
.LBB2_1:
0xf: {  	s16 =	simm.s32 $0x40;
	s17 =	simm.s32 $0x0  }
.LBB2_2:
0x10: {  	p3 =	sne.s32 s16, $0x4FC0;
	[tilespmem:s17+$0x5000] =	vst v0;
	s17 =	smov.u32 s16;
	s16 =	sadd.s32 $0x40, s16  }
.Ltmp0:
0x11: {  	(pc) =	sbr.rel @p3 .LBB2_2-.Ltmp0, $2  }
0x12: {  	_ =	sdelay $0x2  }
0x13: {  	s17 =	sshra.s32 s17, $0x2  }
0x14: {  	[tilespmem:s17+$0x5000] =	vst v0  }
0x15: {  	[tilespmem:$0x6400] =	vst v1  }
0x16: {  	[tilespmem:$0x6410] =	vst v1  }
0x17: {  	[tilespmem:$0x6420] =	vst v1  }
0x18: {  	[tilespmem:$0x6430] =	vst v1  }
0x19: {  	[tilespmem:$0x6440] =	vst v1  }
0x1a: {  	[tilespmem:$0x6450] =	vst v1  }
0x1b: {  	[tilespmem:$0x6460] =	vst v1  }
0x1c: {  	s16 =	simm.s32 @!p2 $0x5000;
	[tilespmem:$0x6470] =	vst v1  }
0x1d: {  	[spmem:s8] =	stream.linear.scatter @!p2 [tilespmem:s16], [sflag:$0x1], $0x1400, $0x38;
	[tilespmem:$0x6700] =	vst v63  }
0x1e: {  	s16 =	simm.s32 @!p2 $0x1  }
0x1f: {  	_ =	swait.ge @!p2 [sflag:s16], $0x1400  }
0x20: {  	[sflag:s16] =	ssyncset.done @!p2 $0x0  }
0x21: {  	[sflag:s16] =	ssyncadd.s32 @!p2 $0xFFFFEC00  }
0x22: {  	[tilespmem:s4], [sflag:$0x1] =	stream.linear.gather [hbm4b:s6+s4], $0x5000, $0x38;
	[tilespmem:$0x6700] =	vst v63  }
0x23: {  	_ =	swait.ge [sflag:s9], $0x5000  }
0x24: {  	[sflag:s9] =	ssyncset.done $0x0  }
0x25: {  	[sflag:s9] =	ssyncadd.s32 $0xFFFFB000  }
0x26: {  	s28 =	simm.s32 $0x80;
	[bflag:$0x0] =	sbarrier.arrive $0xFFFF  }
0x27: {  	[spmem:s3] =	stream.indirect.scatter.add.f32 [tilespmem:s11], [sflag:$0x1], $0x1, s28, s10, $0xb8;
	[tilespmem:$0x6700] =	vst v63  }
0x28: {  	_ =	swait.ge [sflag:s9], $0x80  }
0x29: {  	[sflag:s9] =	ssyncset.done $0x0  }
0x2a: {  	s29 =	simm.s32 $0x180;
	[sflag:s9] =	ssyncadd.s32 $0xFFFFFF80  }
0x2b: {  	[spmem:s3] =	stream.indirect.scatter.add.f32 [tilespmem:s11], [sflag:$0x1], $0x1, s29, s10, $0xb8;
	[tilespmem:$0x6700] =	vst v63  }
0x2c: {  	_ =	swait.ge [sflag:s9], $0x80  }
0x2d: {  	[sflag:s9] =	ssyncset.done $0x0  }
0x2e: {  	s30 =	simm.s32 $0x280;
	[sflag:s9] =	ssyncadd.s32 $0xFFFFFF80  }
0x2f: {  	[spmem:s3] =	stream.indirect.scatter.add.f32 [tilespmem:s11], [sflag:$0x1], $0x1, s30, s10, $0xb8;
	[tilespmem:$0x6700] =	vst v63  }
0x30: {  	_ =	swait.ge [sflag:s9], $0x80  }
0x31: {  	[sflag:s9] =	ssyncset.done $0x0  }
0x32: {  	s31 =	simm.s32 $0x380;
	[sflag:s9] =	ssyncadd.s32 $0xFFFFFF80  }
0x33: {  	[spmem:s3] =	stream.indirect.scatter.add.f32 [tilespmem:s11], [sflag:$0x1], $0x1, s31, s10, $0xb8;
	[tilespmem:$0x6700] =	vst v63  }
0x34: {  	_ =	swait.ge [sflag:s9], $0x80  }
0x35: {  	s17 =	simm.s32 $0xFFFEE000;
	s16 =	simm.s32 $0xFFFFB400;
	[sflag:s9] =	ssyncset.done $0x0  }
.LBB2_4:
0x36: {  	s18 =	sadd.s32 $0x5080, s16  }
0x37: {  	[sflag:s9] =	ssyncadd.s32 $0xFFFFFF80;
	s19 =	smov.u32 s17;
	s20 =	sadd.s32 $0x1000, s17  }
0x38: {  	[spmem:s3] =	stream.indirect.scatter.add.f32 [tilespmem:s11], [sflag:$0x1], $0x1, s18, s10, $0xb8;
	[tilespmem:$0x6700] =	vst v63  }
0x39: {  	p3 =	sne.s32 s17, $0xFFFFF000;
	_ =	swait.ge [sflag:s9], $0x80  }
0x3a: {  	[sflag:s9] =	ssyncset.done $0x0  }
0x3b: {  	s17 =	sadd.s32 $0x5180, s16;
	[sflag:s9] =	ssyncadd.s32 $0xFFFFFF80  }
0x3c: {  	[spmem:s3] =	stream.indirect.scatter.add.f32 [tilespmem:s11], [sflag:$0x1], $0x1, s17, s10, $0xb8;
	[tilespmem:$0x6700] =	vst v63  }
0x3d: {  	_ =	swait.ge [sflag:s9], $0x80  }
0x3e: {  	[sflag:s9] =	ssyncset.done $0x0  }
0x3f: {  	s17 =	sadd.s32 $0x5280, s16;
	[sflag:s9] =	ssyncadd.s32 $0xFFFFFF80  }
0x40: {  	[spmem:s3] =	stream.indirect.scatter.add.f32 [tilespmem:s11], [sflag:$0x1], $0x1, s17, s10, $0xb8;
	[tilespmem:$0x6700] =	vst v63  }
0x41: {  	_ =	swait.ge [sflag:s9], $0x80  }
.Ltmp1:
0x42: {  	[sflag:s9] =	ssyncset.done $0x0;
	(pc) =	sbr.rel @p3 .LBB2_4-.Ltmp1, $4  }
0x43: {  	s16 =	sadd.s32 $0x5380, s16;
	[sflag:s9] =	ssyncadd.s32 $0xFFFFFF80  }
0x44: {  	[spmem:s3] =	stream.indirect.scatter.add.f32 [tilespmem:s11], [sflag:$0x1], $0x1, s16, s10, $0xb8;
	[tilespmem:$0x6700] =	vst v63  }
0x45: {  	_ =	swait.ge [sflag:s9], $0x80  }
0x46: {  	s17 =	smov.u32 s20;
	s16 =	sshra.s32 s19, $0x2;
	[sflag:s9] =	ssyncset.done $0x0  }
0x47: {  	s17 =	sadd.s32 $0x5080, s16;
	[sflag:s9] =	ssyncadd.s32 $0xFFFFFF80  }
0x48: {  	[spmem:s3] =	stream.indirect.scatter.add.f32 [tilespmem:s11], [sflag:$0x1], $0x1, s17, s10, $0xb8;
	[tilespmem:$0x6700] =	vst v63  }
0x49: {  	_ =	swait.ge [sflag:s9], $0x80  }
0x4a: {  	[sflag:s9] =	ssyncset.done $0x0  }
0x4b: {  	s29 =	sadd.s32 $0x5180, s16;
	[sflag:s9] =	ssyncadd.s32 $0xFFFFFF80  }
0x4c: {  	[spmem:s3] =	stream.indirect.scatter.add.f32 [tilespmem:s11], [sflag:$0x1], $0x1, s29, s10, $0xb8;
	[tilespmem:$0x6700] =	vst v63  }
0x4d: {  	_ =	swait.ge [sflag:s9], $0x80  }
0x4e: {  	[sflag:s9] =	ssyncset.done $0x0  }
0x4f: {  	s30 =	sadd.s32 $0x5280, s16;
	[sflag:s9] =	ssyncadd.s32 $0xFFFFFF80  }
0x50: {  	[spmem:s3] =	stream.indirect.scatter.add.f32 [tilespmem:s11], [sflag:$0x1], $0x1, s30, s10, $0xb8;
	[tilespmem:$0x6700] =	vst v63  }
0x51: {  	_ =	swait.ge [sflag:s9], $0x80  }
0x52: {  	[sflag:s9] =	ssyncset.done $0x0  }
0x53: {  	s31 =	sadd.s32 $0x5380, s16;
	[sflag:s9] =	ssyncadd.s32 $0xFFFFFF80  }
0x54: {  	[spmem:s3] =	stream.indirect.scatter.add.f32 [tilespmem:s11], [sflag:$0x1], $0x1, s31, s10, $0xb8;
	[tilespmem:$0x6700] =	vst v63  }
0x55: {  	_ =	swait.ge [sflag:s9], $0x80  }
0x56: {  	[sflag:s9] =	ssyncset.done $0x0  }
0x57: {  	[sflag:s9] =	ssyncadd.s32 $0xFFFFFF80  }
0x58: {  	s16 =	simm.s32 @!p1 $0x1;
	[bflag:$0x0] =	sbarrier.arrive $0xFFFF  }
0x59: {  	[hbm:s2], [sflag:s12] =	dma.local @!p1 [spmem:s13], $0x500  }
0x5a: {  	_ =	swait.ge @!p1 [sflag:s16], $0x500  }
0x5b: {  	s15 =	sadd.s32 $0x1, s15;
	[sflag:s16] =	ssyncset.done @!p1 $0x0  }
0x5c: {  	p3 =	sne.s32 s15, s7;
	[sflag:s16] =	ssyncadd.s32 @!p1 $0xFFFFFB00;
	s16 =	simm.s32 @p0 $0x1C01  }
0x5d: {  	[hbm:s5], [sflag:s16] =	dma.local @p0 [spmem:s14], $0x500  }
.Ltmp2:
0x5e: {  	_ = 	snop;
	(pc) =	sbr.rel @p3 .LBB2_1-.Ltmp2, $4  }
0x5f: {  	s16 =	simm.s32 @p0 $0x1  }
0x60: {  	_ =	swait.ge @p0 [sflag:s16], $0x500  }
0x61: {  	[sflag:s16] =	ssyncset.done @p0 $0x0  }
0x62: {  	[sflag:s16] =	ssyncadd.s32 @p0 $0xFFFFFB00  }
0x63: {  	_ =	sfence.sel $0x180000  }
0x64: {  	[bflag:$0x0] =	sbarrier.arrive $0xFFFF  }
0x65: {  	p0 =	sne.s32 s0, $0x0;
	_ =	strace $0x90000047  }
0x66: {  	s0 =	sadd.s32 @!p0 $0x100000, s1;
	[bflag:$0x2] =	sbarrier.arrive $0xFFFF  }
0x67: {  	[sflag:s0] =	ssyncadd.tile.s32 @!p0 $0x1;
	_ =	shalt  }
.Lfunc_end2:
_tile_overlayer_lowered:
.L_overlay_start_2:
0x68: {  	(tag) =	ssettag $0x2  }
0x69: {  	s0 =	rddreg [dreg:$0x0];
	s2 =	stileid.u32  }
0x6a: {  	s1 =	rddreg [dreg:$0x1];
	p0 =	sne.s32 s2, $0x0  }
0x6b: {  	s3 =	rddreg [dreg:$0x2];
	[bflag:$0x3] =	sbarrier.arrive $0xFFFF;
	s2 =	simm.s32 @!p0 $0x1C01  }
0x6c: {  	[timem:s3], [sflag:s2] =	dma.local @!p0 [hbm:s0], s1  }
0x6d: {  	s0 =	simm.s32 @!p0 $0x1  }
0x6e: {  	_ =	swait.ge @!p0 [sflag:s0], s1  }
0x6f: {  	s1 =	ssub.s32 @!p0 $0x0, s1;
	[sflag:s0] =	ssyncset.done @!p0 $0x0  }
0x70: {  	[sflag:s0] =	ssyncadd.s32 @!p0 s1  }
0x71: {  	[bflag:$0x3] =	sbarrier.arrive $0xFFFF  }
0x72: {  	_ =	shalt  }

</sc_bundles>
